<compile_context>
chip_gen: v7x
topology: tpu7x:2x2x1
jax: 0.10.2.dev20260603
libtpu: 0.0.44.dev20260713+nightly
codegen_flags: <defaults>
</compile_context>

<pallas_src>
import functools

import jax
import jax.numpy as jnp
from jax import lax
from jax.experimental import pallas as pl
from jax.experimental.pallas import tpu as pltpu
from jax.experimental.pallas import tpu_sc as plsc

N = 10000
E = 320000
D = 128
EPS = 1e-5

NC = 2
NS = 16
NW = NC * NS
EPW = E // NW
CH = 80
NCH = EPW // CH
RPT = 632
NP = NS * RPT

_sc_mesh = plsc.VectorSubcoreMesh(core_axis_name="c", subcore_axis_name="s")

NB1 = 3
NB3 = 4


@functools.partial(
    pl.kernel,
    mesh=_sc_mesh,
    out_type=jax.ShapeDtypeStruct((NC, NP, D), jnp.float32),
    scratch_types=[
        [pltpu.VMEM((CH, D), jnp.float32) for _ in range(NB1)],
        pltpu.VMEM((NCH, CH), jnp.int32),
        pltpu.VMEM_SHARED((NP, D), jnp.float32),
        [pltpu.SemaphoreType.DMA for _ in range(NB1)],
    ],
)
def _seg_sum_sc(ef_hbm, recv_hbm, zeros_hbm, out_hbm, ebufs, ibuf, acc, sems):
    c = lax.axis_index("c")
    s = lax.axis_index("s")
    wid = s * NC + c
    pltpu.sync_copy(zeros_hbm, acc.at[pl.ds(s * RPT, RPT)])
    pltpu.sync_copy(recv_hbm.at[wid], ibuf)
    plsc.subcore_barrier()

    for b in range(NB1):
        pltpu.async_copy(ef_hbm.at[pl.ds(wid * EPW + b * CH, CH)], ebufs[b], sems[b])

    def step(k, b):
        base = wid * EPW + k * CH
        pltpu.make_async_copy(ef_hbm.at[pl.ds(base, CH)], ebufs[b], sems[b]).wait()
        pltpu.sync_copy(ebufs[b], acc.at[ibuf.at[k]], add=True)

    def group(gg, carry):
        g = gg * NB1
        for b in range(NB1):
            k = g + b
            step(k, b)

            @pl.when(k + NB1 < NCH)
            def _():
                pltpu.async_copy(
                    ef_hbm.at[pl.ds(wid * EPW + (k + NB1) * CH, CH)],
                    ebufs[b], sems[b])
        return carry

    lax.fori_loop(0, NCH // NB1, group, 0)
    for k in range((NCH // NB1) * NB1, NCH):
        step(k, k % NB1)
    plsc.subcore_barrier()
    pltpu.sync_copy(acc.at[pl.ds(s * RPT, RPT)], out_hbm.at[c, pl.ds(s * RPT, RPT)])


@functools.partial(
    pl.kernel,
    mesh=_sc_mesh,
    out_type=jax.ShapeDtypeStruct((E, D), jnp.float32),
    scratch_types=[
        [pltpu.VMEM((CH, D), jnp.float32) for _ in range(NB3)],
        [pltpu.VMEM((CH, D), jnp.float32) for _ in range(NB3)],
        pltpu.VMEM((NCH, CH), jnp.int32),
        pltpu.VMEM((NCH, CH), jnp.int32),
        [pltpu.SemaphoreType.DMA for _ in range(NB3)],
        [pltpu.SemaphoreType.DMA for _ in range(NB3)],
    ],
)
def _gather_sc(p_hbm, q_hbm, snd_hbm, rcv_hbm, out_hbm,
               pbufs, qbufs, sbuf, rbuf, psems, qsems):
    c = lax.axis_index("c")
    s = lax.axis_index("s")
    wid = s * NC + c
    pltpu.sync_copy(snd_hbm.at[wid], sbuf)
    pltpu.sync_copy(rcv_hbm.at[wid], rbuf)

    for b in range(NB3):
        pltpu.async_copy(p_hbm.at[sbuf.at[b]], pbufs[b], psems[b])
        pltpu.async_copy(q_hbm.at[rbuf.at[b]], qbufs[b], qsems[b])

    def step(k, b):
        base = wid * EPW + k * CH
        pltpu.make_async_copy(p_hbm.at[sbuf.at[k]], pbufs[b], psems[b]).wait()
        pltpu.make_async_copy(q_hbm.at[rbuf.at[k]], qbufs[b], qsems[b]).wait()

        def add_row(i, cc):
            for j in range(D // 16):
                sl = pl.ds(j * 16, 16)
                pbufs[b][i, sl] = pbufs[b][i, sl] + qbufs[b][i, sl]
            return cc

        lax.fori_loop(0, CH, add_row, 0)
        pltpu.sync_copy(pbufs[b], out_hbm.at[pl.ds(base, CH)])

    def group(gg, carry):
        g = gg * NB3
        for b in range(NB3):
            k = g + b
            step(k, b)

            @pl.when(k + NB3 < NCH)
            def _():
                pltpu.async_copy(p_hbm.at[sbuf.at[k + NB3]], pbufs[b], psems[b])
                pltpu.async_copy(q_hbm.at[rbuf.at[k + NB3]], qbufs[b], qsems[b])
        return carry

    lax.fori_loop(0, NCH // NB3, group, 0)
    for k in range((NCH // NB3) * NB3, NCH):
        step(k, k % NB3)


def _node_mlp_body(nf_ref, agg_ref, Wn1_ref, bn1_ref, Wn2_ref, bn2_ref,
                   gn_ref, btn_ref, We1_ref, We2_ref, nodes_ref, p_ref, q_ref):
    agg = agg_ref[0] + agg_ref[1]
    h = jnp.dot(nf_ref[...], Wn1_ref[:D], preferred_element_type=jnp.float32)
    h = h + jnp.dot(agg, Wn1_ref[D:], preferred_element_type=jnp.float32)
    h = h + bn1_ref[...]
    x = jnp.dot(h, Wn2_ref[...], preferred_element_type=jnp.float32) + bn2_ref[...]
    mu = jnp.mean(x, axis=-1, keepdims=True)
    dd = x - mu
    var = jnp.mean(dd * dd, axis=-1, keepdims=True)
    nodes = (dd * lax.rsqrt(var + EPS)) * gn_ref[...] + btn_ref[...]
    nodes_ref[...] = nodes
    ws2 = jnp.dot(We1_ref[:D], We2_ref[...], preferred_element_type=jnp.float32)
    wr2 = jnp.dot(We1_ref[D:2 * D], We2_ref[...], preferred_element_type=jnp.float32)

    p_ref[...] = jnp.dot(nodes, ws2, preferred_element_type=jnp.float32)
    q_ref[...] = jnp.dot(nodes, wr2, preferred_element_type=jnp.float32)


def _edge_mlp_body(g_ref, ef_ref, We1_ref, be1_ref, We2_ref, be2_ref,
                   ge_ref, bte_ref, out_ref):
    we2 = jnp.dot(We1_ref[2 * D:], We2_ref[...], preferred_element_type=jnp.float32)
    b2 = jnp.dot(be1_ref[...], We2_ref[...], preferred_element_type=jnp.float32) \
        + be2_ref[...]
    ef16 = ef_ref[...].astype(jnp.bfloat16)
    we216 = we2.astype(jnp.bfloat16)
    x = g_ref[...] + jnp.dot(ef16, we216, preferred_element_type=jnp.float32) + b2
    mu = jnp.mean(x, axis=-1, keepdims=True)
    dd = x - mu
    var = jnp.mean(dd * dd, axis=-1, keepdims=True)
    out_ref[...] = (dd * lax.rsqrt(var + EPS)) * ge_ref[...] + bte_ref[...]


BN = 2000
BE = 5000


def _full(shape):
    return pl.BlockSpec(shape, lambda i: (0,) * len(shape))


def kernel(node_features, edge_features, senders, receivers,
           Wn1, bn1, Wn2, bn2, gn, btn, We1, be1, We2, be2, ge, bte):
    zeros = jnp.zeros((RPT, D), jnp.float32)
    snd3 = senders.reshape(NW, NCH, CH)
    rcv3 = receivers.reshape(NW, NCH, CH)

    bn1r, bn2r = bn1.reshape(1, D), bn2.reshape(1, D)
    gnr, btnr = gn.reshape(1, D), btn.reshape(1, D)
    be1r, be2r = be1.reshape(1, D), be2.reshape(1, D)
    ger, bter = ge.reshape(1, D), bte.reshape(1, D)

    partials = _seg_sum_sc(edge_features, rcv3, zeros)

    rowspec = pl.BlockSpec((BN, D), lambda i: (i, 0))
    new_nodes, p, q = pl.pallas_call(
        _node_mlp_body,
        grid=(N // BN,),
        in_specs=[
            rowspec,
            pl.BlockSpec((NC, BN, D), lambda i: (0, i, 0)),
            _full((2 * D, D)), _full((1, D)),
            _full((D, D)), _full((1, D)),
            _full((1, D)), _full((1, D)),
            _full((3 * D, D)), _full((D, D)),
        ],
        out_specs=[rowspec, rowspec, rowspec],
        out_shape=[jax.ShapeDtypeStruct((N, D), jnp.float32)] * 3,
    )(node_features, partials, Wn1, bn1r, Wn2, bn2r, gnr, btnr, We1, We2)

    g = _gather_sc(p, q, snd3, rcv3)

    erowspec = pl.BlockSpec((BE, D), lambda i: (i, 0))
    new_edges = pl.pallas_call(
        _edge_mlp_body,
        grid=(E // BE,),
        in_specs=[
            erowspec, erowspec,
            _full((3 * D, D)), _full((1, D)),
            _full((D, D)), _full((1, D)),
            _full((1, D)), _full((1, D)),
        ],
        out_specs=erowspec,
        out_shape=jax.ShapeDtypeStruct((E, D), jnp.float32),
    )(g, edge_features, We1, be1r, We2, be2r, ger, bter)

    return (new_nodes, new_edges)

# --- scband reference (transcript-rebuilt; emitter-appended) ---
"""Pipeline reference for scband-graph-net-block-57062935495422 (READ-ONLY COPY).

The authoritative reference and input builder live on the scoring server;
editing this copy changes nothing except your own understanding.
"""

import jax, jax.numpy as jnp
import numpy as np

N = 10000
E = 320000
D = 128
EPS = 1e-5

def _mlp(x, W1, b1, W2, b2, g, b):
    # Mlp = Linear -> Linear -> LayerNorm (no activations, faithful to torch Sequential)
    x = x @ W1 + b1
    x = x @ W2 + b2
    mu = jnp.mean(x, axis=-1, keepdims=True)
    var = jnp.mean((x - mu) ** 2, axis=-1, keepdims=True)
    x = (x - mu) / jnp.sqrt(var + EPS)
    return x * g + b

def setup_inputs(seed: int = 0):
    key = jax.random.key(seed)
    ks = jax.random.split(key, 10)
    def w(k, shape):
        fan_in = shape[0]
        return jax.random.uniform(k, shape, jnp.float32, -1.0, 1.0) / np.sqrt(fan_in)
    inp = {}
    inp["node_features"] = jax.random.normal(ks[0], (N, D), jnp.float32)
    inp["edge_features"] = jax.random.normal(ks[1], (E, D), jnp.float32)
    inp["senders"] = jax.random.randint(ks[2], (E,), 0, N, jnp.int32)
    inp["receivers"] = jax.random.randint(ks[3], (E,), 0, N, jnp.int32)
    # node MLP: input = node_dim + num_edge_sets * edge_dim = 256
    inp["Wn1"] = w(ks[4], (2 * D, D)); inp["bn1"] = jnp.zeros((D,), jnp.float32)
    inp["Wn2"] = w(ks[5], (D, D)); inp["bn2"] = jnp.zeros((D,), jnp.float32)
    inp["gn"] = jnp.ones((D,), jnp.float32); inp["btn"] = jnp.zeros((D,), jnp.float32)
    # edge MLP: input = 2*node_dim + edge_dim = 384
    inp["We1"] = w(ks[6], (3 * D, D)); inp["be1"] = jnp.zeros((D,), jnp.float32)
    inp["We2"] = w(ks[7], (D, D)); inp["be2"] = jnp.zeros((D,), jnp.float32)
    inp["ge"] = jnp.ones((D,), jnp.float32); inp["bte"] = jnp.zeros((D,), jnp.float32)
    return inp

def reference(node_features, edge_features, senders, receivers, Wn1, bn1, Wn2, bn2, gn, btn, We1, be1, We2, be2, ge, bte):
    # update_node_features: unsorted_segment_sum over receivers, concat, node MLP
    agg = jax.ops.segment_sum(edge_features, receivers, num_segments=N)
    h = jnp.concatenate([node_features, agg], axis=-1)
    new_nodes = _mlp(h, Wn1, bn1, Wn2, bn2, gn, btn)
    # update_edge_features: gather src/dst of NEW node features, concat with edge features, edge MLP
    srcs = new_nodes[senders]
    dsts = new_nodes[receivers]
    e = jnp.concatenate([srcs, dsts, edge_features], axis=-1)
    new_edges = _mlp(e, We1, be1, We2, be2, ge, bte)
    return (new_nodes, new_edges)

if __name__ == "__main__":
    import jax
    _d = setup_inputs()
    print(jax.jit(kernel)(*tuple(_d.values())))

</pallas_src>

<mosaic_0001>
#map = affine_map<(d0, d1) -> (0, 0)>
#map1 = affine_map<(d0, d1) -> (0, 0, 0)>
module attributes {stable_mosaic.version = 14 : i64} {
  func.func @_gather_sc(%arg0: i32, %arg1: i32, %arg2: memref<10000x128xf32, #tpu.memory_space<hbm>>, %arg3: memref<10000x128xf32, #tpu.memory_space<hbm>>, %arg4: memref<32x125x80xi32, #tpu.memory_space<hbm>>, %arg5: memref<32x125x80xi32, #tpu.memory_space<hbm>>, %arg6: memref<320000x128xf32, #tpu.memory_space<hbm>>, %arg7: memref<80x128xf32, #tpu.memory_space<vmem>>, %arg8: memref<80x128xf32, #tpu.memory_space<vmem>>, %arg9: memref<80x128xf32, #tpu.memory_space<vmem>>, %arg10: memref<80x128xf32, #tpu.memory_space<vmem>>, %arg11: memref<80x128xf32, #tpu.memory_space<vmem>>, %arg12: memref<80x128xf32, #tpu.memory_space<vmem>>, %arg13: memref<80x128xf32, #tpu.memory_space<vmem>>, %arg14: memref<80x128xf32, #tpu.memory_space<vmem>>, %arg15: memref<125x80xi32, #tpu.memory_space<vmem>>, %arg16: memref<125x80xi32, #tpu.memory_space<vmem>>, %arg17: memref<!tpu.dma_semaphore, #tpu.memory_space<semaphore_mem>>, %arg18: memref<!tpu.dma_semaphore, #tpu.memory_space<semaphore_mem>>, %arg19: memref<!tpu.dma_semaphore, #tpu.memory_space<semaphore_mem>>, %arg20: memref<!tpu.dma_semaphore, #tpu.memory_space<semaphore_mem>>, %arg21: memref<!tpu.dma_semaphore, #tpu.memory_space<semaphore_mem>>, %arg22: memref<!tpu.dma_semaphore, #tpu.memory_space<semaphore_mem>>, %arg23: memref<!tpu.dma_semaphore, #tpu.memory_space<semaphore_mem>>, %arg24: memref<!tpu.dma_semaphore, #tpu.memory_space<semaphore_mem>>) attributes {dimension_semantics = [#tpu.dimension_semantics<core_parallel>, #tpu.dimension_semantics<subcore_parallel>], iteration_bounds = array<i64: 2, 16>, scalar_prefetch = 0 : i64, scratch_operands = 18 : i64, tpu.core_type = #tpu.core_type<sc_vector_subcore>, window_params = [{transform_indices = #map}, {transform_indices = #map}, {transform_indices = #map1}, {transform_indices = #map1}, {transform_indices = #map}]} {
    %mul3A = arith.constant 2 : i32
    %mul3A_0 = arith.muli %arg1, %mul3A : i32
    %add3A = arith.addi %mul3A_0, %arg0 : i32
    "tpu.region"() ({
      %run_scoped3A = tpu.sem_alloc : memref<!tpu.dma_semaphore, #tpu.memory_space<semaphore_mem>>
      %dma_start3A_84 = arith.constant 0 : i32
      %dma_start3A_85 = arith.constant 0 : i32
      %dma_start3A_86 = tpu.memref_slice %arg4[%add3A, %dma_start3A_84, %dma_start3A_85] : memref<32x125x80xi32, #tpu.memory_space<hbm>> -> memref<1x125x80xi32, #tpu.memory_space<hbm>>
      %dma_start3A_87 = tpu.memref_squeeze %dma_start3A_86 : memref<1x125x80xi32, #tpu.memory_space<hbm>> -> memref<125x80xi32, #tpu.memory_space<hbm>>
      %dma_start3A_88 = arith.constant 0 : i32
      %dma_start3A_89 = arith.constant 0 : i32
      %dma_start3A_90 = tpu.memref_slice %arg4[%add3A, %dma_start3A_88, %dma_start3A_89] : memref<32x125x80xi32, #tpu.memory_space<hbm>> -> memref<1x125x80xi32, #tpu.memory_space<hbm>>
      %dma_start3A_91 = tpu.memref_squeeze %dma_start3A_90 : memref<1x125x80xi32, #tpu.memory_space<hbm>> -> memref<125x80xi32, #tpu.memory_space<hbm>>
      tpu.enqueue_dma source(%dma_start3A_91 : memref<125x80xi32, #tpu.memory_space<hbm>>) target(%arg15 : memref<125x80xi32, #tpu.memory_space<vmem>>) target_semaphore(%run_scoped3A : memref<!tpu.dma_semaphore, #tpu.memory_space<semaphore_mem>>)
      %dma_wait3A_92 = arith.constant 0 : i32
      %dma_wait3A_93 = arith.constant 0 : i32
      %dma_wait3A_94 = tpu.memref_slice %arg4[%add3A, %dma_wait3A_92, %dma_wait3A_93] : memref<32x125x80xi32, #tpu.memory_space<hbm>> -> memref<1x125x80xi32, #tpu.memory_space<hbm>>
      %dma_wait3A_95 = tpu.memref_squeeze %dma_wait3A_94 : memref<1x125x80xi32, #tpu.memory_space<hbm>> -> memref<125x80xi32, #tpu.memory_space<hbm>>
      %dma_wait3A_96 = arith.constant 0 : i32
      %dma_wait3A_97 = arith.constant 0 : i32
      %dma_wait3A_98 = tpu.memref_slice %arg4[%add3A, %dma_wait3A_96, %dma_wait3A_97] : memref<32x125x80xi32, #tpu.memory_space<hbm>> -> memref<1x125x80xi32, #tpu.memory_space<hbm>>
      %dma_wait3A_99 = tpu.memref_squeeze %dma_wait3A_98 : memref<1x125x80xi32, #tpu.memory_space<hbm>> -> memref<125x80xi32, #tpu.memory_space<hbm>>
      tpu.wait_dma2 semaphore(%run_scoped3A : memref<!tpu.dma_semaphore, #tpu.memory_space<semaphore_mem>>) src(%dma_wait3A_99 : memref<125x80xi32, #tpu.memory_space<hbm>>) dst(%arg15 : memref<125x80xi32, #tpu.memory_space<vmem>>)
      tpu.yield
    }) : () -> ()
    "tpu.region"() ({
      %run_scoped3A = tpu.sem_alloc : memref<!tpu.dma_semaphore, #tpu.memory_space<semaphore_mem>>
      %dma_start3A_84 = arith.constant 0 : i32
      %dma_start3A_85 = arith.constant 0 : i32
      %dma_start3A_86 = tpu.memref_slice %arg5[%add3A, %dma_start3A_84, %dma_start3A_85] : memref<32x125x80xi32, #tpu.memory_space<hbm>> -> memref<1x125x80xi32, #tpu.memory_space<hbm>>
      %dma_start3A_87 = tpu.memref_squeeze %dma_start3A_86 : memref<1x125x80xi32, #tpu.memory_space<hbm>> -> memref<125x80xi32, #tpu.memory_space<hbm>>
      %dma_start3A_88 = arith.constant 0 : i32
      %dma_start3A_89 = arith.constant 0 : i32
      %dma_start3A_90 = tpu.memref_slice %arg5[%add3A, %dma_start3A_88, %dma_start3A_89] : memref<32x125x80xi32, #tpu.memory_space<hbm>> -> memref<1x125x80xi32, #tpu.memory_space<hbm>>
      %dma_start3A_91 = tpu.memref_squeeze %dma_start3A_90 : memref<1x125x80xi32, #tpu.memory_space<hbm>> -> memref<125x80xi32, #tpu.memory_space<hbm>>
      tpu.enqueue_dma source(%dma_start3A_91 : memref<125x80xi32, #tpu.memory_space<hbm>>) target(%arg16 : memref<125x80xi32, #tpu.memory_space<vmem>>) target_semaphore(%run_scoped3A : memref<!tpu.dma_semaphore, #tpu.memory_space<semaphore_mem>>)
      %dma_wait3A_92 = arith.constant 0 : i32
      %dma_wait3A_93 = arith.constant 0 : i32
      %dma_wait3A_94 = tpu.memref_slice %arg5[%add3A, %dma_wait3A_92, %dma_wait3A_93] : memref<32x125x80xi32, #tpu.memory_space<hbm>> -> memref<1x125x80xi32, #tpu.memory_space<hbm>>
      %dma_wait3A_95 = tpu.memref_squeeze %dma_wait3A_94 : memref<1x125x80xi32, #tpu.memory_space<hbm>> -> memref<125x80xi32, #tpu.memory_space<hbm>>
      %dma_wait3A_96 = arith.constant 0 : i32
      %dma_wait3A_97 = arith.constant 0 : i32
      %dma_wait3A_98 = tpu.memref_slice %arg5[%add3A, %dma_wait3A_96, %dma_wait3A_97] : memref<32x125x80xi32, #tpu.memory_space<hbm>> -> memref<1x125x80xi32, #tpu.memory_space<hbm>>
      %dma_wait3A_99 = tpu.memref_squeeze %dma_wait3A_98 : memref<1x125x80xi32, #tpu.memory_space<hbm>> -> memref<125x80xi32, #tpu.memory_space<hbm>>
      tpu.wait_dma2 semaphore(%run_scoped3A : memref<!tpu.dma_semaphore, #tpu.memory_space<semaphore_mem>>) src(%dma_wait3A_99 : memref<125x80xi32, #tpu.memory_space<hbm>>) dst(%arg16 : memref<125x80xi32, #tpu.memory_space<vmem>>)
      tpu.yield
    }) : () -> ()
    %dma_start3A = arith.constant 0 : i32
    %dma_start3A_1 = arith.constant 0 : i32
    %dma_start3A_2 = tpu.memref_slice %arg15[%dma_start3A, %dma_start3A_1] : memref<125x80xi32, #tpu.memory_space<vmem>> -> memref<1x80xi32, #tpu.memory_space<vmem>>
    %dma_start3A_3 = tpu.memref_squeeze %dma_start3A_2 : memref<1x80xi32, #tpu.memory_space<vmem>> -> memref<80xi32, #tpu.memory_space<vmem>>
    %dma_start3A_4 = arith.constant 0 : i32
    %dma_start3A_5 = arith.constant 0 : i32
    %dma_start3A_6 = tpu.memref_slice %arg2[%dma_start3A_4, %dma_start3A_5] : memref<10000x128xf32, #tpu.memory_space<hbm>> -> memref<10000x128xf32, #tpu.memory_space<hbm>>
    tpu.enqueue_indirect_dma source(%dma_start3A_6 : memref<10000x128xf32, #tpu.memory_space<hbm>>) target(%arg7 : memref<80x128xf32, #tpu.memory_space<vmem>>) offsets(%dma_start3A_3 : memref<80xi32, #tpu.memory_space<vmem>>) semaphore(%arg17 : memref<!tpu.dma_semaphore, #tpu.memory_space<semaphore_mem>>)
    %dma_start3A_7 = arith.constant 0 : i32
    %dma_start3A_8 = arith.constant 0 : i32
    %dma_start3A_9 = tpu.memref_slice %arg16[%dma_start3A_7, %dma_start3A_8] : memref<125x80xi32, #tpu.memory_space<vmem>> -> memref<1x80xi32, #tpu.memory_space<vmem>>
    %dma_start3A_10 = tpu.memref_squeeze %dma_start3A_9 : memref<1x80xi32, #tpu.memory_space<vmem>> -> memref<80xi32, #tpu.memory_space<vmem>>
    %dma_start3A_11 = arith.constant 0 : i32
    %dma_start3A_12 = arith.constant 0 : i32
    %dma_start3A_13 = tpu.memref_slice %arg3[%dma_start3A_11, %dma_start3A_12] : memref<10000x128xf32, #tpu.memory_space<hbm>> -> memref<10000x128xf32, #tpu.memory_space<hbm>>
    tpu.enqueue_indirect_dma source(%dma_start3A_13 : memref<10000x128xf32, #tpu.memory_space<hbm>>) target(%arg11 : memref<80x128xf32, #tpu.memory_space<vmem>>) offsets(%dma_start3A_10 : memref<80xi32, #tpu.memory_space<vmem>>) semaphore(%arg21 : memref<!tpu.dma_semaphore, #tpu.memory_space<semaphore_mem>>)
    %dma_start3A_14 = arith.constant 1 : i32
    %dma_start3A_15 = arith.constant 0 : i32
    %dma_start3A_16 = tpu.memref_slice %arg15[%dma_start3A_14, %dma_start3A_15] : memref<125x80xi32, #tpu.memory_space<vmem>> -> memref<1x80xi32, #tpu.memory_space<vmem>>
    %dma_start3A_17 = tpu.memref_squeeze %dma_start3A_16 : memref<1x80xi32, #tpu.memory_space<vmem>> -> memref<80xi32, #tpu.memory_space<vmem>>
    %dma_start3A_18 = arith.constant 0 : i32
    %dma_start3A_19 = arith.constant 0 : i32
    %dma_start3A_20 = tpu.memref_slice %arg2[%dma_start3A_18, %dma_start3A_19] : memref<10000x128xf32, #tpu.memory_space<hbm>> -> memref<10000x128xf32, #tpu.memory_space<hbm>>
    tpu.enqueue_indirect_dma source(%dma_start3A_20 : memref<10000x128xf32, #tpu.memory_space<hbm>>) target(%arg8 : memref<80x128xf32, #tpu.memory_space<vmem>>) offsets(%dma_start3A_17 : memref<80xi32, #tpu.memory_space<vmem>>) semaphore(%arg18 : memref<!tpu.dma_semaphore, #tpu.memory_space<semaphore_mem>>)
    %dma_start3A_21 = arith.constant 1 : i32
    %dma_start3A_22 = arith.constant 0 : i32
    %dma_start3A_23 = tpu.memref_slice %arg16[%dma_start3A_21, %dma_start3A_22] : memref<125x80xi32, #tpu.memory_space<vmem>> -> memref<1x80xi32, #tpu.memory_space<vmem>>
    %dma_start3A_24 = tpu.memref_squeeze %dma_start3A_23 : memref<1x80xi32, #tpu.memory_space<vmem>> -> memref<80xi32, #tpu.memory_space<vmem>>
    %dma_start3A_25 = arith.constant 0 : i32
    %dma_start3A_26 = arith.constant 0 : i32
    %dma_start3A_27 = tpu.memref_slice %arg3[%dma_start3A_25, %dma_start3A_26] : memref<10000x128xf32, #tpu.memory_space<hbm>> -> memref<10000x128xf32, #tpu.memory_space<hbm>>
    tpu.enqueue_indirect_dma source(%dma_start3A_27 : memref<10000x128xf32, #tpu.memory_space<hbm>>) target(%arg12 : memref<80x128xf32, #tpu.memory_space<vmem>>) offsets(%dma_start3A_24 : memref<80xi32, #tpu.memory_space<vmem>>) semaphore(%arg22 : memref<!tpu.dma_semaphore, #tpu.memory_space<semaphore_mem>>)
    %dma_start3A_28 = arith.constant 2 : i32
    %dma_start3A_29 = arith.constant 0 : i32
    %dma_start3A_30 = tpu.memref_slice %arg15[%dma_start3A_28, %dma_start3A_29] : memref<125x80xi32, #tpu.memory_space<vmem>> -> memref<1x80xi32, #tpu.memory_space<vmem>>
    %dma_start3A_31 = tpu.memref_squeeze %dma_start3A_30 : memref<1x80xi32, #tpu.memory_space<vmem>> -> memref<80xi32, #tpu.memory_space<vmem>>
    %dma_start3A_32 = arith.constant 0 : i32
    %dma_start3A_33 = arith.constant 0 : i32
    %dma_start3A_34 = tpu.memref_slice %arg2[%dma_start3A_32, %dma_start3A_33] : memref<10000x128xf32, #tpu.memory_space<hbm>> -> memref<10000x128xf32, #tpu.memory_space<hbm>>
    tpu.enqueue_indirect_dma source(%dma_start3A_34 : memref<10000x128xf32, #tpu.memory_space<hbm>>) target(%arg9 : memref<80x128xf32, #tpu.memory_space<vmem>>) offsets(%dma_start3A_31 : memref<80xi32, #tpu.memory_space<vmem>>) semaphore(%arg19 : memref<!tpu.dma_semaphore, #tpu.memory_space<semaphore_mem>>)
    %dma_start3A_35 = arith.constant 2 : i32
    %dma_start3A_36 = arith.constant 0 : i32
    %dma_start3A_37 = tpu.memref_slice %arg16[%dma_start3A_35, %dma_start3A_36] : memref<125x80xi32, #tpu.memory_space<vmem>> -> memref<1x80xi32, #tpu.memory_space<vmem>>
    %dma_start3A_38 = tpu.memref_squeeze %dma_start3A_37 : memref<1x80xi32, #tpu.memory_space<vmem>> -> memref<80xi32, #tpu.memory_space<vmem>>
    %dma_start3A_39 = arith.constant 0 : i32
    %dma_start3A_40 = arith.constant 0 : i32
    %dma_start3A_41 = tpu.memref_slice %arg3[%dma_start3A_39, %dma_start3A_40] : memref<10000x128xf32, #tpu.memory_space<hbm>> -> memref<10000x128xf32, #tpu.memory_space<hbm>>
    tpu.enqueue_indirect_dma source(%dma_start3A_41 : memref<10000x128xf32, #tpu.memory_space<hbm>>) target(%arg13 : memref<80x128xf32, #tpu.memory_space<vmem>>) offsets(%dma_start3A_38 : memref<80xi32, #tpu.memory_space<vmem>>) semaphore(%arg23 : memref<!tpu.dma_semaphore, #tpu.memory_space<semaphore_mem>>)
    %dma_start3A_42 = arith.constant 3 : i32
    %dma_start3A_43 = arith.constant 0 : i32
    %dma_start3A_44 = tpu.memref_slice %arg15[%dma_start3A_42, %dma_start3A_43] : memref<125x80xi32, #tpu.memory_space<vmem>> -> memref<1x80xi32, #tpu.memory_space<vmem>>
    %dma_start3A_45 = tpu.memref_squeeze %dma_start3A_44 : memref<1x80xi32, #tpu.memory_space<vmem>> -> memref<80xi32, #tpu.memory_space<vmem>>
    %dma_start3A_46 = arith.constant 0 : i32
    %dma_start3A_47 = arith.constant 0 : i32
    %dma_start3A_48 = tpu.memref_slice %arg2[%dma_start3A_46, %dma_start3A_47] : memref<10000x128xf32, #tpu.memory_space<hbm>> -> memref<10000x128xf32, #tpu.memory_space<hbm>>
    tpu.enqueue_indirect_dma source(%dma_start3A_48 : memref<10000x128xf32, #tpu.memory_space<hbm>>) target(%arg10 : memref<80x128xf32, #tpu.memory_space<vmem>>) offsets(%dma_start3A_45 : memref<80xi32, #tpu.memory_space<vmem>>) semaphore(%arg20 : memref<!tpu.dma_semaphore, #tpu.memory_space<semaphore_mem>>)
    %dma_start3A_49 = arith.constant 3 : i32
    %dma_start3A_50 = arith.constant 0 : i32
    %dma_start3A_51 = tpu.memref_slice %arg16[%dma_start3A_49, %dma_start3A_50] : memref<125x80xi32, #tpu.memory_space<vmem>> -> memref<1x80xi32, #tpu.memory_space<vmem>>
    %dma_start3A_52 = tpu.memref_squeeze %dma_start3A_51 : memref<1x80xi32, #tpu.memory_space<vmem>> -> memref<80xi32, #tpu.memory_space<vmem>>
    %dma_start3A_53 = arith.constant 0 : i32
    %dma_start3A_54 = arith.constant 0 : i32
    %dma_start3A_55 = tpu.memref_slice %arg3[%dma_start3A_53, %dma_start3A_54] : memref<10000x128xf32, #tpu.memory_space<hbm>> -> memref<10000x128xf32, #tpu.memory_space<hbm>>
    tpu.enqueue_indirect_dma source(%dma_start3A_55 : memref<10000x128xf32, #tpu.memory_space<hbm>>) target(%arg14 : memref<80x128xf32, #tpu.memory_space<vmem>>) offsets(%dma_start3A_52 : memref<80xi32, #tpu.memory_space<vmem>>) semaphore(%arg24 : memref<!tpu.dma_semaphore, #tpu.memory_space<semaphore_mem>>)
    %scan3A = arith.constant 0 : i32
    %scan3A_56 = arith.constant 0 : i32
    %scan3A_57 = arith.constant 31 : i32
    %scan3A_58 = arith.addi %scan3A_56, %scan3A_57 : i32
    %scan3A_59 = arith.constant 1 : i32
    scf.for %scan3A_84 = %scan3A_56 to %scan3A_58 step %scan3A_59  : i32 {
      %mul3A_85 = arith.constant 4 : i32
      %mul3A_86 = arith.muli %scan3A_84, %mul3A_85 : i32
      %add3A_87 = arith.constant 0 : i32
      %add3A_88 = arith.addi %mul3A_86, %add3A_87 : i32
      %mul3A_89 = arith.constant 10000 : i32
      %mul3A_90 = arith.muli %add3A, %mul3A_89 : i32
      %mul3A_91 = arith.constant 80 : i32
      %mul3A_92 = arith.muli %add3A_88, %mul3A_91 : i32
      %add3A_93 = arith.addi %mul3A_90, %mul3A_92 : i32
      %dma_wait3A_94 = arith.constant 0 : i32
      %dma_wait3A_95 = tpu.memref_slice %arg15[%add3A_88, %dma_wait3A_94] : memref<125x80xi32, #tpu.memory_space<vmem>> -> memref<1x80xi32, #tpu.memory_space<vmem>>
      %dma_wait3A_96 = tpu.memref_squeeze %dma_wait3A_95 : memref<1x80xi32, #tpu.memory_space<vmem>> -> memref<80xi32, #tpu.memory_space<vmem>>
      %dma_wait3A_97 = arith.constant 0 : i32
      %dma_wait3A_98 = arith.constant 0 : i32
      %dma_wait3A_99 = tpu.memref_slice %arg2[%dma_wait3A_97, %dma_wait3A_98] : memref<10000x128xf32, #tpu.memory_space<hbm>> -> memref<10000x128xf32, #tpu.memory_space<hbm>>
      tpu.wait_indirect_dma semaphore(%arg17 : memref<!tpu.dma_semaphore, #tpu.memory_space<semaphore_mem>>) src(%dma_wait3A_99 : memref<10000x128xf32, #tpu.memory_space<hbm>>) dst(%arg7 : memref<80x128xf32, #tpu.memory_space<vmem>>)
      %dma_wait3A_100 = arith.constant 0 : i32
      %dma_wait3A_101 = tpu.memref_slice %arg16[%add3A_88, %dma_wait3A_100] : memref<125x80xi32, #tpu.memory_space<vmem>> -> memref<1x80xi32, #tpu.memory_space<vmem>>
      %dma_wait3A_102 = tpu.memref_squeeze %dma_wait3A_101 : memref<1x80xi32, #tpu.memory_space<vmem>> -> memref<80xi32, #tpu.memory_space<vmem>>
      %dma_wait3A_103 = arith.constant 0 : i32
      %dma_wait3A_104 = arith.constant 0 : i32
      %dma_wait3A_105 = tpu.memref_slice %arg3[%dma_wait3A_103, %dma_wait3A_104] : memref<10000x128xf32, #tpu.memory_space<hbm>> -> memref<10000x128xf32, #tpu.memory_space<hbm>>
      tpu.wait_indirect_dma semaphore(%arg21 : memref<!tpu.dma_semaphore, #tpu.memory_space<semaphore_mem>>) src(%dma_wait3A_105 : memref<10000x128xf32, #tpu.memory_space<hbm>>) dst(%arg11 : memref<80x128xf32, #tpu.memory_space<vmem>>)
      %scan3A_106 = arith.constant 0 : i32
      %scan3A_107 = arith.constant 0 : i32
      %scan3A_108 = arith.constant 80 : i32
      %scan3A_109 = arith.addi %scan3A_107, %scan3A_108 : i32
      %scan3A_110 = arith.constant 1 : i32
      scf.for %scan3A_212 = %scan3A_107 to %scan3A_109 step %scan3A_110  : i32 {
        %get3A = arith.index_cast %scan3A_212 : i32 to index
        %get3A_213 = arith.constant 0 : index
        %get3A_214 = tpu.vector_load %arg7[%get3A, %get3A_213] {strides = array<i32>} : memref<80x128xf32, #tpu.memory_space<vmem>>, vector<1x16xf32>,
        %get3A_215 = vector.shape_cast %get3A_214 : vector<1x16xf32> to vector<16xf32>
        %get3A_216 = arith.index_cast %scan3A_212 : i32 to index
        %get3A_217 = arith.constant 0 : index
        %get3A_218 = tpu.vector_load %arg11[%get3A_216, %get3A_217] {strides = array<i32>} : memref<80x128xf32, #tpu.memory_space<vmem>>, vector<1x16xf32>,
        %get3A_219 = vector.shape_cast %get3A_218 : vector<1x16xf32> to vector<16xf32>
        %add3A_220 = arith.addf %get3A_215, %get3A_219 : vector<16xf32>
        %swap3A = arith.index_cast %scan3A_212 : i32 to index
        %swap3A_221 = arith.constant 0 : index
        %swap3A_222 = tpu.vector_load %arg7[%swap3A, %swap3A_221] {strides = array<i32>} : memref<80x128xf32, #tpu.memory_space<vmem>>, vector<1x16xf32>,
        %swap3A_223 = vector.shape_cast %swap3A_222 : vector<1x16xf32> to vector<16xf32>
        %swap3A_224 = vector.shape_cast %add3A_220 : vector<16xf32> to vector<1x16xf32>
        tpu.vector_store %arg7[%swap3A, %swap3A_221], %swap3A_224 {strides = array<i32>} : memref<80x128xf32, #tpu.memory_space<vmem>>, vector<1x16xf32>,
        %get3A_225 = arith.index_cast %scan3A_212 : i32 to index
        %get3A_226 = arith.constant 16 : index
        %get3A_227 = tpu.vector_load %arg7[%get3A_225, %get3A_226] {strides = array<i32>} : memref<80x128xf32, #tpu.memory_space<vmem>>, vector<1x16xf32>,
        %get3A_228 = vector.shape_cast %get3A_227 : vector<1x16xf32> to vector<16xf32>
        %get3A_229 = arith.index_cast %scan3A_212 : i32 to index
        %get3A_230 = arith.constant 16 : index
        %get3A_231 = tpu.vector_load %arg11[%get3A_229, %get3A_230] {strides = array<i32>} : memref<80x128xf32, #tpu.memory_space<vmem>>, vector<1x16xf32>,
        %get3A_232 = vector.shape_cast %get3A_231 : vector<1x16xf32> to vector<16xf32>
        %add3A_233 = arith.addf %get3A_228, %get3A_232 : vector<16xf32>
        %swap3A_234 = arith.index_cast %scan3A_212 : i32 to index
        %swap3A_235 = arith.constant 16 : index
        %swap3A_236 = tpu.vector_load %arg7[%swap3A_234, %swap3A_235] {strides = array<i32>} : memref<80x128xf32, #tpu.memory_space<vmem>>, vector<1x16xf32>,
        %swap3A_237 = vector.shape_cast %swap3A_236 : vector<1x16xf32> to vector<16xf32>
        %swap3A_238 = vector.shape_cast %add3A_233 : vector<16xf32> to vector<1x16xf32>
        tpu.vector_store %arg7[%swap3A_234, %swap3A_235], %swap3A_238 {strides = array<i32>} : memref<80x128xf32, #tpu.memory_space<vmem>>, vector<1x16xf32>,
        %get3A_239 = arith.index_cast %scan3A_212 : i32 to index
        %get3A_240 = arith.constant 32 : index
        %get3A_241 = tpu.vector_load %arg7[%get3A_239, %get3A_240] {strides = array<i32>} : memref<80x128xf32, #tpu.memory_space<vmem>>, vector<1x16xf32>,
        %get3A_242 = vector.shape_cast %get3A_241 : vector<1x16xf32> to vector<16xf32>
        %get3A_243 = arith.index_cast %scan3A_212 : i32 to index
        %get3A_244 = arith.constant 32 : index
        %get3A_245 = tpu.vector_load %arg11[%get3A_243, %get3A_244] {strides = array<i32>} : memref<80x128xf32, #tpu.memory_space<vmem>>, vector<1x16xf32>,
        %get3A_246 = vector.shape_cast %get3A_245 : vector<1x16xf32> to vector<16xf32>
        %add3A_247 = arith.addf %get3A_242, %get3A_246 : vector<16xf32>
        %swap3A_248 = arith.index_cast %scan3A_212 : i32 to index
        %swap3A_249 = arith.constant 32 : index
        %swap3A_250 = tpu.vector_load %arg7[%swap3A_248, %swap3A_249] {strides = array<i32>} : memref<80x128xf32, #tpu.memory_space<vmem>>, vector<1x16xf32>,
        %swap3A_251 = vector.shape_cast %swap3A_250 : vector<1x16xf32> to vector<16xf32>
        %swap3A_252 = vector.shape_cast %add3A_247 : vector<16xf32> to vector<1x16xf32>
        tpu.vector_store %arg7[%swap3A_248, %swap3A_249], %swap3A_252 {strides = array<i32>} : memref<80x128xf32, #tpu.memory_space<vmem>>, vector<1x16xf32>,
        %get3A_253 = arith.index_cast %scan3A_212 : i32 to index
        %get3A_254 = arith.constant 48 : index
        %get3A_255 = tpu.vector_load %arg7[%get3A_253, %get3A_254] {strides = array<i32>} : memref<80x128xf32, #tpu.memory_space<vmem>>, vector<1x16xf32>,
        %get3A_256 = vector.shape_cast %get3A_255 : vector<1x16xf32> to vector<16xf32>
        %get3A_257 = arith.index_cast %scan3A_212 : i32 to index
        %get3A_258 = arith.constant 48 : index
        %get3A_259 = tpu.vector_load %arg11[%get3A_257, %get3A_258] {strides = array<i32>} : memref<80x128xf32, #tpu.memory_space<vmem>>, vector<1x16xf32>,
        %get3A_260 = vector.shape_cast %get3A_259 : vector<1x16xf32> to vector<16xf32>
        %add3A_261 = arith.addf %get3A_256, %get3A_260 : vector<16xf32>
        %swap3A_262 = arith.index_cast %scan3A_212 : i32 to index
        %swap3A_263 = arith.constant 48 : index
        %swap3A_264 = tpu.vector_load %arg7[%swap3A_262, %swap3A_263] {strides = array<i32>} : memref<80x128xf32, #tpu.memory_space<vmem>>, vector<1x16xf32>,
        %swap3A_265 = vector.shape_cast %swap3A_264 : vector<1x16xf32> to vector<16xf32>
        %swap3A_266 = vector.shape_cast %add3A_261 : vector<16xf32> to vector<1x16xf32>
        tpu.vector_store %arg7[%swap3A_262, %swap3A_263], %swap3A_266 {strides = array<i32>} : memref<80x128xf32, #tpu.memory_space<vmem>>, vector<1x16xf32>,
        %get3A_267 = arith.index_cast %scan3A_212 : i32 to index
        %get3A_268 = arith.constant 64 : index
        %get3A_269 = tpu.vector_load %arg7[%get3A_267, %get3A_268] {strides = array<i32>} : memref<80x128xf32, #tpu.memory_space<vmem>>, vector<1x16xf32>,
        %get3A_270 = vector.shape_cast %get3A_269 : vector<1x16xf32> to vector<16xf32>
        %get3A_271 = arith.index_cast %scan3A_212 : i32 to index
        %get3A_272 = arith.constant 64 : index
        %get3A_273 = tpu.vector_load %arg11[%get3A_271, %get3A_272] {strides = array<i32>} : memref<80x128xf32, #tpu.memory_space<vmem>>, vector<1x16xf32>,
        %get3A_274 = vector.shape_cast %get3A_273 : vector<1x16xf32> to vector<16xf32>
        %add3A_275 = arith.addf %get3A_270, %get3A_274 : vector<16xf32>
        %swap3A_276 = arith.index_cast %scan3A_212 : i32 to index
        %swap3A_277 = arith.constant 64 : index
        %swap3A_278 = tpu.vector_load %arg7[%swap3A_276, %swap3A_277] {strides = array<i32>} : memref<80x128xf32, #tpu.memory_space<vmem>>, vector<1x16xf32>,
        %swap3A_279 = vector.shape_cast %swap3A_278 : vector<1x16xf32> to vector<16xf32>
        %swap3A_280 = vector.shape_cast %add3A_275 : vector<16xf32> to vector<1x16xf32>
        tpu.vector_store %arg7[%swap3A_276, %swap3A_277], %swap3A_280 {strides = array<i32>} : memref<80x128xf32, #tpu.memory_space<vmem>>, vector<1x16xf32>,
        %get3A_281 = arith.index_cast %scan3A_212 : i32 to index
        %get3A_282 = arith.constant 80 : index
        %get3A_283 = tpu.vector_load %arg7[%get3A_281, %get3A_282] {strides = array<i32>} : memref<80x128xf32, #tpu.memory_space<vmem>>, vector<1x16xf32>,
        %get3A_284 = vector.shape_cast %get3A_283 : vector<1x16xf32> to vector<16xf32>
        %get3A_285 = arith.index_cast %scan3A_212 : i32 to index
        %get3A_286 = arith.constant 80 : index
        %get3A_287 = tpu.vector_load %arg11[%get3A_285, %get3A_286] {strides = array<i32>} : memref<80x128xf32, #tpu.memory_space<vmem>>, vector<1x16xf32>,
        %get3A_288 = vector.shape_cast %get3A_287 : vector<1x16xf32> to vector<16xf32>
        %add3A_289 = arith.addf %get3A_284, %get3A_288 : vector<16xf32>
        %swap3A_290 = arith.index_cast %scan3A_212 : i32 to index
        %swap3A_291 = arith.constant 80 : index
        %swap3A_292 = tpu.vector_load %arg7[%swap3A_290, %swap3A_291] {strides = array<i32>} : memref<80x128xf32, #tpu.memory_space<vmem>>, vector<1x16xf32>,
        %swap3A_293 = vector.shape_cast %swap3A_292 : vector<1x16xf32> to vector<16xf32>
        %swap3A_294 = vector.shape_cast %add3A_289 : vector<16xf32> to vector<1x16xf32>
        tpu.vector_store %arg7[%swap3A_290, %swap3A_291], %swap3A_294 {strides = array<i32>} : memref<80x128xf32, #tpu.memory_space<vmem>>, vector<1x16xf32>,
        %get3A_295 = arith.index_cast %scan3A_212 : i32 to index
        %get3A_296 = arith.constant 96 : index
        %get3A_297 = tpu.vector_load %arg7[%get3A_295, %get3A_296] {strides = array<i32>} : memref<80x128xf32, #tpu.memory_space<vmem>>, vector<1x16xf32>,
        %get3A_298 = vector.shape_cast %get3A_297 : vector<1x16xf32> to vector<16xf32>
        %get3A_299 = arith.index_cast %scan3A_212 : i32 to index
        %get3A_300 = arith.constant 96 : index
        %get3A_301 = tpu.vector_load %arg11[%get3A_299, %get3A_300] {strides = array<i32>} : memref<80x128xf32, #tpu.memory_space<vmem>>, vector<1x16xf32>,
        %get3A_302 = vector.shape_cast %get3A_301 : vector<1x16xf32> to vector<16xf32>
        %add3A_303 = arith.addf %get3A_298, %get3A_302 : vector<16xf32>
        %swap3A_304 = arith.index_cast %scan3A_212 : i32 to index
        %swap3A_305 = arith.constant 96 : index
        %swap3A_306 = tpu.vector_load %arg7[%swap3A_304, %swap3A_305] {strides = array<i32>} : memref<80x128xf32, #tpu.memory_space<vmem>>, vector<1x16xf32>,
        %swap3A_307 = vector.shape_cast %swap3A_306 : vector<1x16xf32> to vector<16xf32>
        %swap3A_308 = vector.shape_cast %add3A_303 : vector<16xf32> to vector<1x16xf32>
        tpu.vector_store %arg7[%swap3A_304, %swap3A_305], %swap3A_308 {strides = array<i32>} : memref<80x128xf32, #tpu.memory_space<vmem>>, vector<1x16xf32>,
        %get3A_309 = arith.index_cast %scan3A_212 : i32 to index
        %get3A_310 = arith.constant 112 : index
        %get3A_311 = tpu.vector_load %arg7[%get3A_309, %get3A_310] {strides = array<i32>} : memref<80x128xf32, #tpu.memory_space<vmem>>, vector<1x16xf32>,
        %get3A_312 = vector.shape_cast %get3A_311 : vector<1x16xf32> to vector<16xf32>
        %get3A_313 = arith.index_cast %scan3A_212 : i32 to index
        %get3A_314 = arith.constant 112 : index
        %get3A_315 = tpu.vector_load %arg11[%get3A_313, %get3A_314] {strides = array<i32>} : memref<80x128xf32, #tpu.memory_space<vmem>>, vector<1x16xf32>,
        %get3A_316 = vector.shape_cast %get3A_315 : vector<1x16xf32> to vector<16xf32>
        %add3A_317 = arith.addf %get3A_312, %get3A_316 : vector<16xf32>
        %swap3A_318 = arith.index_cast %scan3A_212 : i32 to index
        %swap3A_319 = arith.constant 112 : index
        %swap3A_320 = tpu.vector_load %arg7[%swap3A_318, %swap3A_319] {strides = array<i32>} : memref<80x128xf32, #tpu.memory_space<vmem>>, vector<1x16xf32>,
        %swap3A_321 = vector.shape_cast %swap3A_320 : vector<1x16xf32> to vector<16xf32>
        %swap3A_322 = vector.shape_cast %add3A_317 : vector<16xf32> to vector<1x16xf32>
        tpu.vector_store %arg7[%swap3A_318, %swap3A_319], %swap3A_322 {strides = array<i32>} : memref<80x128xf32, #tpu.memory_space<vmem>>, vector<1x16xf32>,
      }
      %scan3A_111 = arith.constant 80 : i32
      "tpu.region"() ({
        %run_scoped3A = tpu.sem_alloc : memref<!tpu.dma_semaphore, #tpu.memory_space<semaphore_mem>>
        %dma_start3A_212 = arith.constant 0 : i32
        %dma_start3A_213 = tpu.memref_slice %arg6[%add3A_93, %dma_start3A_212] : memref<320000x128xf32, #tpu.memory_space<hbm>> -> memref<80x128xf32, #tpu.memory_space<hbm>>
        %dma_start3A_214 = arith.constant 0 : i32
        %dma_start3A_215 = tpu.memref_slice %arg6[%add3A_93, %dma_start3A_214] : memref<320000x128xf32, #tpu.memory_space<hbm>> -> memref<80x128xf32, #tpu.memory_space<hbm>>
        tpu.enqueue_dma source(%arg7 : memref<80x128xf32, #tpu.memory_space<vmem>>) target(%dma_start3A_215 : memref<80x128xf32, #tpu.memory_space<hbm>>) target_semaphore(%run_scoped3A : memref<!tpu.dma_semaphore, #tpu.memory_space<semaphore_mem>>)
        %dma_wait3A_216 = arith.constant 0 : i32
        %dma_wait3A_217 = tpu.memref_slice %arg6[%add3A_93, %dma_wait3A_216] : memref<320000x128xf32, #tpu.memory_space<hbm>> -> memref<80x128xf32, #tpu.memory_space<hbm>>
        %dma_wait3A_218 = arith.constant 0 : i32
        %dma_wait3A_219 = tpu.memref_slice %arg6[%add3A_93, %dma_wait3A_218] : memref<320000x128xf32, #tpu.memory_space<hbm>> -> memref<80x128xf32, #tpu.memory_space<hbm>>
        tpu.wait_dma2 semaphore(%run_scoped3A : memref<!tpu.dma_semaphore, #tpu.memory_space<semaphore_mem>>) src(%arg7 : memref<80x128xf32, #tpu.memory_space<vmem>>) dst(%dma_wait3A_219 : memref<80x128xf32, #tpu.memory_space<hbm>>)
        tpu.yield
      }) : () -> ()
      %add3A_112 = arith.constant 4 : i32
      %add3A_113 = arith.addi %add3A_88, %add3A_112 : i32
      %lt3A = arith.constant 125 : i32
      %lt3A_114 = arith.cmpi slt, %add3A_113, %lt3A : i32
      %convert_element_type3A = arith.extui %lt3A_114 : i1 to i32
      %cond3A = arith.constant 0 : i32
      %cond3A_115 = arith.cmpi ne, %convert_element_type3A, %cond3A : i32
      scf.if %cond3A_115 {
        %add3A_212 = arith.constant 4 : i32
        %add3A_213 = arith.addi %add3A_88, %add3A_212 : i32
        %dma_start3A_214 = arith.constant 0 : i32
        %dma_start3A_215 = tpu.memref_slice %arg15[%add3A_213, %dma_start3A_214] : memref<125x80xi32, #tpu.memory_space<vmem>> -> memref<1x80xi32, #tpu.memory_space<vmem>>
        %dma_start3A_216 = tpu.memref_squeeze %dma_start3A_215 : memref<1x80xi32, #tpu.memory_space<vmem>> -> memref<80xi32, #tpu.memory_space<vmem>>
        %dma_start3A_217 = arith.constant 0 : i32
        %dma_start3A_218 = arith.constant 0 : i32
        %dma_start3A_219 = tpu.memref_slice %arg2[%dma_start3A_217, %dma_start3A_218] : memref<10000x128xf32, #tpu.memory_space<hbm>> -> memref<10000x128xf32, #tpu.memory_space<hbm>>
        tpu.enqueue_indirect_dma source(%dma_start3A_219 : memref<10000x128xf32, #tpu.memory_space<hbm>>) target(%arg7 : memref<80x128xf32, #tpu.memory_space<vmem>>) offsets(%dma_start3A_216 : memref<80xi32, #tpu.memory_space<vmem>>) semaphore(%arg17 : memref<!tpu.dma_semaphore, #tpu.memory_space<semaphore_mem>>)
        %add3A_220 = arith.constant 4 : i32
        %add3A_221 = arith.addi %add3A_88, %add3A_220 : i32
        %dma_start3A_222 = arith.constant 0 : i32
        %dma_start3A_223 = tpu.memref_slice %arg16[%add3A_221, %dma_start3A_222] : memref<125x80xi32, #tpu.memory_space<vmem>> -> memref<1x80xi32, #tpu.memory_space<vmem>>
        %dma_start3A_224 = tpu.memref_squeeze %dma_start3A_223 : memref<1x80xi32, #tpu.memory_space<vmem>> -> memref<80xi32, #tpu.memory_space<vmem>>
        %dma_start3A_225 = arith.constant 0 : i32
        %dma_start3A_226 = arith.constant 0 : i32
        %dma_start3A_227 = tpu.memref_slice %arg3[%dma_start3A_225, %dma_start3A_226] : memref<10000x128xf32, #tpu.memory_space<hbm>> -> memref<10000x128xf32, #tpu.memory_space<hbm>>
        tpu.enqueue_indirect_dma source(%dma_start3A_227 : memref<10000x128xf32, #tpu.memory_space<hbm>>) target(%arg11 : memref<80x128xf32, #tpu.memory_space<vmem>>) offsets(%dma_start3A_224 : memref<80xi32, #tpu.memory_space<vmem>>) semaphore(%arg21 : memref<!tpu.dma_semaphore, #tpu.memory_space<semaphore_mem>>)
      } else {
      }
      %add3A_116 = arith.constant 1 : i32
      %add3A_117 = arith.addi %mul3A_86, %add3A_116 : i32
      %mul3A_118 = arith.constant 10000 : i32
      %mul3A_119 = arith.muli %add3A, %mul3A_118 : i32
      %mul3A_120 = arith.constant 80 : i32
      %mul3A_121 = arith.muli %add3A_117, %mul3A_120 : i32
      %add3A_122 = arith.addi %mul3A_119, %mul3A_121 : i32
      %dma_wait3A_123 = arith.constant 0 : i32
      %dma_wait3A_124 = tpu.memref_slice %arg15[%add3A_117, %dma_wait3A_123] : memref<125x80xi32, #tpu.memory_space<vmem>> -> memref<1x80xi32, #tpu.memory_space<vmem>>
      %dma_wait3A_125 = tpu.memref_squeeze %dma_wait3A_124 : memref<1x80xi32, #tpu.memory_space<vmem>> -> memref<80xi32, #tpu.memory_space<vmem>>
      %dma_wait3A_126 = arith.constant 0 : i32
      %dma_wait3A_127 = arith.constant 0 : i32
      %dma_wait3A_128 = tpu.memref_slice %arg2[%dma_wait3A_126, %dma_wait3A_127] : memref<10000x128xf32, #tpu.memory_space<hbm>> -> memref<10000x128xf32, #tpu.memory_space<hbm>>
      tpu.wait_indirect_dma semaphore(%arg18 : memref<!tpu.dma_semaphore, #tpu.memory_space<semaphore_mem>>) src(%dma_wait3A_128 : memref<10000x128xf32, #tpu.memory_space<hbm>>) dst(%arg8 : memref<80x128xf32, #tpu.memory_space<vmem>>)
      %dma_wait3A_129 = arith.constant 0 : i32
      %dma_wait3A_130 = tpu.memref_slice %arg16[%add3A_117, %dma_wait3A_129] : memref<125x80xi32, #tpu.memory_space<vmem>> -> memref<1x80xi32, #tpu.memory_space<vmem>>
      %dma_wait3A_131 = tpu.memref_squeeze %dma_wait3A_130 : memref<1x80xi32, #tpu.memory_space<vmem>> -> memref<80xi32, #tpu.memory_space<vmem>>
      %dma_wait3A_132 = arith.constant 0 : i32
      %dma_wait3A_133 = arith.constant 0 : i32
      %dma_wait3A_134 = tpu.memref_slice %arg3[%dma_wait3A_132, %dma_wait3A_133] : memref<10000x128xf32, #tpu.memory_space<hbm>> -> memref<10000x128xf32, #tpu.memory_space<hbm>>
      tpu.wait_indirect_dma semaphore(%arg22 : memref<!tpu.dma_semaphore, #tpu.memory_space<semaphore_mem>>) src(%dma_wait3A_134 : memref<10000x128xf32, #tpu.memory_space<hbm>>) dst(%arg12 : memref<80x128xf32, #tpu.memory_space<vmem>>)
      %scan3A_135 = arith.constant 0 : i32
      %scan3A_136 = arith.constant 0 : i32
      %scan3A_137 = arith.constant 80 : i32
      %scan3A_138 = arith.addi %scan3A_136, %scan3A_137 : i32
      %scan3A_139 = arith.constant 1 : i32
      scf.for %scan3A_212 = %scan3A_136 to %scan3A_138 step %scan3A_139  : i32 {
        %get3A = arith.index_cast %scan3A_212 : i32 to index
        %get3A_213 = arith.constant 0 : index
        %get3A_214 = tpu.vector_load %arg8[%get3A, %get3A_213] {strides = array<i32>} : memref<80x128xf32, #tpu.memory_space<vmem>>, vector<1x16xf32>,
        %get3A_215 = vector.shape_cast %get3A_214 : vector<1x16xf32> to vector<16xf32>
        %get3A_216 = arith.index_cast %scan3A_212 : i32 to index
        %get3A_217 = arith.constant 0 : index
        %get3A_218 = tpu.vector_load %arg12[%get3A_216, %get3A_217] {strides = array<i32>} : memref<80x128xf32, #tpu.memory_space<vmem>>, vector<1x16xf32>,
        %get3A_219 = vector.shape_cast %get3A_218 : vector<1x16xf32> to vector<16xf32>
        %add3A_220 = arith.addf %get3A_215, %get3A_219 : vector<16xf32>
        %swap3A = arith.index_cast %scan3A_212 : i32 to index
        %swap3A_221 = arith.constant 0 : index
        %swap3A_222 = tpu.vector_load %arg8[%swap3A, %swap3A_221] {strides = array<i32>} : memref<80x128xf32, #tpu.memory_space<vmem>>, vector<1x16xf32>,
        %swap3A_223 = vector.shape_cast %swap3A_222 : vector<1x16xf32> to vector<16xf32>
        %swap3A_224 = vector.shape_cast %add3A_220 : vector<16xf32> to vector<1x16xf32>
        tpu.vector_store %arg8[%swap3A, %swap3A_221], %swap3A_224 {strides = array<i32>} : memref<80x128xf32, #tpu.memory_space<vmem>>, vector<1x16xf32>,
        %get3A_225 = arith.index_cast %scan3A_212 : i32 to index
        %get3A_226 = arith.constant 16 : index
        %get3A_227 = tpu.vector_load %arg8[%get3A_225, %get3A_226] {strides = array<i32>} : memref<80x128xf32, #tpu.memory_space<vmem>>, vector<1x16xf32>,
        %get3A_228 = vector.shape_cast %get3A_227 : vector<1x16xf32> to vector<16xf32>
        %get3A_229 = arith.index_cast %scan3A_212 : i32 to index
        %get3A_230 = arith.constant 16 : index
        %get3A_231 = tpu.vector_load %arg12[%get3A_229, %get3A_230] {strides = array<i32>} : memref<80x128xf32, #tpu.memory_space<vmem>>, vector<1x16xf32>,
        %get3A_232 = vector.shape_cast %get3A_231 : vector<1x16xf32> to vector<16xf32>
        %add3A_233 = arith.addf %get3A_228, %get3A_232 : vector<16xf32>
        %swap3A_234 = arith.index_cast %scan3A_212 : i32 to index
        %swap3A_235 = arith.constant 16 : index
        %swap3A_236 = tpu.vector_load %arg8[%swap3A_234, %swap3A_235] {strides = array<i32>} : memref<80x128xf32, #tpu.memory_space<vmem>>, vector<1x16xf32>,
        %swap3A_237 = vector.shape_cast %swap3A_236 : vector<1x16xf32> to vector<16xf32>
        %swap3A_238 = vector.shape_cast %add3A_233 : vector<16xf32> to vector<1x16xf32>
        tpu.vector_store %arg8[%swap3A_234, %swap3A_235], %swap3A_238 {strides = array<i32>} : memref<80x128xf32, #tpu.memory_space<vmem>>, vector<1x16xf32>,
        %get3A_239 = arith.index_cast %scan3A_212 : i32 to index
        %get3A_240 = arith.constant 32 : index
        %get3A_241 = tpu.vector_load %arg8[%get3A_239, %get3A_240] {strides = array<i32>} : memref<80x128xf32, #tpu.memory_space<vmem>>, vector<1x16xf32>,
        %get3A_242 = vector.shape_cast %get3A_241 : vector<1x16xf32> to vector<16xf32>
        %get3A_243 = arith.index_cast %scan3A_212 : i32 to index
        %get3A_244 = arith.constant 32 : index
        %get3A_245 = tpu.vector_load %arg12[%get3A_243, %get3A_244] {strides = array<i32>} : memref<80x128xf32, #tpu.memory_space<vmem>>, vector<1x16xf32>,
        %get3A_246 = vector.shape_cast %get3A_245 : vector<1x16xf32> to vector<16xf32>
        %add3A_247 = arith.addf %get3A_242, %get3A_246 : vector<16xf32>
        %swap3A_248 = arith.index_cast %scan3A_212 : i32 to index
        %swap3A_249 = arith.constant 32 : index
        %swap3A_250 = tpu.vector_load %arg8[%swap3A_248, %swap3A_249] {strides = array<i32>} : memref<80x128xf32, #tpu.memory_space<vmem>>, vector<1x16xf32>,
        %swap3A_251 = vector.shape_cast %swap3A_250 : vector<1x16xf32> to vector<16xf32>
        %swap3A_252 = vector.shape_cast %add3A_247 : vector<16xf32> to vector<1x16xf32>
        tpu.vector_store %arg8[%swap3A_248, %swap3A_249], %swap3A_252 {strides = array<i32>} : memref<80x128xf32, #tpu.memory_space<vmem>>, vector<1x16xf32>,
        %get3A_253 = arith.index_cast %scan3A_212 : i32 to index
        %get3A_254 = arith.constant 48 : index
        %get3A_255 = tpu.vector_load %arg8[%get3A_253, %get3A_254] {strides = array<i32>} : memref<80x128xf32, #tpu.memory_space<vmem>>, vector<1x16xf32>,
        %get3A_256 = vector.shape_cast %get3A_255 : vector<1x16xf32> to vector<16xf32>
        %get3A_257 = arith.index_cast %scan3A_212 : i32 to index
        %get3A_258 = arith.constant 48 : index
        %get3A_259 = tpu.vector_load %arg12[%get3A_257, %get3A_258] {strides = array<i32>} : memref<80x128xf32, #tpu.memory_space<vmem>>, vector<1x16xf32>,
        %get3A_260 = vector.shape_cast %get3A_259 : vector<1x16xf32> to vector<16xf32>
        %add3A_261 = arith.addf %get3A_256, %get3A_260 : vector<16xf32>
        %swap3A_262 = arith.index_cast %scan3A_212 : i32 to index
        %swap3A_263 = arith.constant 48 : index
        %swap3A_264 = tpu.vector_load %arg8[%swap3A_262, %swap3A_263] {strides = array<i32>} : memref<80x128xf32, #tpu.memory_space<vmem>>, vector<1x16xf32>,
        %swap3A_265 = vector.shape_cast %swap3A_264 : vector<1x16xf32> to vector<16xf32>
        %swap3A_266 = vector.shape_cast %add3A_261 : vector<16xf32> to vector<1x16xf32>
        tpu.vector_store %arg8[%swap3A_262, %swap3A_263], %swap3A_266 {strides = array<i32>} : memref<80x128xf32, #tpu.memory_space<vmem>>, vector<1x16xf32>,
        %get3A_267 = arith.index_cast %scan3A_212 : i32 to index
        %get3A_268 = arith.constant 64 : index
        %get3A_269 = tpu.vector_load %arg8[%get3A_267, %get3A_268] {strides = array<i32>} : memref<80x128xf32, #tpu.memory_space<vmem>>, vector<1x16xf32>,
        %get3A_270 = vector.shape_cast %get3A_269 : vector<1x16xf32> to vector<16xf32>
        %get3A_271 = arith.index_cast %scan3A_212 : i32 to index
        %get3A_272 = arith.constant 64 : index
        %get3A_273 = tpu.vector_load %arg12[%get3A_271, %get3A_272] {strides = array<i32>} : memref<80x128xf32, #tpu.memory_space<vmem>>, vector<1x16xf32>,
        %get3A_274 = vector.shape_cast %get3A_273 : vector<1x16xf32> to vector<16xf32>
        %add3A_275 = arith.addf %get3A_270, %get3A_274 : vector<16xf32>
        %swap3A_276 = arith.index_cast %scan3A_212 : i32 to index
        %swap3A_277 = arith.constant 64 : index
        %swap3A_278 = tpu.vector_load %arg8[%swap3A_276, %swap3A_277] {strides = array<i32>} : memref<80x128xf32, #tpu.memory_space<vmem>>, vector<1x16xf32>,
        %swap3A_279 = vector.shape_cast %swap3A_278 : vector<1x16xf32> to vector<16xf32>
        %swap3A_280 = vector.shape_cast %add3A_275 : vector<16xf32> to vector<1x16xf32>
        tpu.vector_store %arg8[%swap3A_276, %swap3A_277], %swap3A_280 {strides = array<i32>} : memref<80x128xf32, #tpu.memory_space<vmem>>, vector<1x16xf32>,
        %get3A_281 = arith.index_cast %scan3A_212 : i32 to index
        %get3A_282 = arith.constant 80 : index
        %get3A_283 = tpu.vector_load %arg8[%get3A_281, %get3A_282] {strides = array<i32>} : memref<80x128xf32, #tpu.memory_space<vmem>>, vector<1x16xf32>,
        %get3A_284 = vector.shape_cast %get3A_283 : vector<1x16xf32> to vector<16xf32>
        %get3A_285 = arith.index_cast %scan3A_212 : i32 to index
        %get3A_286 = arith.constant 80 : index
        %get3A_287 = tpu.vector_load %arg12[%get3A_285, %get3A_286] {strides = array<i32>} : memref<80x128xf32, #tpu.memory_space<vmem>>, vector<1x16xf32>,
        %get3A_288 = vector.shape_cast %get3A_287 : vector<1x16xf32> to vector<16xf32>
        %add3A_289 = arith.addf %get3A_284, %get3A_288 : vector<16xf32>
        %swap3A_290 = arith.index_cast %scan3A_212 : i32 to index
        %swap3A_291 = arith.constant 80 : index
        %swap3A_292 = tpu.vector_load %arg8[%swap3A_290, %swap3A_291] {strides = array<i32>} : memref<80x128xf32, #tpu.memory_space<vmem>>, vector<1x16xf32>,
        %swap3A_293 = vector.shape_cast %swap3A_292 : vector<1x16xf32> to vector<16xf32>
        %swap3A_294 = vector.shape_cast %add3A_289 : vector<16xf32> to vector<1x16xf32>
        tpu.vector_store %arg8[%swap3A_290, %swap3A_291], %swap3A_294 {strides = array<i32>} : memref<80x128xf32, #tpu.memory_space<vmem>>, vector<1x16xf32>,
        %get3A_295 = arith.index_cast %scan3A_212 : i32 to index
        %get3A_296 = arith.constant 96 : index
        %get3A_297 = tpu.vector_load %arg8[%get3A_295, %get3A_296] {strides = array<i32>} : memref<80x128xf32, #tpu.memory_space<vmem>>, vector<1x16xf32>,
        %get3A_298 = vector.shape_cast %get3A_297 : vector<1x16xf32> to vector<16xf32>
        %get3A_299 = arith.index_cast %scan3A_212 : i32 to index
        %get3A_300 = arith.constant 96 : index
        %get3A_301 = tpu.vector_load %arg12[%get3A_299, %get3A_300] {strides = array<i32>} : memref<80x128xf32, #tpu.memory_space<vmem>>, vector<1x16xf32>,
        %get3A_302 = vector.shape_cast %get3A_301 : vector<1x16xf32> to vector<16xf32>
        %add3A_303 = arith.addf %get3A_298, %get3A_302 : vector<16xf32>
        %swap3A_304 = arith.index_cast %scan3A_212 : i32 to index
        %swap3A_305 = arith.constant 96 : index
        %swap3A_306 = tpu.vector_load %arg8[%swap3A_304, %swap3A_305] {strides = array<i32>} : memref<80x128xf32, #tpu.memory_space<vmem>>, vector<1x16xf32>,
        %swap3A_307 = vector.shape_cast %swap3A_306 : vector<1x16xf32> to vector<16xf32>
        %swap3A_308 = vector.shape_cast %add3A_303 : vector<16xf32> to vector<1x16xf32>
        tpu.vector_store %arg8[%swap3A_304, %swap3A_305], %swap3A_308 {strides = array<i32>} : memref<80x128xf32, #tpu.memory_space<vmem>>, vector<1x16xf32>,
        %get3A_309 = arith.index_cast %scan3A_212 : i32 to index
        %get3A_310 = arith.constant 112 : index
        %get3A_311 = tpu.vector_load %arg8[%get3A_309, %get3A_310] {strides = array<i32>} : memref<80x128xf32, #tpu.memory_space<vmem>>, vector<1x16xf32>,
        %get3A_312 = vector.shape_cast %get3A_311 : vector<1x16xf32> to vector<16xf32>
        %get3A_313 = arith.index_cast %scan3A_212 : i32 to index
        %get3A_314 = arith.constant 112 : index
        %get3A_315 = tpu.vector_load %arg12[%get3A_313, %get3A_314] {strides = array<i32>} : memref<80x128xf32, #tpu.memory_space<vmem>>, vector<1x16xf32>,
        %get3A_316 = vector.shape_cast %get3A_315 : vector<1x16xf32> to vector<16xf32>
        %add3A_317 = arith.addf %get3A_312, %get3A_316 : vector<16xf32>
        %swap3A_318 = arith.index_cast %scan3A_212 : i32 to index
        %swap3A_319 = arith.constant 112 : index
        %swap3A_320 = tpu.vector_load %arg8[%swap3A_318, %swap3A_319] {strides = array<i32>} : memref<80x128xf32, #tpu.memory_space<vmem>>, vector<1x16xf32>,
        %swap3A_321 = vector.shape_cast %swap3A_320 : vector<1x16xf32> to vector<16xf32>
        %swap3A_322 = vector.shape_cast %add3A_317 : vector<16xf32> to vector<1x16xf32>
        tpu.vector_store %arg8[%swap3A_318, %swap3A_319], %swap3A_322 {strides = array<i32>} : memref<80x128xf32, #tpu.memory_space<vmem>>, vector<1x16xf32>,
      }
      %scan3A_140 = arith.constant 80 : i32
      "tpu.region"() ({
        %run_scoped3A = tpu.sem_alloc : memref<!tpu.dma_semaphore, #tpu.memory_space<semaphore_mem>>
        %dma_start3A_212 = arith.constant 0 : i32
        %dma_start3A_213 = tpu.memref_slice %arg6[%add3A_122, %dma_start3A_212] : memref<320000x128xf32, #tpu.memory_space<hbm>> -> memref<80x128xf32, #tpu.memory_space<hbm>>
        %dma_start3A_214 = arith.constant 0 : i32
        %dma_start3A_215 = tpu.memref_slice %arg6[%add3A_122, %dma_start3A_214] : memref<320000x128xf32, #tpu.memory_space<hbm>> -> memref<80x128xf32, #tpu.memory_space<hbm>>
        tpu.enqueue_dma source(%arg8 : memref<80x128xf32, #tpu.memory_space<vmem>>) target(%dma_start3A_215 : memref<80x128xf32, #tpu.memory_space<hbm>>) target_semaphore(%run_scoped3A : memref<!tpu.dma_semaphore, #tpu.memory_space<semaphore_mem>>)
        %dma_wait3A_216 = arith.constant 0 : i32
        %dma_wait3A_217 = tpu.memref_slice %arg6[%add3A_122, %dma_wait3A_216] : memref<320000x128xf32, #tpu.memory_space<hbm>> -> memref<80x128xf32, #tpu.memory_space<hbm>>
        %dma_wait3A_218 = arith.constant 0 : i32
        %dma_wait3A_219 = tpu.memref_slice %arg6[%add3A_122, %dma_wait3A_218] : memref<320000x128xf32, #tpu.memory_space<hbm>> -> memref<80x128xf32, #tpu.memory_space<hbm>>
        tpu.wait_dma2 semaphore(%run_scoped3A : memref<!tpu.dma_semaphore, #tpu.memory_space<semaphore_mem>>) src(%arg8 : memref<80x128xf32, #tpu.memory_space<vmem>>) dst(%dma_wait3A_219 : memref<80x128xf32, #tpu.memory_space<hbm>>)
        tpu.yield
      }) : () -> ()
      %add3A_141 = arith.constant 4 : i32
      %add3A_142 = arith.addi %add3A_117, %add3A_141 : i32
      %lt3A_143 = arith.constant 125 : i32
      %lt3A_144 = arith.cmpi slt, %add3A_142, %lt3A_143 : i32
      %convert_element_type3A_145 = arith.extui %lt3A_144 : i1 to i32
      %cond3A_146 = arith.constant 0 : i32
      %cond3A_147 = arith.cmpi ne, %convert_element_type3A_145, %cond3A_146 : i32
      scf.if %cond3A_147 {
        %add3A_212 = arith.constant 4 : i32
        %add3A_213 = arith.addi %add3A_117, %add3A_212 : i32
        %dma_start3A_214 = arith.constant 0 : i32
        %dma_start3A_215 = tpu.memref_slice %arg15[%add3A_213, %dma_start3A_214] : memref<125x80xi32, #tpu.memory_space<vmem>> -> memref<1x80xi32, #tpu.memory_space<vmem>>
        %dma_start3A_216 = tpu.memref_squeeze %dma_start3A_215 : memref<1x80xi32, #tpu.memory_space<vmem>> -> memref<80xi32, #tpu.memory_space<vmem>>
        %dma_start3A_217 = arith.constant 0 : i32
        %dma_start3A_218 = arith.constant 0 : i32
        %dma_start3A_219 = tpu.memref_slice %arg2[%dma_start3A_217, %dma_start3A_218] : memref<10000x128xf32, #tpu.memory_space<hbm>> -> memref<10000x128xf32, #tpu.memory_space<hbm>>
        tpu.enqueue_indirect_dma source(%dma_start3A_219 : memref<10000x128xf32, #tpu.memory_space<hbm>>) target(%arg8 : memref<80x128xf32, #tpu.memory_space<vmem>>) offsets(%dma_start3A_216 : memref<80xi32, #tpu.memory_space<vmem>>) semaphore(%arg18 : memref<!tpu.dma_semaphore, #tpu.memory_space<semaphore_mem>>)
        %add3A_220 = arith.constant 4 : i32
        %add3A_221 = arith.addi %add3A_117, %add3A_220 : i32
        %dma_start3A_222 = arith.constant 0 : i32
        %dma_start3A_223 = tpu.memref_slice %arg16[%add3A_221, %dma_start3A_222] : memref<125x80xi32, #tpu.memory_space<vmem>> -> memref<1x80xi32, #tpu.memory_space<vmem>>
        %dma_start3A_224 = tpu.memref_squeeze %dma_start3A_223 : memref<1x80xi32, #tpu.memory_space<vmem>> -> memref<80xi32, #tpu.memory_space<vmem>>
        %dma_start3A_225 = arith.constant 0 : i32
        %dma_start3A_226 = arith.constant 0 : i32
        %dma_start3A_227 = tpu.memref_slice %arg3[%dma_start3A_225, %dma_start3A_226] : memref<10000x128xf32, #tpu.memory_space<hbm>> -> memref<10000x128xf32, #tpu.memory_space<hbm>>
        tpu.enqueue_indirect_dma source(%dma_start3A_227 : memref<10000x128xf32, #tpu.memory_space<hbm>>) target(%arg12 : memref<80x128xf32, #tpu.memory_space<vmem>>) offsets(%dma_start3A_224 : memref<80xi32, #tpu.memory_space<vmem>>) semaphore(%arg22 : memref<!tpu.dma_semaphore, #tpu.memory_space<semaphore_mem>>)
      } else {
      }
      %add3A_148 = arith.constant 2 : i32
      %add3A_149 = arith.addi %mul3A_86, %add3A_148 : i32
      %mul3A_150 = arith.constant 10000 : i32
      %mul3A_151 = arith.muli %add3A, %mul3A_150 : i32
      %mul3A_152 = arith.constant 80 : i32
      %mul3A_153 = arith.muli %add3A_149, %mul3A_152 : i32
      %add3A_154 = arith.addi %mul3A_151, %mul3A_153 : i32
      %dma_wait3A_155 = arith.constant 0 : i32
      %dma_wait3A_156 = tpu.memref_slice %arg15[%add3A_149, %dma_wait3A_155] : memref<125x80xi32, #tpu.memory_space<vmem>> -> memref<1x80xi32, #tpu.memory_space<vmem>>
      %dma_wait3A_157 = tpu.memref_squeeze %dma_wait3A_156 : memref<1x80xi32, #tpu.memory_space<vmem>> -> memref<80xi32, #tpu.memory_space<vmem>>
      %dma_wait3A_158 = arith.constant 0 : i32
      %dma_wait3A_159 = arith.constant 0 : i32
      %dma_wait3A_160 = tpu.memref_slice %arg2[%dma_wait3A_158, %dma_wait3A_159] : memref<10000x128xf32, #tpu.memory_space<hbm>> -> memref<10000x128xf32, #tpu.memory_space<hbm>>
      tpu.wait_indirect_dma semaphore(%arg19 : memref<!tpu.dma_semaphore, #tpu.memory_space<semaphore_mem>>) src(%dma_wait3A_160 : memref<10000x128xf32, #tpu.memory_space<hbm>>) dst(%arg9 : memref<80x128xf32, #tpu.memory_space<vmem>>)
      %dma_wait3A_161 = arith.constant 0 : i32
      %dma_wait3A_162 = tpu.memref_slice %arg16[%add3A_149, %dma_wait3A_161] : memref<125x80xi32, #tpu.memory_space<vmem>> -> memref<1x80xi32, #tpu.memory_space<vmem>>
      %dma_wait3A_163 = tpu.memref_squeeze %dma_wait3A_162 : memref<1x80xi32, #tpu.memory_space<vmem>> -> memref<80xi32, #tpu.memory_space<vmem>>
      %dma_wait3A_164 = arith.constant 0 : i32
      %dma_wait3A_165 = arith.constant 0 : i32
      %dma_wait3A_166 = tpu.memref_slice %arg3[%dma_wait3A_164, %dma_wait3A_165] : memref<10000x128xf32, #tpu.memory_space<hbm>> -> memref<10000x128xf32, #tpu.memory_space<hbm>>
      tpu.wait_indirect_dma semaphore(%arg23 : memref<!tpu.dma_semaphore, #tpu.memory_space<semaphore_mem>>) src(%dma_wait3A_166 : memref<10000x128xf32, #tpu.memory_space<hbm>>) dst(%arg13 : memref<80x128xf32, #tpu.memory_space<vmem>>)
      %scan3A_167 = arith.constant 0 : i32
      %scan3A_168 = arith.constant 0 : i32
      %scan3A_169 = arith.constant 80 : i32
      %scan3A_170 = arith.addi %scan3A_168, %scan3A_169 : i32
      %scan3A_171 = arith.constant 1 : i32
      scf.for %scan3A_212 = %scan3A_168 to %scan3A_170 step %scan3A_171  : i32 {
        %get3A = arith.index_cast %scan3A_212 : i32 to index
        %get3A_213 = arith.constant 0 : index
        %get3A_214 = tpu.vector_load %arg9[%get3A, %get3A_213] {strides = array<i32>} : memref<80x128xf32, #tpu.memory_space<vmem>>, vector<1x16xf32>,
        %get3A_215 = vector.shape_cast %get3A_214 : vector<1x16xf32> to vector<16xf32>
        %get3A_216 = arith.index_cast %scan3A_212 : i32 to index
        %get3A_217 = arith.constant 0 : index
        %get3A_218 = tpu.vector_load %arg13[%get3A_216, %get3A_217] {strides = array<i32>} : memref<80x128xf32, #tpu.memory_space<vmem>>, vector<1x16xf32>,
        %get3A_219 = vector.shape_cast %get3A_218 : vector<1x16xf32> to vector<16xf32>
        %add3A_220 = arith.addf %get3A_215, %get3A_219 : vector<16xf32>
        %swap3A = arith.index_cast %scan3A_212 : i32 to index
        %swap3A_221 = arith.constant 0 : index
        %swap3A_222 = tpu.vector_load %arg9[%swap3A, %swap3A_221] {strides = array<i32>} : memref<80x128xf32, #tpu.memory_space<vmem>>, vector<1x16xf32>,
        %swap3A_223 = vector.shape_cast %swap3A_222 : vector<1x16xf32> to vector<16xf32>
        %swap3A_224 = vector.shape_cast %add3A_220 : vector<16xf32> to vector<1x16xf32>
        tpu.vector_store %arg9[%swap3A, %swap3A_221], %swap3A_224 {strides = array<i32>} : memref<80x128xf32, #tpu.memory_space<vmem>>, vector<1x16xf32>,
        %get3A_225 = arith.index_cast %scan3A_212 : i32 to index
        %get3A_226 = arith.constant 16 : index
        %get3A_227 = tpu.vector_load %arg9[%get3A_225, %get3A_226] {strides = array<i32>} : memref<80x128xf32, #tpu.memory_space<vmem>>, vector<1x16xf32>,
        %get3A_228 = vector.shape_cast %get3A_227 : vector<1x16xf32> to vector<16xf32>
        %get3A_229 = arith.index_cast %scan3A_212 : i32 to index
        %get3A_230 = arith.constant 16 : index
        %get3A_231 = tpu.vector_load %arg13[%get3A_229, %get3A_230] {strides = array<i32>} : memref<80x128xf32, #tpu.memory_space<vmem>>, vector<1x16xf32>,
        %get3A_232 = vector.shape_cast %get3A_231 : vector<1x16xf32> to vector<16xf32>
        %add3A_233 = arith.addf %get3A_228, %get3A_232 : vector<16xf32>
        %swap3A_234 = arith.index_cast %scan3A_212 : i32 to index
        %swap3A_235 = arith.constant 16 : index
        %swap3A_236 = tpu.vector_load %arg9[%swap3A_234, %swap3A_235] {strides = array<i32>} : memref<80x128xf32, #tpu.memory_space<vmem>>, vector<1x16xf32>,
        %swap3A_237 = vector.shape_cast %swap3A_236 : vector<1x16xf32> to vector<16xf32>
        %swap3A_238 = vector.shape_cast %add3A_233 : vector<16xf32> to vector<1x16xf32>
        tpu.vector_store %arg9[%swap3A_234, %swap3A_235], %swap3A_238 {strides = array<i32>} : memref<80x128xf32, #tpu.memory_space<vmem>>, vector<1x16xf32>,
        %get3A_239 = arith.index_cast %scan3A_212 : i32 to index
        %get3A_240 = arith.constant 32 : index
        %get3A_241 = tpu.vector_load %arg9[%get3A_239, %get3A_240] {strides = array<i32>} : memref<80x128xf32, #tpu.memory_space<vmem>>, vector<1x16xf32>,
        %get3A_242 = vector.shape_cast %get3A_241 : vector<1x16xf32> to vector<16xf32>
        %get3A_243 = arith.index_cast %scan3A_212 : i32 to index
        %get3A_244 = arith.constant 32 : index
        %get3A_245 = tpu.vector_load %arg13[%get3A_243, %get3A_244] {strides = array<i32>} : memref<80x128xf32, #tpu.memory_space<vmem>>, vector<1x16xf32>,
        %get3A_246 = vector.shape_cast %get3A_245 : vector<1x16xf32> to vector<16xf32>
        %add3A_247 = arith.addf %get3A_242, %get3A_246 : vector<16xf32>
        %swap3A_248 = arith.index_cast %scan3A_212 : i32 to index
        %swap3A_249 = arith.constant 32 : index
        %swap3A_250 = tpu.vector_load %arg9[%swap3A_248, %swap3A_249] {strides = array<i32>} : memref<80x128xf32, #tpu.memory_space<vmem>>, vector<1x16xf32>,
        %swap3A_251 = vector.shape_cast %swap3A_250 : vector<1x16xf32> to vector<16xf32>
        %swap3A_252 = vector.shape_cast %add3A_247 : vector<16xf32> to vector<1x16xf32>
        tpu.vector_store %arg9[%swap3A_248, %swap3A_249], %swap3A_252 {strides = array<i32>} : memref<80x128xf32, #tpu.memory_space<vmem>>, vector<1x16xf32>,
        %get3A_253 = arith.index_cast %scan3A_212 : i32 to index
        %get3A_254 = arith.constant 48 : index
        %get3A_255 = tpu.vector_load %arg9[%get3A_253, %get3A_254] {strides = array<i32>} : memref<80x128xf32, #tpu.memory_space<vmem>>, vector<1x16xf32>,
        %get3A_256 = vector.shape_cast %get3A_255 : vector<1x16xf32> to vector<16xf32>
        %get3A_257 = arith.index_cast %scan3A_212 : i32 to index
        %get3A_258 = arith.constant 48 : index
        %get3A_259 = tpu.vector_load %arg13[%get3A_257, %get3A_258] {strides = array<i32>} : memref<80x128xf32, #tpu.memory_space<vmem>>, vector<1x16xf32>,
        %get3A_260 = vector.shape_cast %get3A_259 : vector<1x16xf32> to vector<16xf32>
        %add3A_261 = arith.addf %get3A_256, %get3A_260 : vector<16xf32>
        %swap3A_262 = arith.index_cast %scan3A_212 : i32 to index
        %swap3A_263 = arith.constant 48 : index
        %swap3A_264 = tpu.vector_load %arg9[%swap3A_262, %swap3A_263] {strides = array<i32>} : memref<80x128xf32, #tpu.memory_space<vmem>>, vector<1x16xf32>,
        %swap3A_265 = vector.shape_cast %swap3A_264 : vector<1x16xf32> to vector<16xf32>
        %swap3A_266 = vector.shape_cast %add3A_261 : vector<16xf32> to vector<1x16xf32>
        tpu.vector_store %arg9[%swap3A_262, %swap3A_263], %swap3A_266 {strides = array<i32>} : memref<80x128xf32, #tpu.memory_space<vmem>>, vector<1x16xf32>,
        %get3A_267 = arith.index_cast %scan3A_212 : i32 to index
        %get3A_268 = arith.constant 64 : index
        %get3A_269 = tpu.vector_load %arg9[%get3A_267, %get3A_268] {strides = array<i32>} : memref<80x128xf32, #tpu.memory_space<vmem>>, vector<1x16xf32>,
        %get3A_270 = vector.shape_cast %get3A_269 : vector<1x16xf32> to vector<16xf32>
        %get3A_271 = arith.index_cast %scan3A_212 : i32 to index
        %get3A_272 = arith.constant 64 : index
        %get3A_273 = tpu.vector_load %arg13[%get3A_271, %get3A_272] {strides = array<i32>} : memref<80x128xf32, #tpu.memory_space<vmem>>, vector<1x16xf32>,
        %get3A_274 = vector.shape_cast %get3A_273 : vector<1x16xf32> to vector<16xf32>
        %add3A_275 = arith.addf %get3A_270, %get3A_274 : vector<16xf32>
        %swap3A_276 = arith.index_cast %scan3A_212 : i32 to index
        %swap3A_277 = arith.constant 64 : index
        %swap3A_278 = tpu.vector_load %arg9[%swap3A_276, %swap3A_277] {strides = array<i32>} : memref<80x128xf32, #tpu.memory_space<vmem>>, vector<1x16xf32>,
        %swap3A_279 = vector.shape_cast %swap3A_278 : vector<1x16xf32> to vector<16xf32>
        %swap3A_280 = vector.shape_cast %add3A_275 : vector<16xf32> to vector<1x16xf32>
        tpu.vector_store %arg9[%swap3A_276, %swap3A_277], %swap3A_280 {strides = array<i32>} : memref<80x128xf32, #tpu.memory_space<vmem>>, vector<1x16xf32>,
        %get3A_281 = arith.index_cast %scan3A_212 : i32 to index
        %get3A_282 = arith.constant 80 : index
        %get3A_283 = tpu.vector_load %arg9[%get3A_281, %get3A_282] {strides = array<i32>} : memref<80x128xf32, #tpu.memory_space<vmem>>, vector<1x16xf32>,
        %get3A_284 = vector.shape_cast %get3A_283 : vector<1x16xf32> to vector<16xf32>
        %get3A_285 = arith.index_cast %scan3A_212 : i32 to index
        %get3A_286 = arith.constant 80 : index
        %get3A_287 = tpu.vector_load %arg13[%get3A_285, %get3A_286] {strides = array<i32>} : memref<80x128xf32, #tpu.memory_space<vmem>>, vector<1x16xf32>,
        %get3A_288 = vector.shape_cast %get3A_287 : vector<1x16xf32> to vector<16xf32>
        %add3A_289 = arith.addf %get3A_284, %get3A_288 : vector<16xf32>
        %swap3A_290 = arith.index_cast %scan3A_212 : i32 to index
        %swap3A_291 = arith.constant 80 : index
        %swap3A_292 = tpu.vector_load %arg9[%swap3A_290, %swap3A_291] {strides = array<i32>} : memref<80x128xf32, #tpu.memory_space<vmem>>, vector<1x16xf32>,
        %swap3A_293 = vector.shape_cast %swap3A_292 : vector<1x16xf32> to vector<16xf32>
        %swap3A_294 = vector.shape_cast %add3A_289 : vector<16xf32> to vector<1x16xf32>
        tpu.vector_store %arg9[%swap3A_290, %swap3A_291], %swap3A_294 {strides = array<i32>} : memref<80x128xf32, #tpu.memory_space<vmem>>, vector<1x16xf32>,
        %get3A_295 = arith.index_cast %scan3A_212 : i32 to index
        %get3A_296 = arith.constant 96 : index
        %get3A_297 = tpu.vector_load %arg9[%get3A_295, %get3A_296] {strides = array<i32>} : memref<80x128xf32, #tpu.memory_space<vmem>>, vector<1x16xf32>,
        %get3A_298 = vector.shape_cast %get3A_297 : vector<1x16xf32> to vector<16xf32>
        %get3A_299 = arith.index_cast %scan3A_212 : i32 to index
        %get3A_300 = arith.constant 96 : index
        %get3A_301 = tpu.vector_load %arg13[%get3A_299, %get3A_300] {strides = array<i32>} : memref<80x128xf32, #tpu.memory_space<vmem>>, vector<1x16xf32>,
        %get3A_302 = vector.shape_cast %get3A_301 : vector<1x16xf32> to vector<16xf32>
        %add3A_303 = arith.addf %get3A_298, %get3A_302 : vector<16xf32>
        %swap3A_304 = arith.index_cast %scan3A_212 : i32 to index
        %swap3A_305 = arith.constant 96 : index
        %swap3A_306 = tpu.vector_load %arg9[%swap3A_304, %swap3A_305] {strides = array<i32>} : memref<80x128xf32, #tpu.memory_space<vmem>>, vector<1x16xf32>,
        %swap3A_307 = vector.shape_cast %swap3A_306 : vector<1x16xf32> to vector<16xf32>
        %swap3A_308 = vector.shape_cast %add3A_303 : vector<16xf32> to vector<1x16xf32>
        tpu.vector_store %arg9[%swap3A_304, %swap3A_305], %swap3A_308 {strides = array<i32>} : memref<80x128xf32, #tpu.memory_space<vmem>>, vector<1x16xf32>,
        %get3A_309 = arith.index_cast %scan3A_212 : i32 to index
        %get3A_310 = arith.constant 112 : index
        %get3A_311 = tpu.vector_load %arg9[%get3A_309, %get3A_310] {strides = array<i32>} : memref<80x128xf32, #tpu.memory_space<vmem>>, vector<1x16xf32>,
        %get3A_312 = vector.shape_cast %get3A_311 : vector<1x16xf32> to vector<16xf32>
        %get3A_313 = arith.index_cast %scan3A_212 : i32 to index
        %get3A_314 = arith.constant 112 : index
        %get3A_315 = tpu.vector_load %arg13[%get3A_313, %get3A_314] {strides = array<i32>} : memref<80x128xf32, #tpu.memory_space<vmem>>, vector<1x16xf32>,
        %get3A_316 = vector.shape_cast %get3A_315 : vector<1x16xf32> to vector<16xf32>
        %add3A_317 = arith.addf %get3A_312, %get3A_316 : vector<16xf32>
        %swap3A_318 = arith.index_cast %scan3A_212 : i32 to index
        %swap3A_319 = arith.constant 112 : index
        %swap3A_320 = tpu.vector_load %arg9[%swap3A_318, %swap3A_319] {strides = array<i32>} : memref<80x128xf32, #tpu.memory_space<vmem>>, vector<1x16xf32>,
        %swap3A_321 = vector.shape_cast %swap3A_320 : vector<1x16xf32> to vector<16xf32>
        %swap3A_322 = vector.shape_cast %add3A_317 : vector<16xf32> to vector<1x16xf32>
        tpu.vector_store %arg9[%swap3A_318, %swap3A_319], %swap3A_322 {strides = array<i32>} : memref<80x128xf32, #tpu.memory_space<vmem>>, vector<1x16xf32>,
      }
      %scan3A_172 = arith.constant 80 : i32
      "tpu.region"() ({
        %run_scoped3A = tpu.sem_alloc : memref<!tpu.dma_semaphore, #tpu.memory_space<semaphore_mem>>
        %dma_start3A_212 = arith.constant 0 : i32
        %dma_start3A_213 = tpu.memref_slice %arg6[%add3A_154, %dma_start3A_212] : memref<320000x128xf32, #tpu.memory_space<hbm>> -> memref<80x128xf32, #tpu.memory_space<hbm>>
        %dma_start3A_214 = arith.constant 0 : i32
        %dma_start3A_215 = tpu.memref_slice %arg6[%add3A_154, %dma_start3A_214] : memref<320000x128xf32, #tpu.memory_space<hbm>> -> memref<80x128xf32, #tpu.memory_space<hbm>>
        tpu.enqueue_dma source(%arg9 : memref<80x128xf32, #tpu.memory_space<vmem>>) target(%dma_start3A_215 : memref<80x128xf32, #tpu.memory_space<hbm>>) target_semaphore(%run_scoped3A : memref<!tpu.dma_semaphore, #tpu.memory_space<semaphore_mem>>)
        %dma_wait3A_216 = arith.constant 0 : i32
        %dma_wait3A_217 = tpu.memref_slice %arg6[%add3A_154, %dma_wait3A_216] : memref<320000x128xf32, #tpu.memory_space<hbm>> -> memref<80x128xf32, #tpu.memory_space<hbm>>
        %dma_wait3A_218 = arith.constant 0 : i32
        %dma_wait3A_219 = tpu.memref_slice %arg6[%add3A_154, %dma_wait3A_218] : memref<320000x128xf32, #tpu.memory_space<hbm>> -> memref<80x128xf32, #tpu.memory_space<hbm>>
        tpu.wait_dma2 semaphore(%run_scoped3A : memref<!tpu.dma_semaphore, #tpu.memory_space<semaphore_mem>>) src(%arg9 : memref<80x128xf32, #tpu.memory_space<vmem>>) dst(%dma_wait3A_219 : memref<80x128xf32, #tpu.memory_space<hbm>>)
        tpu.yield
      }) : () -> ()
      %add3A_173 = arith.constant 4 : i32
      %add3A_174 = arith.addi %add3A_149, %add3A_173 : i32
      %lt3A_175 = arith.constant 125 : i32
      %lt3A_176 = arith.cmpi slt, %add3A_174, %lt3A_175 : i32
      %convert_element_type3A_177 = arith.extui %lt3A_176 : i1 to i32
      %cond3A_178 = arith.constant 0 : i32
      %cond3A_179 = arith.cmpi ne, %convert_element_type3A_177, %cond3A_178 : i32
      scf.if %cond3A_179 {
        %add3A_212 = arith.constant 4 : i32
        %add3A_213 = arith.addi %add3A_149, %add3A_212 : i32
        %dma_start3A_214 = arith.constant 0 : i32
        %dma_start3A_215 = tpu.memref_slice %arg15[%add3A_213, %dma_start3A_214] : memref<125x80xi32, #tpu.memory_space<vmem>> -> memref<1x80xi32, #tpu.memory_space<vmem>>
        %dma_start3A_216 = tpu.memref_squeeze %dma_start3A_215 : memref<1x80xi32, #tpu.memory_space<vmem>> -> memref<80xi32, #tpu.memory_space<vmem>>
        %dma_start3A_217 = arith.constant 0 : i32
        %dma_start3A_218 = arith.constant 0 : i32
        %dma_start3A_219 = tpu.memref_slice %arg2[%dma_start3A_217, %dma_start3A_218] : memref<10000x128xf32, #tpu.memory_space<hbm>> -> memref<10000x128xf32, #tpu.memory_space<hbm>>
        tpu.enqueue_indirect_dma source(%dma_start3A_219 : memref<10000x128xf32, #tpu.memory_space<hbm>>) target(%arg9 : memref<80x128xf32, #tpu.memory_space<vmem>>) offsets(%dma_start3A_216 : memref<80xi32, #tpu.memory_space<vmem>>) semaphore(%arg19 : memref<!tpu.dma_semaphore, #tpu.memory_space<semaphore_mem>>)
        %add3A_220 = arith.constant 4 : i32
        %add3A_221 = arith.addi %add3A_149, %add3A_220 : i32
        %dma_start3A_222 = arith.constant 0 : i32
        %dma_start3A_223 = tpu.memref_slice %arg16[%add3A_221, %dma_start3A_222] : memref<125x80xi32, #tpu.memory_space<vmem>> -> memref<1x80xi32, #tpu.memory_space<vmem>>
        %dma_start3A_224 = tpu.memref_squeeze %dma_start3A_223 : memref<1x80xi32, #tpu.memory_space<vmem>> -> memref<80xi32, #tpu.memory_space<vmem>>
        %dma_start3A_225 = arith.constant 0 : i32
        %dma_start3A_226 = arith.constant 0 : i32
        %dma_start3A_227 = tpu.memref_slice %arg3[%dma_start3A_225, %dma_start3A_226] : memref<10000x128xf32, #tpu.memory_space<hbm>> -> memref<10000x128xf32, #tpu.memory_space<hbm>>
        tpu.enqueue_indirect_dma source(%dma_start3A_227 : memref<10000x128xf32, #tpu.memory_space<hbm>>) target(%arg13 : memref<80x128xf32, #tpu.memory_space<vmem>>) offsets(%dma_start3A_224 : memref<80xi32, #tpu.memory_space<vmem>>) semaphore(%arg23 : memref<!tpu.dma_semaphore, #tpu.memory_space<semaphore_mem>>)
      } else {
      }
      %add3A_180 = arith.constant 3 : i32
      %add3A_181 = arith.addi %mul3A_86, %add3A_180 : i32
      %mul3A_182 = arith.constant 10000 : i32
      %mul3A_183 = arith.muli %add3A, %mul3A_182 : i32
      %mul3A_184 = arith.constant 80 : i32
      %mul3A_185 = arith.muli %add3A_181, %mul3A_184 : i32
      %add3A_186 = arith.addi %mul3A_183, %mul3A_185 : i32
      %dma_wait3A_187 = arith.constant 0 : i32
      %dma_wait3A_188 = tpu.memref_slice %arg15[%add3A_181, %dma_wait3A_187] : memref<125x80xi32, #tpu.memory_space<vmem>> -> memref<1x80xi32, #tpu.memory_space<vmem>>
      %dma_wait3A_189 = tpu.memref_squeeze %dma_wait3A_188 : memref<1x80xi32, #tpu.memory_space<vmem>> -> memref<80xi32, #tpu.memory_space<vmem>>
      %dma_wait3A_190 = arith.constant 0 : i32
      %dma_wait3A_191 = arith.constant 0 : i32
      %dma_wait3A_192 = tpu.memref_slice %arg2[%dma_wait3A_190, %dma_wait3A_191] : memref<10000x128xf32, #tpu.memory_space<hbm>> -> memref<10000x128xf32, #tpu.memory_space<hbm>>
      tpu.wait_indirect_dma semaphore(%arg20 : memref<!tpu.dma_semaphore, #tpu.memory_space<semaphore_mem>>) src(%dma_wait3A_192 : memref<10000x128xf32, #tpu.memory_space<hbm>>) dst(%arg10 : memref<80x128xf32, #tpu.memory_space<vmem>>)
      %dma_wait3A_193 = arith.constant 0 : i32
      %dma_wait3A_194 = tpu.memref_slice %arg16[%add3A_181, %dma_wait3A_193] : memref<125x80xi32, #tpu.memory_space<vmem>> -> memref<1x80xi32, #tpu.memory_space<vmem>>
      %dma_wait3A_195 = tpu.memref_squeeze %dma_wait3A_194 : memref<1x80xi32, #tpu.memory_space<vmem>> -> memref<80xi32, #tpu.memory_space<vmem>>
      %dma_wait3A_196 = arith.constant 0 : i32
      %dma_wait3A_197 = arith.constant 0 : i32
      %dma_wait3A_198 = tpu.memref_slice %arg3[%dma_wait3A_196, %dma_wait3A_197] : memref<10000x128xf32, #tpu.memory_space<hbm>> -> memref<10000x128xf32, #tpu.memory_space<hbm>>
      tpu.wait_indirect_dma semaphore(%arg24 : memref<!tpu.dma_semaphore, #tpu.memory_space<semaphore_mem>>) src(%dma_wait3A_198 : memref<10000x128xf32, #tpu.memory_space<hbm>>) dst(%arg14 : memref<80x128xf32, #tpu.memory_space<vmem>>)
      %scan3A_199 = arith.constant 0 : i32
      %scan3A_200 = arith.constant 0 : i32
      %scan3A_201 = arith.constant 80 : i32
      %scan3A_202 = arith.addi %scan3A_200, %scan3A_201 : i32
      %scan3A_203 = arith.constant 1 : i32
      scf.for %scan3A_212 = %scan3A_200 to %scan3A_202 step %scan3A_203  : i32 {
        %get3A = arith.index_cast %scan3A_212 : i32 to index
        %get3A_213 = arith.constant 0 : index
        %get3A_214 = tpu.vector_load %arg10[%get3A, %get3A_213] {strides = array<i32>} : memref<80x128xf32, #tpu.memory_space<vmem>>, vector<1x16xf32>,
        %get3A_215 = vector.shape_cast %get3A_214 : vector<1x16xf32> to vector<16xf32>
        %get3A_216 = arith.index_cast %scan3A_212 : i32 to index
        %get3A_217 = arith.constant 0 : index
        %get3A_218 = tpu.vector_load %arg14[%get3A_216, %get3A_217] {strides = array<i32>} : memref<80x128xf32, #tpu.memory_space<vmem>>, vector<1x16xf32>,
        %get3A_219 = vector.shape_cast %get3A_218 : vector<1x16xf32> to vector<16xf32>
        %add3A_220 = arith.addf %get3A_215, %get3A_219 : vector<16xf32>
        %swap3A = arith.index_cast %scan3A_212 : i32 to index
        %swap3A_221 = arith.constant 0 : index
        %swap3A_222 = tpu.vector_load %arg10[%swap3A, %swap3A_221] {strides = array<i32>} : memref<80x128xf32, #tpu.memory_space<vmem>>, vector<1x16xf32>,
        %swap3A_223 = vector.shape_cast %swap3A_222 : vector<1x16xf32> to vector<16xf32>
        %swap3A_224 = vector.shape_cast %add3A_220 : vector<16xf32> to vector<1x16xf32>
        tpu.vector_store %arg10[%swap3A, %swap3A_221], %swap3A_224 {strides = array<i32>} : memref<80x128xf32, #tpu.memory_space<vmem>>, vector<1x16xf32>,
        %get3A_225 = arith.index_cast %scan3A_212 : i32 to index
        %get3A_226 = arith.constant 16 : index
        %get3A_227 = tpu.vector_load %arg10[%get3A_225, %get3A_226] {strides = array<i32>} : memref<80x128xf32, #tpu.memory_space<vmem>>, vector<1x16xf32>,
        %get3A_228 = vector.shape_cast %get3A_227 : vector<1x16xf32> to vector<16xf32>
        %get3A_229 = arith.index_cast %scan3A_212 : i32 to index
        %get3A_230 = arith.constant 16 : index
        %get3A_231 = tpu.vector_load %arg14[%get3A_229, %get3A_230] {strides = array<i32>} : memref<80x128xf32, #tpu.memory_space<vmem>>, vector<1x16xf32>,
        %get3A_232 = vector.shape_cast %get3A_231 : vector<1x16xf32> to vector<16xf32>
        %add3A_233 = arith.addf %get3A_228, %get3A_232 : vector<16xf32>
        %swap3A_234 = arith.index_cast %scan3A_212 : i32 to index
        %swap3A_235 = arith.constant 16 : index
        %swap3A_236 = tpu.vector_load %arg10[%swap3A_234, %swap3A_235] {strides = array<i32>} : memref<80x128xf32, #tpu.memory_space<vmem>>, vector<1x16xf32>,
        %swap3A_237 = vector.shape_cast %swap3A_236 : vector<1x16xf32> to vector<16xf32>
        %swap3A_238 = vector.shape_cast %add3A_233 : vector<16xf32> to vector<1x16xf32>
        tpu.vector_store %arg10[%swap3A_234, %swap3A_235], %swap3A_238 {strides = array<i32>} : memref<80x128xf32, #tpu.memory_space<vmem>>, vector<1x16xf32>,
        %get3A_239 = arith.index_cast %scan3A_212 : i32 to index
        %get3A_240 = arith.constant 32 : index
        %get3A_241 = tpu.vector_load %arg10[%get3A_239, %get3A_240] {strides = array<i32>} : memref<80x128xf32, #tpu.memory_space<vmem>>, vector<1x16xf32>,
        %get3A_242 = vector.shape_cast %get3A_241 : vector<1x16xf32> to vector<16xf32>
        %get3A_243 = arith.index_cast %scan3A_212 : i32 to index
        %get3A_244 = arith.constant 32 : index
        %get3A_245 = tpu.vector_load %arg14[%get3A_243, %get3A_244] {strides = array<i32>} : memref<80x128xf32, #tpu.memory_space<vmem>>, vector<1x16xf32>,
        %get3A_246 = vector.shape_cast %get3A_245 : vector<1x16xf32> to vector<16xf32>
        %add3A_247 = arith.addf %get3A_242, %get3A_246 : vector<16xf32>
        %swap3A_248 = arith.index_cast %scan3A_212 : i32 to index
        %swap3A_249 = arith.constant 32 : index
        %swap3A_250 = tpu.vector_load %arg10[%swap3A_248, %swap3A_249] {strides = array<i32>} : memref<80x128xf32, #tpu.memory_space<vmem>>, vector<1x16xf32>,
        %swap3A_251 = vector.shape_cast %swap3A_250 : vector<1x16xf32> to vector<16xf32>
        %swap3A_252 = vector.shape_cast %add3A_247 : vector<16xf32> to vector<1x16xf32>
        tpu.vector_store %arg10[%swap3A_248, %swap3A_249], %swap3A_252 {strides = array<i32>} : memref<80x128xf32, #tpu.memory_space<vmem>>, vector<1x16xf32>,
        %get3A_253 = arith.index_cast %scan3A_212 : i32 to index
        %get3A_254 = arith.constant 48 : index
        %get3A_255 = tpu.vector_load %arg10[%get3A_253, %get3A_254] {strides = array<i32>} : memref<80x128xf32, #tpu.memory_space<vmem>>, vector<1x16xf32>,
        %get3A_256 = vector.shape_cast %get3A_255 : vector<1x16xf32> to vector<16xf32>
        %get3A_257 = arith.index_cast %scan3A_212 : i32 to index
        %get3A_258 = arith.constant 48 : index
        %get3A_259 = tpu.vector_load %arg14[%get3A_257, %get3A_258] {strides = array<i32>} : memref<80x128xf32, #tpu.memory_space<vmem>>, vector<1x16xf32>,
        %get3A_260 = vector.shape_cast %get3A_259 : vector<1x16xf32> to vector<16xf32>
        %add3A_261 = arith.addf %get3A_256, %get3A_260 : vector<16xf32>
        %swap3A_262 = arith.index_cast %scan3A_212 : i32 to index
        %swap3A_263 = arith.constant 48 : index
        %swap3A_264 = tpu.vector_load %arg10[%swap3A_262, %swap3A_263] {strides = array<i32>} : memref<80x128xf32, #tpu.memory_space<vmem>>, vector<1x16xf32>,
        %swap3A_265 = vector.shape_cast %swap3A_264 : vector<1x16xf32> to vector<16xf32>
        %swap3A_266 = vector.shape_cast %add3A_261 : vector<16xf32> to vector<1x16xf32>
        tpu.vector_store %arg10[%swap3A_262, %swap3A_263], %swap3A_266 {strides = array<i32>} : memref<80x128xf32, #tpu.memory_space<vmem>>, vector<1x16xf32>,
        %get3A_267 = arith.index_cast %scan3A_212 : i32 to index
        %get3A_268 = arith.constant 64 : index
        %get3A_269 = tpu.vector_load %arg10[%get3A_267, %get3A_268] {strides = array<i32>} : memref<80x128xf32, #tpu.memory_space<vmem>>, vector<1x16xf32>,
        %get3A_270 = vector.shape_cast %get3A_269 : vector<1x16xf32> to vector<16xf32>
        %get3A_271 = arith.index_cast %scan3A_212 : i32 to index
        %get3A_272 = arith.constant 64 : index
        %get3A_273 = tpu.vector_load %arg14[%get3A_271, %get3A_272] {strides = array<i32>} : memref<80x128xf32, #tpu.memory_space<vmem>>, vector<1x16xf32>,
        %get3A_274 = vector.shape_cast %get3A_273 : vector<1x16xf32> to vector<16xf32>
        %add3A_275 = arith.addf %get3A_270, %get3A_274 : vector<16xf32>
        %swap3A_276 = arith.index_cast %scan3A_212 : i32 to index
        %swap3A_277 = arith.constant 64 : index
        %swap3A_278 = tpu.vector_load %arg10[%swap3A_276, %swap3A_277] {strides = array<i32>} : memref<80x128xf32, #tpu.memory_space<vmem>>, vector<1x16xf32>,
        %swap3A_279 = vector.shape_cast %swap3A_278 : vector<1x16xf32> to vector<16xf32>
        %swap3A_280 = vector.shape_cast %add3A_275 : vector<16xf32> to vector<1x16xf32>
        tpu.vector_store %arg10[%swap3A_276, %swap3A_277], %swap3A_280 {strides = array<i32>} : memref<80x128xf32, #tpu.memory_space<vmem>>, vector<1x16xf32>,
        %get3A_281 = arith.index_cast %scan3A_212 : i32 to index
        %get3A_282 = arith.constant 80 : index
        %get3A_283 = tpu.vector_load %arg10[%get3A_281, %get3A_282] {strides = array<i32>} : memref<80x128xf32, #tpu.memory_space<vmem>>, vector<1x16xf32>,
        %get3A_284 = vector.shape_cast %get3A_283 : vector<1x16xf32> to vector<16xf32>
        %get3A_285 = arith.index_cast %scan3A_212 : i32 to index
        %get3A_286 = arith.constant 80 : index
        %get3A_287 = tpu.vector_load %arg14[%get3A_285, %get3A_286] {strides = array<i32>} : memref<80x128xf32, #tpu.memory_space<vmem>>, vector<1x16xf32>,
        %get3A_288 = vector.shape_cast %get3A_287 : vector<1x16xf32> to vector<16xf32>
        %add3A_289 = arith.addf %get3A_284, %get3A_288 : vector<16xf32>
        %swap3A_290 = arith.index_cast %scan3A_212 : i32 to index
        %swap3A_291 = arith.constant 80 : index
        %swap3A_292 = tpu.vector_load %arg10[%swap3A_290, %swap3A_291] {strides = array<i32>} : memref<80x128xf32, #tpu.memory_space<vmem>>, vector<1x16xf32>,
        %swap3A_293 = vector.shape_cast %swap3A_292 : vector<1x16xf32> to vector<16xf32>
        %swap3A_294 = vector.shape_cast %add3A_289 : vector<16xf32> to vector<1x16xf32>
        tpu.vector_store %arg10[%swap3A_290, %swap3A_291], %swap3A_294 {strides = array<i32>} : memref<80x128xf32, #tpu.memory_space<vmem>>, vector<1x16xf32>,
        %get3A_295 = arith.index_cast %scan3A_212 : i32 to index
        %get3A_296 = arith.constant 96 : index
        %get3A_297 = tpu.vector_load %arg10[%get3A_295, %get3A_296] {strides = array<i32>} : memref<80x128xf32, #tpu.memory_space<vmem>>, vector<1x16xf32>,
        %get3A_298 = vector.shape_cast %get3A_297 : vector<1x16xf32> to vector<16xf32>
        %get3A_299 = arith.index_cast %scan3A_212 : i32 to index
        %get3A_300 = arith.constant 96 : index
        %get3A_301 = tpu.vector_load %arg14[%get3A_299, %get3A_300] {strides = array<i32>} : memref<80x128xf32, #tpu.memory_space<vmem>>, vector<1x16xf32>,
        %get3A_302 = vector.shape_cast %get3A_301 : vector<1x16xf32> to vector<16xf32>
        %add3A_303 = arith.addf %get3A_298, %get3A_302 : vector<16xf32>
        %swap3A_304 = arith.index_cast %scan3A_212 : i32 to index
        %swap3A_305 = arith.constant 96 : index
        %swap3A_306 = tpu.vector_load %arg10[%swap3A_304, %swap3A_305] {strides = array<i32>} : memref<80x128xf32, #tpu.memory_space<vmem>>, vector<1x16xf32>,
        %swap3A_307 = vector.shape_cast %swap3A_306 : vector<1x16xf32> to vector<16xf32>
        %swap3A_308 = vector.shape_cast %add3A_303 : vector<16xf32> to vector<1x16xf32>
        tpu.vector_store %arg10[%swap3A_304, %swap3A_305], %swap3A_308 {strides = array<i32>} : memref<80x128xf32, #tpu.memory_space<vmem>>, vector<1x16xf32>,
        %get3A_309 = arith.index_cast %scan3A_212 : i32 to index
        %get3A_310 = arith.constant 112 : index
        %get3A_311 = tpu.vector_load %arg10[%get3A_309, %get3A_310] {strides = array<i32>} : memref<80x128xf32, #tpu.memory_space<vmem>>, vector<1x16xf32>,
        %get3A_312 = vector.shape_cast %get3A_311 : vector<1x16xf32> to vector<16xf32>
        %get3A_313 = arith.index_cast %scan3A_212 : i32 to index
        %get3A_314 = arith.constant 112 : index
        %get3A_315 = tpu.vector_load %arg14[%get3A_313, %get3A_314] {strides = array<i32>} : memref<80x128xf32, #tpu.memory_space<vmem>>, vector<1x16xf32>,
        %get3A_316 = vector.shape_cast %get3A_315 : vector<1x16xf32> to vector<16xf32>
        %add3A_317 = arith.addf %get3A_312, %get3A_316 : vector<16xf32>
        %swap3A_318 = arith.index_cast %scan3A_212 : i32 to index
        %swap3A_319 = arith.constant 112 : index
        %swap3A_320 = tpu.vector_load %arg10[%swap3A_318, %swap3A_319] {strides = array<i32>} : memref<80x128xf32, #tpu.memory_space<vmem>>, vector<1x16xf32>,
        %swap3A_321 = vector.shape_cast %swap3A_320 : vector<1x16xf32> to vector<16xf32>
        %swap3A_322 = vector.shape_cast %add3A_317 : vector<16xf32> to vector<1x16xf32>
        tpu.vector_store %arg10[%swap3A_318, %swap3A_319], %swap3A_322 {strides = array<i32>} : memref<80x128xf32, #tpu.memory_space<vmem>>, vector<1x16xf32>,
      }
      %scan3A_204 = arith.constant 80 : i32
      "tpu.region"() ({
        %run_scoped3A = tpu.sem_alloc : memref<!tpu.dma_semaphore, #tpu.memory_space<semaphore_mem>>
        %dma_start3A_212 = arith.constant 0 : i32
        %dma_start3A_213 = tpu.memref_slice %arg6[%add3A_186, %dma_start3A_212] : memref<320000x128xf32, #tpu.memory_space<hbm>> -> memref<80x128xf32, #tpu.memory_space<hbm>>
        %dma_start3A_214 = arith.constant 0 : i32
        %dma_start3A_215 = tpu.memref_slice %arg6[%add3A_186, %dma_start3A_214] : memref<320000x128xf32, #tpu.memory_space<hbm>> -> memref<80x128xf32, #tpu.memory_space<hbm>>
        tpu.enqueue_dma source(%arg10 : memref<80x128xf32, #tpu.memory_space<vmem>>) target(%dma_start3A_215 : memref<80x128xf32, #tpu.memory_space<hbm>>) target_semaphore(%run_scoped3A : memref<!tpu.dma_semaphore, #tpu.memory_space<semaphore_mem>>)
        %dma_wait3A_216 = arith.constant 0 : i32
        %dma_wait3A_217 = tpu.memref_slice %arg6[%add3A_186, %dma_wait3A_216] : memref<320000x128xf32, #tpu.memory_space<hbm>> -> memref<80x128xf32, #tpu.memory_space<hbm>>
        %dma_wait3A_218 = arith.constant 0 : i32
        %dma_wait3A_219 = tpu.memref_slice %arg6[%add3A_186, %dma_wait3A_218] : memref<320000x128xf32, #tpu.memory_space<hbm>> -> memref<80x128xf32, #tpu.memory_space<hbm>>
        tpu.wait_dma2 semaphore(%run_scoped3A : memref<!tpu.dma_semaphore, #tpu.memory_space<semaphore_mem>>) src(%arg10 : memref<80x128xf32, #tpu.memory_space<vmem>>) dst(%dma_wait3A_219 : memref<80x128xf32, #tpu.memory_space<hbm>>)
        tpu.yield
      }) : () -> ()
      %add3A_205 = arith.constant 4 : i32
      %add3A_206 = arith.addi %add3A_181, %add3A_205 : i32
      %lt3A_207 = arith.constant 125 : i32
      %lt3A_208 = arith.cmpi slt, %add3A_206, %lt3A_207 : i32
      %convert_element_type3A_209 = arith.extui %lt3A_208 : i1 to i32
      %cond3A_210 = arith.constant 0 : i32
      %cond3A_211 = arith.cmpi ne, %convert_element_type3A_209, %cond3A_210 : i32
      scf.if %cond3A_211 {
        %add3A_212 = arith.constant 4 : i32
        %add3A_213 = arith.addi %add3A_181, %add3A_212 : i32
        %dma_start3A_214 = arith.constant 0 : i32
        %dma_start3A_215 = tpu.memref_slice %arg15[%add3A_213, %dma_start3A_214] : memref<125x80xi32, #tpu.memory_space<vmem>> -> memref<1x80xi32, #tpu.memory_space<vmem>>
        %dma_start3A_216 = tpu.memref_squeeze %dma_start3A_215 : memref<1x80xi32, #tpu.memory_space<vmem>> -> memref<80xi32, #tpu.memory_space<vmem>>
        %dma_start3A_217 = arith.constant 0 : i32
        %dma_start3A_218 = arith.constant 0 : i32
        %dma_start3A_219 = tpu.memref_slice %arg2[%dma_start3A_217, %dma_start3A_218] : memref<10000x128xf32, #tpu.memory_space<hbm>> -> memref<10000x128xf32, #tpu.memory_space<hbm>>
        tpu.enqueue_indirect_dma source(%dma_start3A_219 : memref<10000x128xf32, #tpu.memory_space<hbm>>) target(%arg10 : memref<80x128xf32, #tpu.memory_space<vmem>>) offsets(%dma_start3A_216 : memref<80xi32, #tpu.memory_space<vmem>>) semaphore(%arg20 : memref<!tpu.dma_semaphore, #tpu.memory_space<semaphore_mem>>)
        %add3A_220 = arith.constant 4 : i32
        %add3A_221 = arith.addi %add3A_181, %add3A_220 : i32
        %dma_start3A_222 = arith.constant 0 : i32
        %dma_start3A_223 = tpu.memref_slice %arg16[%add3A_221, %dma_start3A_222] : memref<125x80xi32, #tpu.memory_space<vmem>> -> memref<1x80xi32, #tpu.memory_space<vmem>>
        %dma_start3A_224 = tpu.memref_squeeze %dma_start3A_223 : memref<1x80xi32, #tpu.memory_space<vmem>> -> memref<80xi32, #tpu.memory_space<vmem>>
        %dma_start3A_225 = arith.constant 0 : i32
        %dma_start3A_226 = arith.constant 0 : i32
        %dma_start3A_227 = tpu.memref_slice %arg3[%dma_start3A_225, %dma_start3A_226] : memref<10000x128xf32, #tpu.memory_space<hbm>> -> memref<10000x128xf32, #tpu.memory_space<hbm>>
        tpu.enqueue_indirect_dma source(%dma_start3A_227 : memref<10000x128xf32, #tpu.memory_space<hbm>>) target(%arg14 : memref<80x128xf32, #tpu.memory_space<vmem>>) offsets(%dma_start3A_224 : memref<80xi32, #tpu.memory_space<vmem>>) semaphore(%arg24 : memref<!tpu.dma_semaphore, #tpu.memory_space<semaphore_mem>>)
      } else {
      }
    }
    %scan3A_60 = arith.constant 31 : i32
    %mul3A_61 = arith.constant 10000 : i32
    %mul3A_62 = arith.muli %add3A, %mul3A_61 : i32
    %add3A_63 = arith.constant 9920 : i32
    %add3A_64 = arith.addi %mul3A_62, %add3A_63 : i32
    %dma_wait3A = arith.constant 124 : i32
    %dma_wait3A_65 = arith.constant 0 : i32
    %dma_wait3A_66 = tpu.memref_slice %arg15[%dma_wait3A, %dma_wait3A_65] : memref<125x80xi32, #tpu.memory_space<vmem>> -> memref<1x80xi32, #tpu.memory_space<vmem>>
    %dma_wait3A_67 = tpu.memref_squeeze %dma_wait3A_66 : memref<1x80xi32, #tpu.memory_space<vmem>> -> memref<80xi32, #tpu.memory_space<vmem>>
    %dma_wait3A_68 = arith.constant 0 : i32
    %dma_wait3A_69 = arith.constant 0 : i32
    %dma_wait3A_70 = tpu.memref_slice %arg2[%dma_wait3A_68, %dma_wait3A_69] : memref<10000x128xf32, #tpu.memory_space<hbm>> -> memref<10000x128xf32, #tpu.memory_space<hbm>>
    tpu.wait_indirect_dma semaphore(%arg17 : memref<!tpu.dma_semaphore, #tpu.memory_space<semaphore_mem>>) src(%dma_wait3A_70 : memref<10000x128xf32, #tpu.memory_space<hbm>>) dst(%arg7 : memref<80x128xf32, #tpu.memory_space<vmem>>)
    %dma_wait3A_71 = arith.constant 124 : i32
    %dma_wait3A_72 = arith.constant 0 : i32
    %dma_wait3A_73 = tpu.memref_slice %arg16[%dma_wait3A_71, %dma_wait3A_72] : memref<125x80xi32, #tpu.memory_space<vmem>> -> memref<1x80xi32, #tpu.memory_space<vmem>>
    %dma_wait3A_74 = tpu.memref_squeeze %dma_wait3A_73 : memref<1x80xi32, #tpu.memory_space<vmem>> -> memref<80xi32, #tpu.memory_space<vmem>>
    %dma_wait3A_75 = arith.constant 0 : i32
    %dma_wait3A_76 = arith.constant 0 : i32
    %dma_wait3A_77 = tpu.memref_slice %arg3[%dma_wait3A_75, %dma_wait3A_76] : memref<10000x128xf32, #tpu.memory_space<hbm>> -> memref<10000x128xf32, #tpu.memory_space<hbm>>
    tpu.wait_indirect_dma semaphore(%arg21 : memref<!tpu.dma_semaphore, #tpu.memory_space<semaphore_mem>>) src(%dma_wait3A_77 : memref<10000x128xf32, #tpu.memory_space<hbm>>) dst(%arg11 : memref<80x128xf32, #tpu.memory_space<vmem>>)
    %scan3A_78 = arith.constant 0 : i32
    %scan3A_79 = arith.constant 0 : i32
    %scan3A_80 = arith.constant 80 : i32
    %scan3A_81 = arith.addi %scan3A_79, %scan3A_80 : i32
    %scan3A_82 = arith.constant 1 : i32
    scf.for %scan3A_84 = %scan3A_79 to %scan3A_81 step %scan3A_82  : i32 {
      %get3A = arith.index_cast %scan3A_84 : i32 to index
      %get3A_85 = arith.constant 0 : index
      %get3A_86 = tpu.vector_load %arg7[%get3A, %get3A_85] {strides = array<i32>} : memref<80x128xf32, #tpu.memory_space<vmem>>, vector<1x16xf32>,
      %get3A_87 = vector.shape_cast %get3A_86 : vector<1x16xf32> to vector<16xf32>
      %get3A_88 = arith.index_cast %scan3A_84 : i32 to index
      %get3A_89 = arith.constant 0 : index
      %get3A_90 = tpu.vector_load %arg11[%get3A_88, %get3A_89] {strides = array<i32>} : memref<80x128xf32, #tpu.memory_space<vmem>>, vector<1x16xf32>,
      %get3A_91 = vector.shape_cast %get3A_90 : vector<1x16xf32> to vector<16xf32>
      %add3A_92 = arith.addf %get3A_87, %get3A_91 : vector<16xf32>
      %swap3A = arith.index_cast %scan3A_84 : i32 to index
      %swap3A_93 = arith.constant 0 : index
      %swap3A_94 = tpu.vector_load %arg7[%swap3A, %swap3A_93] {strides = array<i32>} : memref<80x128xf32, #tpu.memory_space<vmem>>, vector<1x16xf32>,
      %swap3A_95 = vector.shape_cast %swap3A_94 : vector<1x16xf32> to vector<16xf32>
      %swap3A_96 = vector.shape_cast %add3A_92 : vector<16xf32> to vector<1x16xf32>
      tpu.vector_store %arg7[%swap3A, %swap3A_93], %swap3A_96 {strides = array<i32>} : memref<80x128xf32, #tpu.memory_space<vmem>>, vector<1x16xf32>,
      %get3A_97 = arith.index_cast %scan3A_84 : i32 to index
      %get3A_98 = arith.constant 16 : index
      %get3A_99 = tpu.vector_load %arg7[%get3A_97, %get3A_98] {strides = array<i32>} : memref<80x128xf32, #tpu.memory_space<vmem>>, vector<1x16xf32>,
      %get3A_100 = vector.shape_cast %get3A_99 : vector<1x16xf32> to vector<16xf32>
      %get3A_101 = arith.index_cast %scan3A_84 : i32 to index
      %get3A_102 = arith.constant 16 : index
      %get3A_103 = tpu.vector_load %arg11[%get3A_101, %get3A_102] {strides = array<i32>} : memref<80x128xf32, #tpu.memory_space<vmem>>, vector<1x16xf32>,
      %get3A_104 = vector.shape_cast %get3A_103 : vector<1x16xf32> to vector<16xf32>
      %add3A_105 = arith.addf %get3A_100, %get3A_104 : vector<16xf32>
      %swap3A_106 = arith.index_cast %scan3A_84 : i32 to index
      %swap3A_107 = arith.constant 16 : index
      %swap3A_108 = tpu.vector_load %arg7[%swap3A_106, %swap3A_107] {strides = array<i32>} : memref<80x128xf32, #tpu.memory_space<vmem>>, vector<1x16xf32>,
      %swap3A_109 = vector.shape_cast %swap3A_108 : vector<1x16xf32> to vector<16xf32>
      %swap3A_110 = vector.shape_cast %add3A_105 : vector<16xf32> to vector<1x16xf32>
      tpu.vector_store %arg7[%swap3A_106, %swap3A_107], %swap3A_110 {strides = array<i32>} : memref<80x128xf32, #tpu.memory_space<vmem>>, vector<1x16xf32>,
      %get3A_111 = arith.index_cast %scan3A_84 : i32 to index
      %get3A_112 = arith.constant 32 : index
      %get3A_113 = tpu.vector_load %arg7[%get3A_111, %get3A_112] {strides = array<i32>} : memref<80x128xf32, #tpu.memory_space<vmem>>, vector<1x16xf32>,
      %get3A_114 = vector.shape_cast %get3A_113 : vector<1x16xf32> to vector<16xf32>
      %get3A_115 = arith.index_cast %scan3A_84 : i32 to index
      %get3A_116 = arith.constant 32 : index
      %get3A_117 = tpu.vector_load %arg11[%get3A_115, %get3A_116] {strides = array<i32>} : memref<80x128xf32, #tpu.memory_space<vmem>>, vector<1x16xf32>,
      %get3A_118 = vector.shape_cast %get3A_117 : vector<1x16xf32> to vector<16xf32>
      %add3A_119 = arith.addf %get3A_114, %get3A_118 : vector<16xf32>
      %swap3A_120 = arith.index_cast %scan3A_84 : i32 to index
      %swap3A_121 = arith.constant 32 : index
      %swap3A_122 = tpu.vector_load %arg7[%swap3A_120, %swap3A_121] {strides = array<i32>} : memref<80x128xf32, #tpu.memory_space<vmem>>, vector<1x16xf32>,
      %swap3A_123 = vector.shape_cast %swap3A_122 : vector<1x16xf32> to vector<16xf32>
      %swap3A_124 = vector.shape_cast %add3A_119 : vector<16xf32> to vector<1x16xf32>
      tpu.vector_store %arg7[%swap3A_120, %swap3A_121], %swap3A_124 {strides = array<i32>} : memref<80x128xf32, #tpu.memory_space<vmem>>, vector<1x16xf32>,
      %get3A_125 = arith.index_cast %scan3A_84 : i32 to index
      %get3A_126 = arith.constant 48 : index
      %get3A_127 = tpu.vector_load %arg7[%get3A_125, %get3A_126] {strides = array<i32>} : memref<80x128xf32, #tpu.memory_space<vmem>>, vector<1x16xf32>,
      %get3A_128 = vector.shape_cast %get3A_127 : vector<1x16xf32> to vector<16xf32>
      %get3A_129 = arith.index_cast %scan3A_84 : i32 to index
      %get3A_130 = arith.constant 48 : index
      %get3A_131 = tpu.vector_load %arg11[%get3A_129, %get3A_130] {strides = array<i32>} : memref<80x128xf32, #tpu.memory_space<vmem>>, vector<1x16xf32>,
      %get3A_132 = vector.shape_cast %get3A_131 : vector<1x16xf32> to vector<16xf32>
      %add3A_133 = arith.addf %get3A_128, %get3A_132 : vector<16xf32>
      %swap3A_134 = arith.index_cast %scan3A_84 : i32 to index
      %swap3A_135 = arith.constant 48 : index
      %swap3A_136 = tpu.vector_load %arg7[%swap3A_134, %swap3A_135] {strides = array<i32>} : memref<80x128xf32, #tpu.memory_space<vmem>>, vector<1x16xf32>,
      %swap3A_137 = vector.shape_cast %swap3A_136 : vector<1x16xf32> to vector<16xf32>
      %swap3A_138 = vector.shape_cast %add3A_133 : vector<16xf32> to vector<1x16xf32>
      tpu.vector_store %arg7[%swap3A_134, %swap3A_135], %swap3A_138 {strides = array<i32>} : memref<80x128xf32, #tpu.memory_space<vmem>>, vector<1x16xf32>,
      %get3A_139 = arith.index_cast %scan3A_84 : i32 to index
      %get3A_140 = arith.constant 64 : index
      %get3A_141 = tpu.vector_load %arg7[%get3A_139, %get3A_140] {strides = array<i32>} : memref<80x128xf32, #tpu.memory_space<vmem>>, vector<1x16xf32>,
      %get3A_142 = vector.shape_cast %get3A_141 : vector<1x16xf32> to vector<16xf32>
      %get3A_143 = arith.index_cast %scan3A_84 : i32 to index
      %get3A_144 = arith.constant 64 : index
      %get3A_145 = tpu.vector_load %arg11[%get3A_143, %get3A_144] {strides = array<i32>} : memref<80x128xf32, #tpu.memory_space<vmem>>, vector<1x16xf32>,
      %get3A_146 = vector.shape_cast %get3A_145 : vector<1x16xf32> to vector<16xf32>
      %add3A_147 = arith.addf %get3A_142, %get3A_146 : vector<16xf32>
      %swap3A_148 = arith.index_cast %scan3A_84 : i32 to index
      %swap3A_149 = arith.constant 64 : index
      %swap3A_150 = tpu.vector_load %arg7[%swap3A_148, %swap3A_149] {strides = array<i32>} : memref<80x128xf32, #tpu.memory_space<vmem>>, vector<1x16xf32>,
      %swap3A_151 = vector.shape_cast %swap3A_150 : vector<1x16xf32> to vector<16xf32>
      %swap3A_152 = vector.shape_cast %add3A_147 : vector<16xf32> to vector<1x16xf32>
      tpu.vector_store %arg7[%swap3A_148, %swap3A_149], %swap3A_152 {strides = array<i32>} : memref<80x128xf32, #tpu.memory_space<vmem>>, vector<1x16xf32>,
      %get3A_153 = arith.index_cast %scan3A_84 : i32 to index
      %get3A_154 = arith.constant 80 : index
      %get3A_155 = tpu.vector_load %arg7[%get3A_153, %get3A_154] {strides = array<i32>} : memref<80x128xf32, #tpu.memory_space<vmem>>, vector<1x16xf32>,
      %get3A_156 = vector.shape_cast %get3A_155 : vector<1x16xf32> to vector<16xf32>
      %get3A_157 = arith.index_cast %scan3A_84 : i32 to index
      %get3A_158 = arith.constant 80 : index
      %get3A_159 = tpu.vector_load %arg11[%get3A_157, %get3A_158] {strides = array<i32>} : memref<80x128xf32, #tpu.memory_space<vmem>>, vector<1x16xf32>,
      %get3A_160 = vector.shape_cast %get3A_159 : vector<1x16xf32> to vector<16xf32>
      %add3A_161 = arith.addf %get3A_156, %get3A_160 : vector<16xf32>
      %swap3A_162 = arith.index_cast %scan3A_84 : i32 to index
      %swap3A_163 = arith.constant 80 : index
      %swap3A_164 = tpu.vector_load %arg7[%swap3A_162, %swap3A_163] {strides = array<i32>} : memref<80x128xf32, #tpu.memory_space<vmem>>, vector<1x16xf32>,
      %swap3A_165 = vector.shape_cast %swap3A_164 : vector<1x16xf32> to vector<16xf32>
      %swap3A_166 = vector.shape_cast %add3A_161 : vector<16xf32> to vector<1x16xf32>
      tpu.vector_store %arg7[%swap3A_162, %swap3A_163], %swap3A_166 {strides = array<i32>} : memref<80x128xf32, #tpu.memory_space<vmem>>, vector<1x16xf32>,
      %get3A_167 = arith.index_cast %scan3A_84 : i32 to index
      %get3A_168 = arith.constant 96 : index
      %get3A_169 = tpu.vector_load %arg7[%get3A_167, %get3A_168] {strides = array<i32>} : memref<80x128xf32, #tpu.memory_space<vmem>>, vector<1x16xf32>,
      %get3A_170 = vector.shape_cast %get3A_169 : vector<1x16xf32> to vector<16xf32>
      %get3A_171 = arith.index_cast %scan3A_84 : i32 to index
      %get3A_172 = arith.constant 96 : index
      %get3A_173 = tpu.vector_load %arg11[%get3A_171, %get3A_172] {strides = array<i32>} : memref<80x128xf32, #tpu.memory_space<vmem>>, vector<1x16xf32>,
      %get3A_174 = vector.shape_cast %get3A_173 : vector<1x16xf32> to vector<16xf32>
      %add3A_175 = arith.addf %get3A_170, %get3A_174 : vector<16xf32>
      %swap3A_176 = arith.index_cast %scan3A_84 : i32 to index
      %swap3A_177 = arith.constant 96 : index
      %swap3A_178 = tpu.vector_load %arg7[%swap3A_176, %swap3A_177] {strides = array<i32>} : memref<80x128xf32, #tpu.memory_space<vmem>>, vector<1x16xf32>,
      %swap3A_179 = vector.shape_cast %swap3A_178 : vector<1x16xf32> to vector<16xf32>
      %swap3A_180 = vector.shape_cast %add3A_175 : vector<16xf32> to vector<1x16xf32>
      tpu.vector_store %arg7[%swap3A_176, %swap3A_177], %swap3A_180 {strides = array<i32>} : memref<80x128xf32, #tpu.memory_space<vmem>>, vector<1x16xf32>,
      %get3A_181 = arith.index_cast %scan3A_84 : i32 to index
      %get3A_182 = arith.constant 112 : index
      %get3A_183 = tpu.vector_load %arg7[%get3A_181, %get3A_182] {strides = array<i32>} : memref<80x128xf32, #tpu.memory_space<vmem>>, vector<1x16xf32>,
      %get3A_184 = vector.shape_cast %get3A_183 : vector<1x16xf32> to vector<16xf32>
      %get3A_185 = arith.index_cast %scan3A_84 : i32 to index
      %get3A_186 = arith.constant 112 : index
      %get3A_187 = tpu.vector_load %arg11[%get3A_185, %get3A_186] {strides = array<i32>} : memref<80x128xf32, #tpu.memory_space<vmem>>, vector<1x16xf32>,
      %get3A_188 = vector.shape_cast %get3A_187 : vector<1x16xf32> to vector<16xf32>
      %add3A_189 = arith.addf %get3A_184, %get3A_188 : vector<16xf32>
      %swap3A_190 = arith.index_cast %scan3A_84 : i32 to index
      %swap3A_191 = arith.constant 112 : index
      %swap3A_192 = tpu.vector_load %arg7[%swap3A_190, %swap3A_191] {strides = array<i32>} : memref<80x128xf32, #tpu.memory_space<vmem>>, vector<1x16xf32>,
      %swap3A_193 = vector.shape_cast %swap3A_192 : vector<1x16xf32> to vector<16xf32>
      %swap3A_194 = vector.shape_cast %add3A_189 : vector<16xf32> to vector<1x16xf32>
      tpu.vector_store %arg7[%swap3A_190, %swap3A_191], %swap3A_194 {strides = array<i32>} : memref<80x128xf32, #tpu.memory_space<vmem>>, vector<1x16xf32>,
    }
    %scan3A_83 = arith.constant 80 : i32
    "tpu.region"() ({
      %run_scoped3A = tpu.sem_alloc : memref<!tpu.dma_semaphore, #tpu.memory_space<semaphore_mem>>
      %dma_start3A_84 = arith.constant 0 : i32
      %dma_start3A_85 = tpu.memref_slice %arg6[%add3A_64, %dma_start3A_84] : memref<320000x128xf32, #tpu.memory_space<hbm>> -> memref<80x128xf32, #tpu.memory_space<hbm>>
      %dma_start3A_86 = arith.constant 0 : i32
      %dma_start3A_87 = tpu.memref_slice %arg6[%add3A_64, %dma_start3A_86] : memref<320000x128xf32, #tpu.memory_space<hbm>> -> memref<80x128xf32, #tpu.memory_space<hbm>>
      tpu.enqueue_dma source(%arg7 : memref<80x128xf32, #tpu.memory_space<vmem>>) target(%dma_start3A_87 : memref<80x128xf32, #tpu.memory_space<hbm>>) target_semaphore(%run_scoped3A : memref<!tpu.dma_semaphore, #tpu.memory_space<semaphore_mem>>)
      %dma_wait3A_88 = arith.constant 0 : i32
      %dma_wait3A_89 = tpu.memref_slice %arg6[%add3A_64, %dma_wait3A_88] : memref<320000x128xf32, #tpu.memory_space<hbm>> -> memref<80x128xf32, #tpu.memory_space<hbm>>
      %dma_wait3A_90 = arith.constant 0 : i32
      %dma_wait3A_91 = tpu.memref_slice %arg6[%add3A_64, %dma_wait3A_90] : memref<320000x128xf32, #tpu.memory_space<hbm>> -> memref<80x128xf32, #tpu.memory_space<hbm>>
      tpu.wait_dma2 semaphore(%run_scoped3A : memref<!tpu.dma_semaphore, #tpu.memory_space<semaphore_mem>>) src(%arg7 : memref<80x128xf32, #tpu.memory_space<vmem>>) dst(%dma_wait3A_91 : memref<80x128xf32, #tpu.memory_space<hbm>>)
      tpu.yield
    }) : () -> ()
    return
  }
}

#map = affine_map<(d0, d1) -> (0, 0)>
#map1 = affine_map<(d0, d1) -> (0, 0, 0)>
module attributes {stable_mosaic.version = 14 : i64} {
  func.func @_seg_sum_sc(%arg0: i32, %arg1: i32, %arg2: memref<320000x128xf32, #tpu.memory_space<hbm>>, %arg3: memref<32x125x80xi32, #tpu.memory_space<hbm>>, %arg4: memref<632x128xf32, #tpu.memory_space<hbm>>, %arg5: memref<2x10112x128xf32, #tpu.memory_space<hbm>>, %arg6: memref<80x128xf32, #tpu.memory_space<vmem>>, %arg7: memref<80x128xf32, #tpu.memory_space<vmem>>, %arg8: memref<80x128xf32, #tpu.memory_space<vmem>>, %arg9: memref<125x80xi32, #tpu.memory_space<vmem>>, %arg10: memref<10112x128xf32, #tpu.memory_space<vmem_shared>>, %arg11: memref<!tpu.dma_semaphore, #tpu.memory_space<semaphore_mem>>, %arg12: memref<!tpu.dma_semaphore, #tpu.memory_space<semaphore_mem>>, %arg13: memref<!tpu.dma_semaphore, #tpu.memory_space<semaphore_mem>>) attributes {dimension_semantics = [#tpu.dimension_semantics<core_parallel>, #tpu.dimension_semantics<subcore_parallel>], iteration_bounds = array<i64: 2, 16>, scalar_prefetch = 0 : i64, scratch_operands = 8 : i64, tpu.core_type = #tpu.core_type<sc_vector_subcore>, window_params = [{transform_indices = #map}, {transform_indices = #map1}, {transform_indices = #map}, {transform_indices = #map1}]} {
    %mul3A = arith.constant 2 : i32
    %mul3A_0 = arith.muli %arg1, %mul3A : i32
    %add3A = arith.addi %mul3A_0, %arg0 : i32
    %mul3A_1 = arith.constant 632 : i32
    %mul3A_2 = arith.muli %arg1, %mul3A_1 : i32
    "tpu.region"() ({
      %run_scoped3A_52 = tpu.sem_alloc : memref<!tpu.dma_semaphore, #tpu.memory_space<semaphore_mem>>
      %dma_start3A_53 = arith.constant 0 : i32
      %dma_start3A_54 = tpu.memref_slice %arg10[%mul3A_2, %dma_start3A_53] : memref<10112x128xf32, #tpu.memory_space<vmem_shared>> -> memref<632x128xf32, #tpu.memory_space<vmem_shared>>
      tpu.enqueue_dma source(%arg4 : memref<632x128xf32, #tpu.memory_space<hbm>>) target(%dma_start3A_54 : memref<632x128xf32, #tpu.memory_space<vmem_shared>>) target_semaphore(%run_scoped3A_52 : memref<!tpu.dma_semaphore, #tpu.memory_space<semaphore_mem>>)
      %dma_wait3A_55 = arith.constant 0 : i32
      %dma_wait3A_56 = tpu.memref_slice %arg10[%mul3A_2, %dma_wait3A_55] : memref<10112x128xf32, #tpu.memory_space<vmem_shared>> -> memref<632x128xf32, #tpu.memory_space<vmem_shared>>
      tpu.wait_dma2 semaphore(%run_scoped3A_52 : memref<!tpu.dma_semaphore, #tpu.memory_space<semaphore_mem>>) src(%arg4 : memref<632x128xf32, #tpu.memory_space<hbm>>) dst(%dma_wait3A_56 : memref<632x128xf32, #tpu.memory_space<vmem_shared>>)
      tpu.yield
    }) : () -> ()
    "tpu.region"() ({
      %run_scoped3A_52 = tpu.sem_alloc : memref<!tpu.dma_semaphore, #tpu.memory_space<semaphore_mem>>
      %dma_start3A_53 = arith.constant 0 : i32
      %dma_start3A_54 = arith.constant 0 : i32
      %dma_start3A_55 = tpu.memref_slice %arg3[%add3A, %dma_start3A_53, %dma_start3A_54] : memref<32x125x80xi32, #tpu.memory_space<hbm>> -> memref<1x125x80xi32, #tpu.memory_space<hbm>>
      %dma_start3A_56 = tpu.memref_squeeze %dma_start3A_55 : memref<1x125x80xi32, #tpu.memory_space<hbm>> -> memref<125x80xi32, #tpu.memory_space<hbm>>
      %dma_start3A_57 = arith.constant 0 : i32
      %dma_start3A_58 = arith.constant 0 : i32
      %dma_start3A_59 = tpu.memref_slice %arg3[%add3A, %dma_start3A_57, %dma_start3A_58] : memref<32x125x80xi32, #tpu.memory_space<hbm>> -> memref<1x125x80xi32, #tpu.memory_space<hbm>>
      %dma_start3A_60 = tpu.memref_squeeze %dma_start3A_59 : memref<1x125x80xi32, #tpu.memory_space<hbm>> -> memref<125x80xi32, #tpu.memory_space<hbm>>
      tpu.enqueue_dma source(%dma_start3A_60 : memref<125x80xi32, #tpu.memory_space<hbm>>) target(%arg9 : memref<125x80xi32, #tpu.memory_space<vmem>>) target_semaphore(%run_scoped3A_52 : memref<!tpu.dma_semaphore, #tpu.memory_space<semaphore_mem>>)
      %dma_wait3A_61 = arith.constant 0 : i32
      %dma_wait3A_62 = arith.constant 0 : i32
      %dma_wait3A_63 = tpu.memref_slice %arg3[%add3A, %dma_wait3A_61, %dma_wait3A_62] : memref<32x125x80xi32, #tpu.memory_space<hbm>> -> memref<1x125x80xi32, #tpu.memory_space<hbm>>
      %dma_wait3A_64 = tpu.memref_squeeze %dma_wait3A_63 : memref<1x125x80xi32, #tpu.memory_space<hbm>> -> memref<125x80xi32, #tpu.memory_space<hbm>>
      %dma_wait3A_65 = arith.constant 0 : i32
      %dma_wait3A_66 = arith.constant 0 : i32
      %dma_wait3A_67 = tpu.memref_slice %arg3[%add3A, %dma_wait3A_65, %dma_wait3A_66] : memref<32x125x80xi32, #tpu.memory_space<hbm>> -> memref<1x125x80xi32, #tpu.memory_space<hbm>>
      %dma_wait3A_68 = tpu.memref_squeeze %dma_wait3A_67 : memref<1x125x80xi32, #tpu.memory_space<hbm>> -> memref<125x80xi32, #tpu.memory_space<hbm>>
      tpu.wait_dma2 semaphore(%run_scoped3A_52 : memref<!tpu.dma_semaphore, #tpu.memory_space<semaphore_mem>>) src(%dma_wait3A_68 : memref<125x80xi32, #tpu.memory_space<hbm>>) dst(%arg9 : memref<125x80xi32, #tpu.memory_space<vmem>>)
      tpu.yield
    }) : () -> ()
    %barrier3A = arith.constant 0 : index
    tpu.barrier barrier_id(%barrier3A)
    %mul3A_3 = arith.constant 10000 : i32
    %mul3A_4 = arith.muli %add3A, %mul3A_3 : i32
    %add3A_5 = arith.constant 0 : i32
    %add3A_6 = arith.addi %mul3A_4, %add3A_5 : i32
    %dma_start3A = arith.constant 0 : i32
    %dma_start3A_7 = tpu.memref_slice %arg2[%add3A_6, %dma_start3A] : memref<320000x128xf32, #tpu.memory_space<hbm>> -> memref<80x128xf32, #tpu.memory_space<hbm>>
    %dma_start3A_8 = arith.constant 0 : i32
    %dma_start3A_9 = tpu.memref_slice %arg2[%add3A_6, %dma_start3A_8] : memref<320000x128xf32, #tpu.memory_space<hbm>> -> memref<80x128xf32, #tpu.memory_space<hbm>>
    tpu.enqueue_dma source(%dma_start3A_9 : memref<80x128xf32, #tpu.memory_space<hbm>>) target(%arg6 : memref<80x128xf32, #tpu.memory_space<vmem>>) target_semaphore(%arg11 : memref<!tpu.dma_semaphore, #tpu.memory_space<semaphore_mem>>)
    %mul3A_10 = arith.constant 10000 : i32
    %mul3A_11 = arith.muli %add3A, %mul3A_10 : i32
    %add3A_12 = arith.constant 80 : i32
    %add3A_13 = arith.addi %mul3A_11, %add3A_12 : i32
    %dma_start3A_14 = arith.constant 0 : i32
    %dma_start3A_15 = tpu.memref_slice %arg2[%add3A_13, %dma_start3A_14] : memref<320000x128xf32, #tpu.memory_space<hbm>> -> memref<80x128xf32, #tpu.memory_space<hbm>>
    %dma_start3A_16 = arith.constant 0 : i32
    %dma_start3A_17 = tpu.memref_slice %arg2[%add3A_13, %dma_start3A_16] : memref<320000x128xf32, #tpu.memory_space<hbm>> -> memref<80x128xf32, #tpu.memory_space<hbm>>
    tpu.enqueue_dma source(%dma_start3A_17 : memref<80x128xf32, #tpu.memory_space<hbm>>) target(%arg7 : memref<80x128xf32, #tpu.memory_space<vmem>>) target_semaphore(%arg12 : memref<!tpu.dma_semaphore, #tpu.memory_space<semaphore_mem>>)
    %mul3A_18 = arith.constant 10000 : i32
    %mul3A_19 = arith.muli %add3A, %mul3A_18 : i32
    %add3A_20 = arith.constant 160 : i32
    %add3A_21 = arith.addi %mul3A_19, %add3A_20 : i32
    %dma_start3A_22 = arith.constant 0 : i32
    %dma_start3A_23 = tpu.memref_slice %arg2[%add3A_21, %dma_start3A_22] : memref<320000x128xf32, #tpu.memory_space<hbm>> -> memref<80x128xf32, #tpu.memory_space<hbm>>
    %dma_start3A_24 = arith.constant 0 : i32
    %dma_start3A_25 = tpu.memref_slice %arg2[%add3A_21, %dma_start3A_24] : memref<320000x128xf32, #tpu.memory_space<hbm>> -> memref<80x128xf32, #tpu.memory_space<hbm>>
    tpu.enqueue_dma source(%dma_start3A_25 : memref<80x128xf32, #tpu.memory_space<hbm>>) target(%arg8 : memref<80x128xf32, #tpu.memory_space<vmem>>) target_semaphore(%arg13 : memref<!tpu.dma_semaphore, #tpu.memory_space<semaphore_mem>>)
    %scan3A = arith.constant 0 : i32
    %scan3A_26 = arith.constant 0 : i32
    %scan3A_27 = arith.constant 41 : i32
    %scan3A_28 = arith.addi %scan3A_26, %scan3A_27 : i32
    %scan3A_29 = arith.constant 1 : i32
    scf.for %scan3A_52 = %scan3A_26 to %scan3A_28 step %scan3A_29  : i32 {
      %mul3A_53 = arith.constant 3 : i32
      %mul3A_54 = arith.muli %scan3A_52, %mul3A_53 : i32
      %add3A_55 = arith.constant 0 : i32
      %add3A_56 = arith.addi %mul3A_54, %add3A_55 : i32
      %mul3A_57 = arith.constant 10000 : i32
      %mul3A_58 = arith.muli %add3A, %mul3A_57 : i32
      %mul3A_59 = arith.constant 80 : i32
      %mul3A_60 = arith.muli %add3A_56, %mul3A_59 : i32
      %add3A_61 = arith.addi %mul3A_58, %mul3A_60 : i32
      %dma_wait3A_62 = arith.constant 0 : i32
      %dma_wait3A_63 = tpu.memref_slice %arg2[%add3A_61, %dma_wait3A_62] : memref<320000x128xf32, #tpu.memory_space<hbm>> -> memref<80x128xf32, #tpu.memory_space<hbm>>
      %dma_wait3A_64 = arith.constant 0 : i32
      %dma_wait3A_65 = tpu.memref_slice %arg2[%add3A_61, %dma_wait3A_64] : memref<320000x128xf32, #tpu.memory_space<hbm>> -> memref<80x128xf32, #tpu.memory_space<hbm>>
      tpu.wait_dma2 semaphore(%arg11 : memref<!tpu.dma_semaphore, #tpu.memory_space<semaphore_mem>>) src(%dma_wait3A_65 : memref<80x128xf32, #tpu.memory_space<hbm>>) dst(%arg6 : memref<80x128xf32, #tpu.memory_space<vmem>>)
      "tpu.region"() ({
        %run_scoped3A_106 = tpu.sem_alloc : memref<!tpu.dma_semaphore, #tpu.memory_space<semaphore_mem>>
        %dma_start3A_107 = arith.constant 0 : i32
        %dma_start3A_108 = tpu.memref_slice %arg9[%add3A_56, %dma_start3A_107] : memref<125x80xi32, #tpu.memory_space<vmem>> -> memref<1x80xi32, #tpu.memory_space<vmem>>
        %dma_start3A_109 = tpu.memref_squeeze %dma_start3A_108 : memref<1x80xi32, #tpu.memory_space<vmem>> -> memref<80xi32, #tpu.memory_space<vmem>>
        %dma_start3A_110 = arith.constant 0 : i32
        %dma_start3A_111 = arith.constant 0 : i32
        %dma_start3A_112 = tpu.memref_slice %arg10[%dma_start3A_110, %dma_start3A_111] : memref<10112x128xf32, #tpu.memory_space<vmem_shared>> -> memref<10112x128xf32, #tpu.memory_space<vmem_shared>>
        tpu.enqueue_indirect_dma source(%arg6 : memref<80x128xf32, #tpu.memory_space<vmem>>) target(%dma_start3A_112 : memref<10112x128xf32, #tpu.memory_space<vmem_shared>>) offsets(%dma_start3A_109 : memref<80xi32, #tpu.memory_space<vmem>>) semaphore(%run_scoped3A_106 : memref<!tpu.dma_semaphore, #tpu.memory_space<semaphore_mem>>) {add = true}
        %dma_wait3A_113 = arith.constant 0 : i32
        %dma_wait3A_114 = tpu.memref_slice %arg9[%add3A_56, %dma_wait3A_113] : memref<125x80xi32, #tpu.memory_space<vmem>> -> memref<1x80xi32, #tpu.memory_space<vmem>>
        %dma_wait3A_115 = tpu.memref_squeeze %dma_wait3A_114 : memref<1x80xi32, #tpu.memory_space<vmem>> -> memref<80xi32, #tpu.memory_space<vmem>>
        %dma_wait3A_116 = arith.constant 0 : i32
        %dma_wait3A_117 = arith.constant 0 : i32
        %dma_wait3A_118 = tpu.memref_slice %arg10[%dma_wait3A_116, %dma_wait3A_117] : memref<10112x128xf32, #tpu.memory_space<vmem_shared>> -> memref<10112x128xf32, #tpu.memory_space<vmem_shared>>
        tpu.wait_indirect_dma semaphore(%run_scoped3A_106 : memref<!tpu.dma_semaphore, #tpu.memory_space<semaphore_mem>>) src(%arg6 : memref<80x128xf32, #tpu.memory_space<vmem>>) dst(%dma_wait3A_118 : memref<10112x128xf32, #tpu.memory_space<vmem_shared>>)
        tpu.yield
      }) : () -> ()
      %add3A_66 = arith.constant 3 : i32
      %add3A_67 = arith.addi %add3A_56, %add3A_66 : i32
      %lt3A = arith.constant 125 : i32
      %lt3A_68 = arith.cmpi slt, %add3A_67, %lt3A : i32
      %convert_element_type3A = arith.extui %lt3A_68 : i1 to i32
      %cond3A = arith.constant 0 : i32
      %cond3A_69 = arith.cmpi ne, %convert_element_type3A, %cond3A : i32
      scf.if %cond3A_69 {
        %mul3A_106 = arith.constant 10000 : i32
        %mul3A_107 = arith.muli %add3A, %mul3A_106 : i32
        %add3A_108 = arith.constant 3 : i32
        %add3A_109 = arith.addi %add3A_56, %add3A_108 : i32
        %mul3A_110 = arith.constant 80 : i32
        %mul3A_111 = arith.muli %add3A_109, %mul3A_110 : i32
        %add3A_112 = arith.addi %mul3A_107, %mul3A_111 : i32
        %dma_start3A_113 = arith.constant 0 : i32
        %dma_start3A_114 = tpu.memref_slice %arg2[%add3A_112, %dma_start3A_113] : memref<320000x128xf32, #tpu.memory_space<hbm>> -> memref<80x128xf32, #tpu.memory_space<hbm>>
        %dma_start3A_115 = arith.constant 0 : i32
        %dma_start3A_116 = tpu.memref_slice %arg2[%add3A_112, %dma_start3A_115] : memref<320000x128xf32, #tpu.memory_space<hbm>> -> memref<80x128xf32, #tpu.memory_space<hbm>>
        tpu.enqueue_dma source(%dma_start3A_116 : memref<80x128xf32, #tpu.memory_space<hbm>>) target(%arg6 : memref<80x128xf32, #tpu.memory_space<vmem>>) target_semaphore(%arg11 : memref<!tpu.dma_semaphore, #tpu.memory_space<semaphore_mem>>)
      } else {
      }
      %add3A_70 = arith.constant 1 : i32
      %add3A_71 = arith.addi %mul3A_54, %add3A_70 : i32
      %mul3A_72 = arith.constant 10000 : i32
      %mul3A_73 = arith.muli %add3A, %mul3A_72 : i32
      %mul3A_74 = arith.constant 80 : i32
      %mul3A_75 = arith.muli %add3A_71, %mul3A_74 : i32
      %add3A_76 = arith.addi %mul3A_73, %mul3A_75 : i32
      %dma_wait3A_77 = arith.constant 0 : i32
      %dma_wait3A_78 = tpu.memref_slice %arg2[%add3A_76, %dma_wait3A_77] : memref<320000x128xf32, #tpu.memory_space<hbm>> -> memref<80x128xf32, #tpu.memory_space<hbm>>
      %dma_wait3A_79 = arith.constant 0 : i32
      %dma_wait3A_80 = tpu.memref_slice %arg2[%add3A_76, %dma_wait3A_79] : memref<320000x128xf32, #tpu.memory_space<hbm>> -> memref<80x128xf32, #tpu.memory_space<hbm>>
      tpu.wait_dma2 semaphore(%arg12 : memref<!tpu.dma_semaphore, #tpu.memory_space<semaphore_mem>>) src(%dma_wait3A_80 : memref<80x128xf32, #tpu.memory_space<hbm>>) dst(%arg7 : memref<80x128xf32, #tpu.memory_space<vmem>>)
      "tpu.region"() ({
        %run_scoped3A_106 = tpu.sem_alloc : memref<!tpu.dma_semaphore, #tpu.memory_space<semaphore_mem>>
        %dma_start3A_107 = arith.constant 0 : i32
        %dma_start3A_108 = tpu.memref_slice %arg9[%add3A_71, %dma_start3A_107] : memref<125x80xi32, #tpu.memory_space<vmem>> -> memref<1x80xi32, #tpu.memory_space<vmem>>
        %dma_start3A_109 = tpu.memref_squeeze %dma_start3A_108 : memref<1x80xi32, #tpu.memory_space<vmem>> -> memref<80xi32, #tpu.memory_space<vmem>>
        %dma_start3A_110 = arith.constant 0 : i32
        %dma_start3A_111 = arith.constant 0 : i32
        %dma_start3A_112 = tpu.memref_slice %arg10[%dma_start3A_110, %dma_start3A_111] : memref<10112x128xf32, #tpu.memory_space<vmem_shared>> -> memref<10112x128xf32, #tpu.memory_space<vmem_shared>>
        tpu.enqueue_indirect_dma source(%arg7 : memref<80x128xf32, #tpu.memory_space<vmem>>) target(%dma_start3A_112 : memref<10112x128xf32, #tpu.memory_space<vmem_shared>>) offsets(%dma_start3A_109 : memref<80xi32, #tpu.memory_space<vmem>>) semaphore(%run_scoped3A_106 : memref<!tpu.dma_semaphore, #tpu.memory_space<semaphore_mem>>) {add = true}
        %dma_wait3A_113 = arith.constant 0 : i32
        %dma_wait3A_114 = tpu.memref_slice %arg9[%add3A_71, %dma_wait3A_113] : memref<125x80xi32, #tpu.memory_space<vmem>> -> memref<1x80xi32, #tpu.memory_space<vmem>>
        %dma_wait3A_115 = tpu.memref_squeeze %dma_wait3A_114 : memref<1x80xi32, #tpu.memory_space<vmem>> -> memref<80xi32, #tpu.memory_space<vmem>>
        %dma_wait3A_116 = arith.constant 0 : i32
        %dma_wait3A_117 = arith.constant 0 : i32
        %dma_wait3A_118 = tpu.memref_slice %arg10[%dma_wait3A_116, %dma_wait3A_117] : memref<10112x128xf32, #tpu.memory_space<vmem_shared>> -> memref<10112x128xf32, #tpu.memory_space<vmem_shared>>
        tpu.wait_indirect_dma semaphore(%run_scoped3A_106 : memref<!tpu.dma_semaphore, #tpu.memory_space<semaphore_mem>>) src(%arg7 : memref<80x128xf32, #tpu.memory_space<vmem>>) dst(%dma_wait3A_118 : memref<10112x128xf32, #tpu.memory_space<vmem_shared>>)
        tpu.yield
      }) : () -> ()
      %add3A_81 = arith.constant 3 : i32
      %add3A_82 = arith.addi %add3A_71, %add3A_81 : i32
      %lt3A_83 = arith.constant 125 : i32
      %lt3A_84 = arith.cmpi slt, %add3A_82, %lt3A_83 : i32
      %convert_element_type3A_85 = arith.extui %lt3A_84 : i1 to i32
      %cond3A_86 = arith.constant 0 : i32
      %cond3A_87 = arith.cmpi ne, %convert_element_type3A_85, %cond3A_86 : i32
      scf.if %cond3A_87 {
        %mul3A_106 = arith.constant 10000 : i32
        %mul3A_107 = arith.muli %add3A, %mul3A_106 : i32
        %add3A_108 = arith.constant 3 : i32
        %add3A_109 = arith.addi %add3A_71, %add3A_108 : i32
        %mul3A_110 = arith.constant 80 : i32
        %mul3A_111 = arith.muli %add3A_109, %mul3A_110 : i32
        %add3A_112 = arith.addi %mul3A_107, %mul3A_111 : i32
        %dma_start3A_113 = arith.constant 0 : i32
        %dma_start3A_114 = tpu.memref_slice %arg2[%add3A_112, %dma_start3A_113] : memref<320000x128xf32, #tpu.memory_space<hbm>> -> memref<80x128xf32, #tpu.memory_space<hbm>>
        %dma_start3A_115 = arith.constant 0 : i32
        %dma_start3A_116 = tpu.memref_slice %arg2[%add3A_112, %dma_start3A_115] : memref<320000x128xf32, #tpu.memory_space<hbm>> -> memref<80x128xf32, #tpu.memory_space<hbm>>
        tpu.enqueue_dma source(%dma_start3A_116 : memref<80x128xf32, #tpu.memory_space<hbm>>) target(%arg7 : memref<80x128xf32, #tpu.memory_space<vmem>>) target_semaphore(%arg12 : memref<!tpu.dma_semaphore, #tpu.memory_space<semaphore_mem>>)
      } else {
      }
      %add3A_88 = arith.constant 2 : i32
      %add3A_89 = arith.addi %mul3A_54, %add3A_88 : i32
      %mul3A_90 = arith.constant 10000 : i32
      %mul3A_91 = arith.muli %add3A, %mul3A_90 : i32
      %mul3A_92 = arith.constant 80 : i32
      %mul3A_93 = arith.muli %add3A_89, %mul3A_92 : i32
      %add3A_94 = arith.addi %mul3A_91, %mul3A_93 : i32
      %dma_wait3A_95 = arith.constant 0 : i32
      %dma_wait3A_96 = tpu.memref_slice %arg2[%add3A_94, %dma_wait3A_95] : memref<320000x128xf32, #tpu.memory_space<hbm>> -> memref<80x128xf32, #tpu.memory_space<hbm>>
      %dma_wait3A_97 = arith.constant 0 : i32
      %dma_wait3A_98 = tpu.memref_slice %arg2[%add3A_94, %dma_wait3A_97] : memref<320000x128xf32, #tpu.memory_space<hbm>> -> memref<80x128xf32, #tpu.memory_space<hbm>>
      tpu.wait_dma2 semaphore(%arg13 : memref<!tpu.dma_semaphore, #tpu.memory_space<semaphore_mem>>) src(%dma_wait3A_98 : memref<80x128xf32, #tpu.memory_space<hbm>>) dst(%arg8 : memref<80x128xf32, #tpu.memory_space<vmem>>)
      "tpu.region"() ({
        %run_scoped3A_106 = tpu.sem_alloc : memref<!tpu.dma_semaphore, #tpu.memory_space<semaphore_mem>>
        %dma_start3A_107 = arith.constant 0 : i32
        %dma_start3A_108 = tpu.memref_slice %arg9[%add3A_89, %dma_start3A_107] : memref<125x80xi32, #tpu.memory_space<vmem>> -> memref<1x80xi32, #tpu.memory_space<vmem>>
        %dma_start3A_109 = tpu.memref_squeeze %dma_start3A_108 : memref<1x80xi32, #tpu.memory_space<vmem>> -> memref<80xi32, #tpu.memory_space<vmem>>
        %dma_start3A_110 = arith.constant 0 : i32
        %dma_start3A_111 = arith.constant 0 : i32
        %dma_start3A_112 = tpu.memref_slice %arg10[%dma_start3A_110, %dma_start3A_111] : memref<10112x128xf32, #tpu.memory_space<vmem_shared>> -> memref<10112x128xf32, #tpu.memory_space<vmem_shared>>
        tpu.enqueue_indirect_dma source(%arg8 : memref<80x128xf32, #tpu.memory_space<vmem>>) target(%dma_start3A_112 : memref<10112x128xf32, #tpu.memory_space<vmem_shared>>) offsets(%dma_start3A_109 : memref<80xi32, #tpu.memory_space<vmem>>) semaphore(%run_scoped3A_106 : memref<!tpu.dma_semaphore, #tpu.memory_space<semaphore_mem>>) {add = true}
        %dma_wait3A_113 = arith.constant 0 : i32
        %dma_wait3A_114 = tpu.memref_slice %arg9[%add3A_89, %dma_wait3A_113] : memref<125x80xi32, #tpu.memory_space<vmem>> -> memref<1x80xi32, #tpu.memory_space<vmem>>
        %dma_wait3A_115 = tpu.memref_squeeze %dma_wait3A_114 : memref<1x80xi32, #tpu.memory_space<vmem>> -> memref<80xi32, #tpu.memory_space<vmem>>
        %dma_wait3A_116 = arith.constant 0 : i32
        %dma_wait3A_117 = arith.constant 0 : i32
        %dma_wait3A_118 = tpu.memref_slice %arg10[%dma_wait3A_116, %dma_wait3A_117] : memref<10112x128xf32, #tpu.memory_space<vmem_shared>> -> memref<10112x128xf32, #tpu.memory_space<vmem_shared>>
        tpu.wait_indirect_dma semaphore(%run_scoped3A_106 : memref<!tpu.dma_semaphore, #tpu.memory_space<semaphore_mem>>) src(%arg8 : memref<80x128xf32, #tpu.memory_space<vmem>>) dst(%dma_wait3A_118 : memref<10112x128xf32, #tpu.memory_space<vmem_shared>>)
        tpu.yield
      }) : () -> ()
      %add3A_99 = arith.constant 3 : i32
      %add3A_100 = arith.addi %add3A_89, %add3A_99 : i32
      %lt3A_101 = arith.constant 125 : i32
      %lt3A_102 = arith.cmpi slt, %add3A_100, %lt3A_101 : i32
      %convert_element_type3A_103 = arith.extui %lt3A_102 : i1 to i32
      %cond3A_104 = arith.constant 0 : i32
      %cond3A_105 = arith.cmpi ne, %convert_element_type3A_103, %cond3A_104 : i32
      scf.if %cond3A_105 {
        %mul3A_106 = arith.constant 10000 : i32
        %mul3A_107 = arith.muli %add3A, %mul3A_106 : i32
        %add3A_108 = arith.constant 3 : i32
        %add3A_109 = arith.addi %add3A_89, %add3A_108 : i32
        %mul3A_110 = arith.constant 80 : i32
        %mul3A_111 = arith.muli %add3A_109, %mul3A_110 : i32
        %add3A_112 = arith.addi %mul3A_107, %mul3A_111 : i32
        %dma_start3A_113 = arith.constant 0 : i32
        %dma_start3A_114 = tpu.memref_slice %arg2[%add3A_112, %dma_start3A_113] : memref<320000x128xf32, #tpu.memory_space<hbm>> -> memref<80x128xf32, #tpu.memory_space<hbm>>
        %dma_start3A_115 = arith.constant 0 : i32
        %dma_start3A_116 = tpu.memref_slice %arg2[%add3A_112, %dma_start3A_115] : memref<320000x128xf32, #tpu.memory_space<hbm>> -> memref<80x128xf32, #tpu.memory_space<hbm>>
        tpu.enqueue_dma source(%dma_start3A_116 : memref<80x128xf32, #tpu.memory_space<hbm>>) target(%arg8 : memref<80x128xf32, #tpu.memory_space<vmem>>) target_semaphore(%arg13 : memref<!tpu.dma_semaphore, #tpu.memory_space<semaphore_mem>>)
      } else {
      }
    }
    %scan3A_30 = arith.constant 41 : i32
    %mul3A_31 = arith.constant 10000 : i32
    %mul3A_32 = arith.muli %add3A, %mul3A_31 : i32
    %add3A_33 = arith.constant 9840 : i32
    %add3A_34 = arith.addi %mul3A_32, %add3A_33 : i32
    %dma_wait3A = arith.constant 0 : i32
    %dma_wait3A_35 = tpu.memref_slice %arg2[%add3A_34, %dma_wait3A] : memref<320000x128xf32, #tpu.memory_space<hbm>> -> memref<80x128xf32, #tpu.memory_space<hbm>>
    %dma_wait3A_36 = arith.constant 0 : i32
    %dma_wait3A_37 = tpu.memref_slice %arg2[%add3A_34, %dma_wait3A_36] : memref<320000x128xf32, #tpu.memory_space<hbm>> -> memref<80x128xf32, #tpu.memory_space<hbm>>
    tpu.wait_dma2 semaphore(%arg11 : memref<!tpu.dma_semaphore, #tpu.memory_space<semaphore_mem>>) src(%dma_wait3A_37 : memref<80x128xf32, #tpu.memory_space<hbm>>) dst(%arg6 : memref<80x128xf32, #tpu.memory_space<vmem>>)
    %run_scoped3A = arith.constant 123 : i32
    "tpu.region"() ({
      %run_scoped3A_52 = tpu.sem_alloc : memref<!tpu.dma_semaphore, #tpu.memory_space<semaphore_mem>>
      %dma_start3A_53 = arith.constant 0 : i32
      %dma_start3A_54 = tpu.memref_slice %arg9[%run_scoped3A, %dma_start3A_53] : memref<125x80xi32, #tpu.memory_space<vmem>> -> memref<1x80xi32, #tpu.memory_space<vmem>>
      %dma_start3A_55 = tpu.memref_squeeze %dma_start3A_54 : memref<1x80xi32, #tpu.memory_space<vmem>> -> memref<80xi32, #tpu.memory_space<vmem>>
      %dma_start3A_56 = arith.constant 0 : i32
      %dma_start3A_57 = arith.constant 0 : i32
      %dma_start3A_58 = tpu.memref_slice %arg10[%dma_start3A_56, %dma_start3A_57] : memref<10112x128xf32, #tpu.memory_space<vmem_shared>> -> memref<10112x128xf32, #tpu.memory_space<vmem_shared>>
      tpu.enqueue_indirect_dma source(%arg6 : memref<80x128xf32, #tpu.memory_space<vmem>>) target(%dma_start3A_58 : memref<10112x128xf32, #tpu.memory_space<vmem_shared>>) offsets(%dma_start3A_55 : memref<80xi32, #tpu.memory_space<vmem>>) semaphore(%run_scoped3A_52 : memref<!tpu.dma_semaphore, #tpu.memory_space<semaphore_mem>>) {add = true}
      %dma_wait3A_59 = arith.constant 0 : i32
      %dma_wait3A_60 = tpu.memref_slice %arg9[%run_scoped3A, %dma_wait3A_59] : memref<125x80xi32, #tpu.memory_space<vmem>> -> memref<1x80xi32, #tpu.memory_space<vmem>>
      %dma_wait3A_61 = tpu.memref_squeeze %dma_wait3A_60 : memref<1x80xi32, #tpu.memory_space<vmem>> -> memref<80xi32, #tpu.memory_space<vmem>>
      %dma_wait3A_62 = arith.constant 0 : i32
      %dma_wait3A_63 = arith.constant 0 : i32
      %dma_wait3A_64 = tpu.memref_slice %arg10[%dma_wait3A_62, %dma_wait3A_63] : memref<10112x128xf32, #tpu.memory_space<vmem_shared>> -> memref<10112x128xf32, #tpu.memory_space<vmem_shared>>
      tpu.wait_indirect_dma semaphore(%run_scoped3A_52 : memref<!tpu.dma_semaphore, #tpu.memory_space<semaphore_mem>>) src(%arg6 : memref<80x128xf32, #tpu.memory_space<vmem>>) dst(%dma_wait3A_64 : memref<10112x128xf32, #tpu.memory_space<vmem_shared>>)
      tpu.yield
    }) : () -> ()
    %mul3A_38 = arith.constant 10000 : i32
    %mul3A_39 = arith.muli %add3A, %mul3A_38 : i32
    %add3A_40 = arith.constant 9920 : i32
    %add3A_41 = arith.addi %mul3A_39, %add3A_40 : i32
    %dma_wait3A_42 = arith.constant 0 : i32
    %dma_wait3A_43 = tpu.memref_slice %arg2[%add3A_41, %dma_wait3A_42] : memref<320000x128xf32, #tpu.memory_space<hbm>> -> memref<80x128xf32, #tpu.memory_space<hbm>>
    %dma_wait3A_44 = arith.constant 0 : i32
    %dma_wait3A_45 = tpu.memref_slice %arg2[%add3A_41, %dma_wait3A_44] : memref<320000x128xf32, #tpu.memory_space<hbm>> -> memref<80x128xf32, #tpu.memory_space<hbm>>
    tpu.wait_dma2 semaphore(%arg12 : memref<!tpu.dma_semaphore, #tpu.memory_space<semaphore_mem>>) src(%dma_wait3A_45 : memref<80x128xf32, #tpu.memory_space<hbm>>) dst(%arg7 : memref<80x128xf32, #tpu.memory_space<vmem>>)
    %run_scoped3A_46 = arith.constant 124 : i32
    "tpu.region"() ({
      %run_scoped3A_52 = tpu.sem_alloc : memref<!tpu.dma_semaphore, #tpu.memory_space<semaphore_mem>>
      %dma_start3A_53 = arith.constant 0 : i32
      %dma_start3A_54 = tpu.memref_slice %arg9[%run_scoped3A_46, %dma_start3A_53] : memref<125x80xi32, #tpu.memory_space<vmem>> -> memref<1x80xi32, #tpu.memory_space<vmem>>
      %dma_start3A_55 = tpu.memref_squeeze %dma_start3A_54 : memref<1x80xi32, #tpu.memory_space<vmem>> -> memref<80xi32, #tpu.memory_space<vmem>>
      %dma_start3A_56 = arith.constant 0 : i32
      %dma_start3A_57 = arith.constant 0 : i32
      %dma_start3A_58 = tpu.memref_slice %arg10[%dma_start3A_56, %dma_start3A_57] : memref<10112x128xf32, #tpu.memory_space<vmem_shared>> -> memref<10112x128xf32, #tpu.memory_space<vmem_shared>>
      tpu.enqueue_indirect_dma source(%arg7 : memref<80x128xf32, #tpu.memory_space<vmem>>) target(%dma_start3A_58 : memref<10112x128xf32, #tpu.memory_space<vmem_shared>>) offsets(%dma_start3A_55 : memref<80xi32, #tpu.memory_space<vmem>>) semaphore(%run_scoped3A_52 : memref<!tpu.dma_semaphore, #tpu.memory_space<semaphore_mem>>) {add = true}
      %dma_wait3A_59 = arith.constant 0 : i32
      %dma_wait3A_60 = tpu.memref_slice %arg9[%run_scoped3A_46, %dma_wait3A_59] : memref<125x80xi32, #tpu.memory_space<vmem>> -> memref<1x80xi32, #tpu.memory_space<vmem>>
      %dma_wait3A_61 = tpu.memref_squeeze %dma_wait3A_60 : memref<1x80xi32, #tpu.memory_space<vmem>> -> memref<80xi32, #tpu.memory_space<vmem>>
      %dma_wait3A_62 = arith.constant 0 : i32
      %dma_wait3A_63 = arith.constant 0 : i32
      %dma_wait3A_64 = tpu.memref_slice %arg10[%dma_wait3A_62, %dma_wait3A_63] : memref<10112x128xf32, #tpu.memory_space<vmem_shared>> -> memref<10112x128xf32, #tpu.memory_space<vmem_shared>>
      tpu.wait_indirect_dma semaphore(%run_scoped3A_52 : memref<!tpu.dma_semaphore, #tpu.memory_space<semaphore_mem>>) src(%arg7 : memref<80x128xf32, #tpu.memory_space<vmem>>) dst(%dma_wait3A_64 : memref<10112x128xf32, #tpu.memory_space<vmem_shared>>)
      tpu.yield
    }) : () -> ()
    %barrier3A_47 = arith.constant 0 : index
    tpu.barrier barrier_id(%barrier3A_47)
    %mul3A_48 = arith.constant 632 : i32
    %mul3A_49 = arith.muli %arg1, %mul3A_48 : i32
    %mul3A_50 = arith.constant 632 : i32
    %mul3A_51 = arith.muli %arg1, %mul3A_50 : i32
    "tpu.region"() ({
      %run_scoped3A_52 = tpu.sem_alloc : memref<!tpu.dma_semaphore, #tpu.memory_space<semaphore_mem>>
      %dma_start3A_53 = arith.constant 0 : i32
      %dma_start3A_54 = tpu.memref_slice %arg5[%arg0, %mul3A_51, %dma_start3A_53] : memref<2x10112x128xf32, #tpu.memory_space<hbm>> -> memref<1x632x128xf32, #tpu.memory_space<hbm>>
      %dma_start3A_55 = tpu.memref_squeeze %dma_start3A_54 : memref<1x632x128xf32, #tpu.memory_space<hbm>> -> memref<632x128xf32, #tpu.memory_space<hbm>>
      %dma_start3A_56 = arith.constant 0 : i32
      %dma_start3A_57 = tpu.memref_slice %arg10[%mul3A_49, %dma_start3A_56] : memref<10112x128xf32, #tpu.memory_space<vmem_shared>> -> memref<632x128xf32, #tpu.memory_space<vmem_shared>>
      tpu.enqueue_dma source(%dma_start3A_57 : memref<632x128xf32, #tpu.memory_space<vmem_shared>>) target(%dma_start3A_55 : memref<632x128xf32, #tpu.memory_space<hbm>>) target_semaphore(%run_scoped3A_52 : memref<!tpu.dma_semaphore, #tpu.memory_space<semaphore_mem>>)
      %dma_wait3A_58 = arith.constant 0 : i32
      %dma_wait3A_59 = tpu.memref_slice %arg5[%arg0, %mul3A_51, %dma_wait3A_58] : memref<2x10112x128xf32, #tpu.memory_space<hbm>> -> memref<1x632x128xf32, #tpu.memory_space<hbm>>
      %dma_wait3A_60 = tpu.memref_squeeze %dma_wait3A_59 : memref<1x632x128xf32, #tpu.memory_space<hbm>> -> memref<632x128xf32, #tpu.memory_space<hbm>>
      %dma_wait3A_61 = arith.constant 0 : i32
      %dma_wait3A_62 = tpu.memref_slice %arg10[%mul3A_49, %dma_wait3A_61] : memref<10112x128xf32, #tpu.memory_space<vmem_shared>> -> memref<632x128xf32, #tpu.memory_space<vmem_shared>>
      tpu.wait_dma2 semaphore(%run_scoped3A_52 : memref<!tpu.dma_semaphore, #tpu.memory_space<semaphore_mem>>) src(%dma_wait3A_62 : memref<632x128xf32, #tpu.memory_space<vmem_shared>>) dst(%dma_wait3A_60 : memref<632x128xf32, #tpu.memory_space<hbm>>)
      tpu.yield
    }) : () -> ()
    return
  }
}

module attributes {stable_mosaic.version = 14 : i64} {
  func.func @_node_mlp_body(%arg0: i32, %arg1: memref<2000x128xf32, #tpu.memory_space<vmem>>, %arg2: memref<2x2000x128xf32, #tpu.memory_space<vmem>>, %arg3: memref<256x128xf32, #tpu.memory_space<vmem>>, %arg4: memref<1x128xf32, #tpu.memory_space<vmem>>, %arg5: memref<128x128xf32, #tpu.memory_space<vmem>>, %arg6: memref<1x128xf32, #tpu.memory_space<vmem>>, %arg7: memref<1x128xf32, #tpu.memory_space<vmem>>, %arg8: memref<1x128xf32, #tpu.memory_space<vmem>>, %arg9: memref<384x128xf32, #tpu.memory_space<vmem>>, %arg10: memref<128x128xf32, #tpu.memory_space<vmem>>, %arg11: memref<2000x128xf32, #tpu.memory_space<vmem>>, %arg12: memref<2000x128xf32, #tpu.memory_space<vmem>>, %arg13: memref<2000x128xf32, #tpu.memory_space<vmem>>) attributes {dimension_semantics = [#tpu.dimension_semantics<arbitrary>], iteration_bounds = array<i64: 5>, scalar_prefetch = 0 : i64, scratch_operands = 0 : i64, tpu.core_type = #tpu.core_type<tc>, window_params = [{transform_indices = @transform_0, window_bounds = array<i64: 2000, 128>}, {transform_indices = @transform_1, window_bounds = array<i64: 2, 2000, 128>}, {pipeline_mode = #tpu.pipeline_mode<synchronous>, transform_indices = @transform_2, window_bounds = array<i64: 256, 128>}, {pipeline_mode = #tpu.pipeline_mode<synchronous>, transform_indices = @transform_3, window_bounds = array<i64: 1, 128>}, {pipeline_mode = #tpu.pipeline_mode<synchronous>, transform_indices = @transform_4, window_bounds = array<i64: 128, 128>}, {pipeline_mode = #tpu.pipeline_mode<synchronous>, transform_indices = @transform_5, window_bounds = array<i64: 1, 128>}, {pipeline_mode = #tpu.pipeline_mode<synchronous>, transform_indices = @transform_6, window_bounds = array<i64: 1, 128>}, {pipeline_mode = #tpu.pipeline_mode<synchronous>, transform_indices = @transform_7, window_bounds = array<i64: 1, 128>}, {pipeline_mode = #tpu.pipeline_mode<synchronous>, transform_indices = @transform_8, window_bounds = array<i64: 384, 128>}, {pipeline_mode = #tpu.pipeline_mode<synchronous>, transform_indices = @transform_9, window_bounds = array<i64: 128, 128>}, {transform_indices = @transform_10, window_bounds = array<i64: 2000, 128>}, {transform_indices = @transform_11, window_bounds = array<i64: 2000, 128>}, {transform_indices = @transform_12, window_bounds = array<i64: 2000, 128>}]} {
    %get3A = arith.constant 0 : index
    %get3A_0 = arith.constant 0 : index
    %get3A_1 = arith.constant 0 : index
    %get3A_2 = vector.load %arg2[%get3A, %get3A_0, %get3A_1] : memref<2x2000x128xf32, #tpu.memory_space<vmem>>, vector<1x2000x128xf32>
    %get3A_3 = vector.shape_cast %get3A_2 : vector<1x2000x128xf32> to vector<2000x128xf32>
    %get3A_4 = arith.constant 1 : index
    %get3A_5 = arith.constant 0 : index
    %get3A_6 = arith.constant 0 : index
    %get3A_7 = vector.load %arg2[%get3A_4, %get3A_5, %get3A_6] : memref<2x2000x128xf32, #tpu.memory_space<vmem>>, vector<1x2000x128xf32>
    %get3A_8 = vector.shape_cast %get3A_7 : vector<1x2000x128xf32> to vector<2000x128xf32>
    %add3A = arith.addf %get3A_3, %get3A_8 : vector<2000x128xf32>
    %get3A_9 = arith.constant 0 : index
    %get3A_10 = arith.constant 0 : index
    %get3A_11 = vector.load %arg1[%get3A_9, %get3A_10] : memref<2000x128xf32, #tpu.memory_space<vmem>>, vector<2000x128xf32>
    %get3A_12 = arith.constant 0 : index
    %get3A_13 = arith.constant 0 : index
    %get3A_14 = vector.load %arg3[%get3A_12, %get3A_13] : memref<256x128xf32, #tpu.memory_space<vmem>>, vector<128x128xf32>
    %dot_general3A = arith.constant dense<0.000000e+00> : vector<2000x128xf32>
    %dot_general3A_15 = tpu.matmul %get3A_11, %get3A_14, %dot_general3A {dimension_numbers = #tpu.dot_dimension_numbers<[1], [0], [0], [1], [0, 0, 1, 1], [], []>, transpose_lhs_hint = false} : vector<2000x128xf32>, vector<128x128xf32>, vector<2000x128xf32> -> vector<2000x128xf32>
    %get3A_16 = arith.constant 128 : index
    %get3A_17 = arith.constant 0 : index
    %get3A_18 = vector.load %arg3[%get3A_16, %get3A_17] : memref<256x128xf32, #tpu.memory_space<vmem>>, vector<128x128xf32>
    %dot_general3A_19 = arith.constant dense<0.000000e+00> : vector<2000x128xf32>
    %dot_general3A_20 = tpu.matmul %add3A, %get3A_18, %dot_general3A_19 {dimension_numbers = #tpu.dot_dimension_numbers<[1], [0], [0], [1], [0, 0, 1, 1], [], []>, transpose_lhs_hint = false} : vector<2000x128xf32>, vector<128x128xf32>, vector<2000x128xf32> -> vector<2000x128xf32>
    %add3A_21 = arith.addf %dot_general3A_15, %dot_general3A_20 : vector<2000x128xf32>
    %get3A_22 = arith.constant 0 : index
    %get3A_23 = arith.constant 0 : index
    %get3A_24 = vector.load %arg4[%get3A_22, %get3A_23] : memref<1x128xf32, #tpu.memory_space<vmem>>, vector<1x128xf32>
    %add3A_25 = vector.broadcast %get3A_24 : vector<1x128xf32> to vector<2000x128xf32>
    %add3A_26 = arith.addf %add3A_21, %add3A_25 : vector<2000x128xf32>
    %get3A_27 = arith.constant 0 : index
    %get3A_28 = arith.constant 0 : index
    %get3A_29 = vector.load %arg5[%get3A_27, %get3A_28] : memref<128x128xf32, #tpu.memory_space<vmem>>, vector<128x128xf32>
    %dot_general3A_30 = arith.constant dense<0.000000e+00> : vector<2000x128xf32>
    %dot_general3A_31 = tpu.matmul %add3A_26, %get3A_29, %dot_general3A_30 {dimension_numbers = #tpu.dot_dimension_numbers<[1], [0], [0], [1], [0, 0, 1, 1], [], []>, transpose_lhs_hint = false} : vector<2000x128xf32>, vector<128x128xf32>, vector<2000x128xf32> -> vector<2000x128xf32>
    %get3A_32 = arith.constant 0 : index
    %get3A_33 = arith.constant 0 : index
    %get3A_34 = vector.load %arg6[%get3A_32, %get3A_33] : memref<1x128xf32, #tpu.memory_space<vmem>>, vector<1x128xf32>
    %add3A_35 = vector.broadcast %get3A_34 : vector<1x128xf32> to vector<2000x128xf32>
    %add3A_36 = arith.addf %dot_general3A_31, %add3A_35 : vector<2000x128xf32>
    %reduce_sum3A = arith.constant dense<0.000000e+00> : vector<2000xf32>
    %reduce_sum3A_37 = vector.multi_reduction <add>, %add3A_36, %reduce_sum3A [1] : vector<2000x128xf32> to vector<2000xf32>
    %broadcast_in_dim3A = vector.shape_cast %reduce_sum3A_37 : vector<2000xf32> to vector<2000x1xf32>
    %div3A = arith.constant 1.280000e+02 : f32
    %div3A_38 = vector.broadcast %div3A : f32 to vector<2000x1xf32>
    %div3A_39 = arith.divf %broadcast_in_dim3A, %div3A_38 : vector<2000x1xf32>
    %sub3A = vector.broadcast %div3A_39 : vector<2000x1xf32> to vector<2000x128xf32>
    %sub3A_40 = arith.subf %add3A_36, %sub3A : vector<2000x128xf32>
    %mul3A = arith.mulf %sub3A_40, %sub3A_40 : vector<2000x128xf32>
    %reduce_sum3A_41 = arith.constant dense<0.000000e+00> : vector<2000xf32>
    %reduce_sum3A_42 = vector.multi_reduction <add>, %mul3A, %reduce_sum3A_41 [1] : vector<2000x128xf32> to vector<2000xf32>
    %broadcast_in_dim3A_43 = vector.shape_cast %reduce_sum3A_42 : vector<2000xf32> to vector<2000x1xf32>
    %div3A_44 = arith.constant 1.280000e+02 : f32
    %div3A_45 = vector.broadcast %div3A_44 : f32 to vector<2000x1xf32>
    %div3A_46 = arith.divf %broadcast_in_dim3A_43, %div3A_45 : vector<2000x1xf32>
    %add3A_47 = arith.constant 9.99999974E-6 : f32
    %add3A_48 = vector.broadcast %add3A_47 : f32 to vector<2000x1xf32>
    %add3A_49 = arith.addf %div3A_46, %add3A_48 : vector<2000x1xf32>
    %rsqrt3A = math.rsqrt %add3A_49 : vector<2000x1xf32>
    %mul3A_50 = vector.broadcast %rsqrt3A : vector<2000x1xf32> to vector<2000x128xf32>
    %mul3A_51 = arith.mulf %sub3A_40, %mul3A_50 : vector<2000x128xf32>
    %get3A_52 = arith.constant 0 : index
    %get3A_53 = arith.constant 0 : index
    %get3A_54 = vector.load %arg7[%get3A_52, %get3A_53] : memref<1x128xf32, #tpu.memory_space<vmem>>, vector<1x128xf32>
    %mul3A_55 = vector.broadcast %get3A_54 : vector<1x128xf32> to vector<2000x128xf32>
    %mul3A_56 = arith.mulf %mul3A_51, %mul3A_55 : vector<2000x128xf32>
    %get3A_57 = arith.constant 0 : index
    %get3A_58 = arith.constant 0 : index
    %get3A_59 = vector.load %arg8[%get3A_57, %get3A_58] : memref<1x128xf32, #tpu.memory_space<vmem>>, vector<1x128xf32>
    %add3A_60 = vector.broadcast %get3A_59 : vector<1x128xf32> to vector<2000x128xf32>
    %add3A_61 = arith.addf %mul3A_56, %add3A_60 : vector<2000x128xf32>
    %swap3A = arith.constant 0 : index
    %swap3A_62 = arith.constant 0 : index
    %swap3A_63 = vector.load %arg11[%swap3A, %swap3A_62] : memref<2000x128xf32, #tpu.memory_space<vmem>>, vector<2000x128xf32>
    tpu.vector_store %arg11[%swap3A, %swap3A_62], %add3A_61 {strides = array<i32>} : memref<2000x128xf32, #tpu.memory_space<vmem>>, vector<2000x128xf32>,
    %get3A_64 = arith.constant 0 : index
    %get3A_65 = arith.constant 0 : index
    %get3A_66 = vector.load %arg9[%get3A_64, %get3A_65] : memref<384x128xf32, #tpu.memory_space<vmem>>, vector<128x128xf32>
    %get3A_67 = arith.constant 0 : index
    %get3A_68 = arith.constant 0 : index
    %get3A_69 = vector.load %arg10[%get3A_67, %get3A_68] : memref<128x128xf32, #tpu.memory_space<vmem>>, vector<128x128xf32>
    %dot_general3A_70 = arith.constant dense<0.000000e+00> : vector<128x128xf32>
    %dot_general3A_71 = tpu.matmul %get3A_66, %get3A_69, %dot_general3A_70 {dimension_numbers = #tpu.dot_dimension_numbers<[1], [0], [0], [1], [0, 0, 1, 1], [], []>, transpose_lhs_hint = false} : vector<128x128xf32>, vector<128x128xf32>, vector<128x128xf32> -> vector<128x128xf32>
    %get3A_72 = arith.constant 128 : index
    %get3A_73 = arith.constant 0 : index
    %get3A_74 = vector.load %arg9[%get3A_72, %get3A_73] : memref<384x128xf32, #tpu.memory_space<vmem>>, vector<128x128xf32>
    %get3A_75 = arith.constant 0 : index
    %get3A_76 = arith.constant 0 : index
    %get3A_77 = vector.load %arg10[%get3A_75, %get3A_76] : memref<128x128xf32, #tpu.memory_space<vmem>>, vector<128x128xf32>
    %dot_general3A_78 = arith.constant dense<0.000000e+00> : vector<128x128xf32>
    %dot_general3A_79 = tpu.matmul %get3A_74, %get3A_77, %dot_general3A_78 {dimension_numbers = #tpu.dot_dimension_numbers<[1], [0], [0], [1], [0, 0, 1, 1], [], []>, transpose_lhs_hint = false} : vector<128x128xf32>, vector<128x128xf32>, vector<128x128xf32> -> vector<128x128xf32>
    %dot_general3A_80 = arith.constant dense<0.000000e+00> : vector<2000x128xf32>
    %dot_general3A_81 = tpu.matmul %add3A_61, %dot_general3A_71, %dot_general3A_80 {dimension_numbers = #tpu.dot_dimension_numbers<[1], [0], [0], [1], [0, 0, 1, 1], [], []>, transpose_lhs_hint = false} : vector<2000x128xf32>, vector<128x128xf32>, vector<2000x128xf32> -> vector<2000x128xf32>
    %swap3A_82 = arith.constant 0 : index
    %swap3A_83 = arith.constant 0 : index
    %swap3A_84 = vector.load %arg12[%swap3A_82, %swap3A_83] : memref<2000x128xf32, #tpu.memory_space<vmem>>, vector<2000x128xf32>
    tpu.vector_store %arg12[%swap3A_82, %swap3A_83], %dot_general3A_81 {strides = array<i32>} : memref<2000x128xf32, #tpu.memory_space<vmem>>, vector<2000x128xf32>,
    %dot_general3A_85 = arith.constant dense<0.000000e+00> : vector<2000x128xf32>
    %dot_general3A_86 = tpu.matmul %add3A_61, %dot_general3A_79, %dot_general3A_85 {dimension_numbers = #tpu.dot_dimension_numbers<[1], [0], [0], [1], [0, 0, 1, 1], [], []>, transpose_lhs_hint = false} : vector<2000x128xf32>, vector<128x128xf32>, vector<2000x128xf32> -> vector<2000x128xf32>
    %swap3A_87 = arith.constant 0 : index
    %swap3A_88 = arith.constant 0 : index
    %swap3A_89 = vector.load %arg13[%swap3A_87, %swap3A_88] : memref<2000x128xf32, #tpu.memory_space<vmem>>, vector<2000x128xf32>
    tpu.vector_store %arg13[%swap3A_87, %swap3A_88], %dot_general3A_86 {strides = array<i32>} : memref<2000x128xf32, #tpu.memory_space<vmem>>, vector<2000x128xf32>,
    return
  }
  func.func @transform_0(%arg0: i32) -> (i32, i32) {
    %c0_i32 = arith.constant 0 : i32
    %c0_i32_0 = arith.constant 0 : i32
    return %arg0, %c0_i32 : i32, i32
  }
  func.func @transform_1(%arg0: i32) -> (i32, i32, i32) {
    %c0_i32 = arith.constant 0 : i32
    %c0_i32_0 = arith.constant 0 : i32
    %c0_i32_1 = arith.constant 0 : i32
    return %c0_i32, %arg0, %c0_i32_0 : i32, i32, i32
  }
  func.func @transform_2(%arg0: i32) -> (i32, i32) {
    %c0_i32 = arith.constant 0 : i32
    %c0_i32_0 = arith.constant 0 : i32
    %c0_i32_1 = arith.constant 0 : i32
    return %c0_i32, %c0_i32_0 : i32, i32
  }
  func.func @transform_3(%arg0: i32) -> (i32, i32) {
    %c0_i32 = arith.constant 0 : i32
    %c0_i32_0 = arith.constant 0 : i32
    %c0_i32_1 = arith.constant 0 : i32
    return %c0_i32, %c0_i32_0 : i32, i32
  }
  func.func @transform_4(%arg0: i32) -> (i32, i32) {
    %c0_i32 = arith.constant 0 : i32
    %c0_i32_0 = arith.constant 0 : i32
    %c0_i32_1 = arith.constant 0 : i32
    return %c0_i32, %c0_i32_0 : i32, i32
  }
  func.func @transform_5(%arg0: i32) -> (i32, i32) {
    %c0_i32 = arith.constant 0 : i32
    %c0_i32_0 = arith.constant 0 : i32
    %c0_i32_1 = arith.constant 0 : i32
    return %c0_i32, %c0_i32_0 : i32, i32
  }
  func.func @transform_6(%arg0: i32) -> (i32, i32) {
    %c0_i32 = arith.constant 0 : i32
    %c0_i32_0 = arith.constant 0 : i32
    %c0_i32_1 = arith.constant 0 : i32
    return %c0_i32, %c0_i32_0 : i32, i32
  }
  func.func @transform_7(%arg0: i32) -> (i32, i32) {
    %c0_i32 = arith.constant 0 : i32
    %c0_i32_0 = arith.constant 0 : i32
    %c0_i32_1 = arith.constant 0 : i32
    return %c0_i32, %c0_i32_0 : i32, i32
  }
  func.func @transform_8(%arg0: i32) -> (i32, i32) {
    %c0_i32 = arith.constant 0 : i32
    %c0_i32_0 = arith.constant 0 : i32
    %c0_i32_1 = arith.constant 0 : i32
    return %c0_i32, %c0_i32_0 : i32, i32
  }
  func.func @transform_9(%arg0: i32) -> (i32, i32) {
    %c0_i32 = arith.constant 0 : i32
    %c0_i32_0 = arith.constant 0 : i32
    %c0_i32_1 = arith.constant 0 : i32
    return %c0_i32, %c0_i32_0 : i32, i32
  }
  func.func @transform_10(%arg0: i32) -> (i32, i32) {
    %c0_i32 = arith.constant 0 : i32
    %c0_i32_0 = arith.constant 0 : i32
    return %arg0, %c0_i32 : i32, i32
  }
  func.func @transform_11(%arg0: i32) -> (i32, i32) {
    %c0_i32 = arith.constant 0 : i32
    %c0_i32_0 = arith.constant 0 : i32
    return %arg0, %c0_i32 : i32, i32
  }
  func.func @transform_12(%arg0: i32) -> (i32, i32) {
    %c0_i32 = arith.constant 0 : i32
    %c0_i32_0 = arith.constant 0 : i32
    return %arg0, %c0_i32 : i32, i32
  }
}

module attributes {stable_mosaic.version = 14 : i64} {
  func.func @_edge_mlp_body(%arg0: i32, %arg1: memref<5000x128xf32, #tpu.memory_space<vmem>>, %arg2: memref<5000x128xf32, #tpu.memory_space<vmem>>, %arg3: memref<384x128xf32, #tpu.memory_space<vmem>>, %arg4: memref<1x128xf32, #tpu.memory_space<vmem>>, %arg5: memref<128x128xf32, #tpu.memory_space<vmem>>, %arg6: memref<1x128xf32, #tpu.memory_space<vmem>>, %arg7: memref<1x128xf32, #tpu.memory_space<vmem>>, %arg8: memref<1x128xf32, #tpu.memory_space<vmem>>, %arg9: memref<5000x128xf32, #tpu.memory_space<vmem>>) attributes {dimension_semantics = [#tpu.dimension_semantics<arbitrary>], iteration_bounds = array<i64: 64>, scalar_prefetch = 0 : i64, scratch_operands = 0 : i64, tpu.core_type = #tpu.core_type<tc>, window_params = [{transform_indices = @transform_0, window_bounds = array<i64: 5000, 128>}, {transform_indices = @transform_1, window_bounds = array<i64: 5000, 128>}, {pipeline_mode = #tpu.pipeline_mode<synchronous>, transform_indices = @transform_2, window_bounds = array<i64: 384, 128>}, {pipeline_mode = #tpu.pipeline_mode<synchronous>, transform_indices = @transform_3, window_bounds = array<i64: 1, 128>}, {pipeline_mode = #tpu.pipeline_mode<synchronous>, transform_indices = @transform_4, window_bounds = array<i64: 128, 128>}, {pipeline_mode = #tpu.pipeline_mode<synchronous>, transform_indices = @transform_5, window_bounds = array<i64: 1, 128>}, {pipeline_mode = #tpu.pipeline_mode<synchronous>, transform_indices = @transform_6, window_bounds = array<i64: 1, 128>}, {pipeline_mode = #tpu.pipeline_mode<synchronous>, transform_indices = @transform_7, window_bounds = array<i64: 1, 128>}, {transform_indices = @transform_8, window_bounds = array<i64: 5000, 128>}]} {
    %get3A = arith.constant 256 : index
    %get3A_0 = arith.constant 0 : index
    %get3A_1 = vector.load %arg3[%get3A, %get3A_0] : memref<384x128xf32, #tpu.memory_space<vmem>>, vector<128x128xf32>
    %get3A_2 = arith.constant 0 : index
    %get3A_3 = arith.constant 0 : index
    %get3A_4 = vector.load %arg5[%get3A_2, %get3A_3] : memref<128x128xf32, #tpu.memory_space<vmem>>, vector<128x128xf32>
    %dot_general3A = arith.constant dense<0.000000e+00> : vector<128x128xf32>
    %dot_general3A_5 = tpu.matmul %get3A_1, %get3A_4, %dot_general3A {dimension_numbers = #tpu.dot_dimension_numbers<[1], [0], [0], [1], [0, 0, 1, 1], [], []>, transpose_lhs_hint = false} : vector<128x128xf32>, vector<128x128xf32>, vector<128x128xf32> -> vector<128x128xf32>
    %get3A_6 = arith.constant 0 : index
    %get3A_7 = arith.constant 0 : index
    %get3A_8 = vector.load %arg4[%get3A_6, %get3A_7] : memref<1x128xf32, #tpu.memory_space<vmem>>, vector<1x128xf32>
    %get3A_9 = arith.constant 0 : index
    %get3A_10 = arith.constant 0 : index
    %get3A_11 = vector.load %arg5[%get3A_9, %get3A_10] : memref<128x128xf32, #tpu.memory_space<vmem>>, vector<128x128xf32>
    %dot_general3A_12 = arith.constant dense<0.000000e+00> : vector<1x128xf32>
    %dot_general3A_13 = tpu.matmul %get3A_8, %get3A_11, %dot_general3A_12 {dimension_numbers = #tpu.dot_dimension_numbers<[1], [0], [0], [1], [0, 0, 1, 1], [], []>, transpose_lhs_hint = false} : vector<1x128xf32>, vector<128x128xf32>, vector<1x128xf32> -> vector<1x128xf32>
    %get3A_14 = arith.constant 0 : index
    %get3A_15 = arith.constant 0 : index
    %get3A_16 = vector.load %arg6[%get3A_14, %get3A_15] : memref<1x128xf32, #tpu.memory_space<vmem>>, vector<1x128xf32>
    %add3A = arith.addf %dot_general3A_13, %get3A_16 : vector<1x128xf32>
    %get3A_17 = arith.constant 0 : index
    %get3A_18 = arith.constant 0 : index
    %get3A_19 = vector.load %arg2[%get3A_17, %get3A_18] : memref<5000x128xf32, #tpu.memory_space<vmem>>, vector<5000x128xf32>
    %convert_element_type3A = arith.truncf %get3A_19 : vector<5000x128xf32> to vector<5000x128xbf16>
    %convert_element_type3A_20 = arith.truncf %dot_general3A_5 : vector<128x128xf32> to vector<128x128xbf16>
    %get3A_21 = arith.constant 0 : index
    %get3A_22 = arith.constant 0 : index
    %get3A_23 = vector.load %arg1[%get3A_21, %get3A_22] : memref<5000x128xf32, #tpu.memory_space<vmem>>, vector<5000x128xf32>
    %dot_general3A_24 = arith.constant dense<0.000000e+00> : vector<5000x128xf32>
    %dot_general3A_25 = tpu.matmul %convert_element_type3A, %convert_element_type3A_20, %dot_general3A_24 {dimension_numbers = #tpu.dot_dimension_numbers<[1], [0], [0], [1], [0, 0, 1, 1], [], []>, transpose_lhs_hint = false} : vector<5000x128xbf16>, vector<128x128xbf16>, vector<5000x128xf32> -> vector<5000x128xf32>
    %add3A_26 = arith.addf %get3A_23, %dot_general3A_25 : vector<5000x128xf32>
    %add3A_27 = vector.broadcast %add3A : vector<1x128xf32> to vector<5000x128xf32>
    %add3A_28 = arith.addf %add3A_26, %add3A_27 : vector<5000x128xf32>
    %reduce_sum3A = arith.constant dense<0.000000e+00> : vector<5000xf32>
    %reduce_sum3A_29 = vector.multi_reduction <add>, %add3A_28, %reduce_sum3A [1] : vector<5000x128xf32> to vector<5000xf32>
    %broadcast_in_dim3A = vector.shape_cast %reduce_sum3A_29 : vector<5000xf32> to vector<5000x1xf32>
    %div3A = arith.constant 1.280000e+02 : f32
    %div3A_30 = vector.broadcast %div3A : f32 to vector<5000x1xf32>
    %div3A_31 = arith.divf %broadcast_in_dim3A, %div3A_30 : vector<5000x1xf32>
    %sub3A = vector.broadcast %div3A_31 : vector<5000x1xf32> to vector<5000x128xf32>
    %sub3A_32 = arith.subf %add3A_28, %sub3A : vector<5000x128xf32>
    %mul3A = arith.mulf %sub3A_32, %sub3A_32 : vector<5000x128xf32>
    %reduce_sum3A_33 = arith.constant dense<0.000000e+00> : vector<5000xf32>
    %reduce_sum3A_34 = vector.multi_reduction <add>, %mul3A, %reduce_sum3A_33 [1] : vector<5000x128xf32> to vector<5000xf32>
    %broadcast_in_dim3A_35 = vector.shape_cast %reduce_sum3A_34 : vector<5000xf32> to vector<5000x1xf32>
    %div3A_36 = arith.constant 1.280000e+02 : f32
    %div3A_37 = vector.broadcast %div3A_36 : f32 to vector<5000x1xf32>
    %div3A_38 = arith.divf %broadcast_in_dim3A_35, %div3A_37 : vector<5000x1xf32>
    %add3A_39 = arith.constant 9.99999974E-6 : f32
    %add3A_40 = vector.broadcast %add3A_39 : f32 to vector<5000x1xf32>
    %add3A_41 = arith.addf %div3A_38, %add3A_40 : vector<5000x1xf32>
    %rsqrt3A = math.rsqrt %add3A_41 : vector<5000x1xf32>
    %mul3A_42 = vector.broadcast %rsqrt3A : vector<5000x1xf32> to vector<5000x128xf32>
    %mul3A_43 = arith.mulf %sub3A_32, %mul3A_42 : vector<5000x128xf32>
    %get3A_44 = arith.constant 0 : index
    %get3A_45 = arith.constant 0 : index
    %get3A_46 = vector.load %arg7[%get3A_44, %get3A_45] : memref<1x128xf32, #tpu.memory_space<vmem>>, vector<1x128xf32>
    %mul3A_47 = vector.broadcast %get3A_46 : vector<1x128xf32> to vector<5000x128xf32>
    %mul3A_48 = arith.mulf %mul3A_43, %mul3A_47 : vector<5000x128xf32>
    %get3A_49 = arith.constant 0 : index
    %get3A_50 = arith.constant 0 : index
    %get3A_51 = vector.load %arg8[%get3A_49, %get3A_50] : memref<1x128xf32, #tpu.memory_space<vmem>>, vector<1x128xf32>
    %add3A_52 = vector.broadcast %get3A_51 : vector<1x128xf32> to vector<5000x128xf32>
    %add3A_53 = arith.addf %mul3A_48, %add3A_52 : vector<5000x128xf32>
    %swap3A = arith.constant 0 : index
    %swap3A_54 = arith.constant 0 : index
    %swap3A_55 = vector.load %arg9[%swap3A, %swap3A_54] : memref<5000x128xf32, #tpu.memory_space<vmem>>, vector<5000x128xf32>
    tpu.vector_store %arg9[%swap3A, %swap3A_54], %add3A_53 {strides = array<i32>} : memref<5000x128xf32, #tpu.memory_space<vmem>>, vector<5000x128xf32>,
    return
  }
  func.func @transform_0(%arg0: i32) -> (i32, i32) {
    %c0_i32 = arith.constant 0 : i32
    %c0_i32_0 = arith.constant 0 : i32
    return %arg0, %c0_i32 : i32, i32
  }
  func.func @transform_1(%arg0: i32) -> (i32, i32) {
    %c0_i32 = arith.constant 0 : i32
    %c0_i32_0 = arith.constant 0 : i32
    return %arg0, %c0_i32 : i32, i32
  }
  func.func @transform_2(%arg0: i32) -> (i32, i32) {
    %c0_i32 = arith.constant 0 : i32
    %c0_i32_0 = arith.constant 0 : i32
    %c0_i32_1 = arith.constant 0 : i32
    return %c0_i32, %c0_i32_0 : i32, i32
  }
  func.func @transform_3(%arg0: i32) -> (i32, i32) {
    %c0_i32 = arith.constant 0 : i32
    %c0_i32_0 = arith.constant 0 : i32
    %c0_i32_1 = arith.constant 0 : i32
    return %c0_i32, %c0_i32_0 : i32, i32
  }
  func.func @transform_4(%arg0: i32) -> (i32, i32) {
    %c0_i32 = arith.constant 0 : i32
    %c0_i32_0 = arith.constant 0 : i32
    %c0_i32_1 = arith.constant 0 : i32
    return %c0_i32, %c0_i32_0 : i32, i32
  }
  func.func @transform_5(%arg0: i32) -> (i32, i32) {
    %c0_i32 = arith.constant 0 : i32
    %c0_i32_0 = arith.constant 0 : i32
    %c0_i32_1 = arith.constant 0 : i32
    return %c0_i32, %c0_i32_0 : i32, i32
  }
  func.func @transform_6(%arg0: i32) -> (i32, i32) {
    %c0_i32 = arith.constant 0 : i32
    %c0_i32_0 = arith.constant 0 : i32
    %c0_i32_1 = arith.constant 0 : i32
    return %c0_i32, %c0_i32_0 : i32, i32
  }
  func.func @transform_7(%arg0: i32) -> (i32, i32) {
    %c0_i32 = arith.constant 0 : i32
    %c0_i32_0 = arith.constant 0 : i32
    %c0_i32_1 = arith.constant 0 : i32
    return %c0_i32, %c0_i32_0 : i32, i32
  }
  func.func @transform_8(%arg0: i32) -> (i32, i32) {
    %c0_i32 = arith.constant 0 : i32
    %c0_i32_0 = arith.constant 0 : i32
    return %arg0, %c0_i32 : i32, i32
  }
}

</mosaic_0001>

<sc_bundles>
// kernel: kernel.6.cloned.1.call-start
scs
__scs_entry_jumppad:
0x0: {  	(pc) =	sbr.rel $0x88, $3  }
0x1: {  	(tag) =	ssettag $0x0;
	lr =	simm.s32 $0x1  }
0x2: {  	[smem:$0x3F91] =	sst lr;
	_ =	strace $0xD0000000  }
0x3: {  	_ = 	snop  }
0x4: {  	_ = 	snop  }
0x5: {  	_ = 	snop  }
0x6: {  	_ = 	snop  }
0x7: {  	_ = 	snop  }
__scs_overlays_trampoline_lowered:
0x8: {  	[smem:$0x3FA0] =	sst s0  }
0x9: {  	[smem:$0x3FA1] =	sst s1  }
0xa: {  	[smem:$0x3FA2] =	sst s2  }
0xb: {  	[smem:$0x3FA3] =	sst s3  }
0xc: {  	[smem:$0x3FA4] =	sst s4  }
0xd: {  	[smem:$0x3FA5] =	sst s5  }
0xe: {  	[smem:$0x3FA6] =	sst s6  }
0xf: {  	[smem:$0x3FA7] =	sst s7  }
0x10: {  	[smem:$0x3FA8] =	sst s8  }
0x11: {  	[smem:$0x3FA9] =	sst s9;
	s0 =	simm.s32 @!p0 $0x0  }
0x12: {  	s1 =	sld [smem:$0x3F8F];
	s0 =	simm.s32 @p0 $0x1  }
0x13: {  	[smem:$0x3FAA] =	sst s0;
	s0 =	simm.s32 @!p1 $0x0  }
0x14: {  	s2 =	sld [smem:$0x3F8E];
	s0 =	simm.s32 @p1 $0x1  }
0x15: {  	[smem:$0x3FAB] =	sst s0;
	s0 =	simm.s32 @!p2 $0x0  }
0x16: {  	s3 =	sld [smem:$0x3FDB];
	s0 =	simm.s32 @p2 $0x1  }
0x17: {  	s4 =	simm.s32 $0x1BF5;
	[smem:$0x3FAD] =	sst s0  }
0x18: {  	s0 =	sld [smem:$0x3F90];
	_ =	swait.ge [sflag:s4], $0x0  }
0x19: {  	s7 =	sld [smem:$0x3F91]  }
0x1a: {  	s8 =	sadd.s32 $0xFFFFE003, lr  }
0x1b: {  	s9 =	sadd.s32 $0xFFFFFEF7, lr;
	s5 =	simm.s32 $0xFFFFFFFF;
	p2 =	slt.u32 s8, $0xFFFFF086  }
0x1c: {  	p1 =	slt.u32 s9, $0xF7A;
	s5 =	simm.s32 @!p2 $0x0  }
0x1d: {  	s5 =	simm.s32 @p1 $0x1;
	p0 =	seq.s32 s7, s2  }
0x1e: {  	s7 =	smul.u32 @!p0 $0xF7A, s2;
	p2 =	seq.s32 @!p0 s5, $0x0  }
0x1f: {  	s9 =	smul.u32 $0xF7A, s1;
	s8 =	simm.s32 @!p0 $0x1BF5;
	p2 =	por !p2, p0  }
0x20: {  	[sflag:s8] =	ssyncset.s32 @!p0 $0xFFFFF086;
	s6 =	sadd.s32 @!p0 s3, s7;
	s7 =	simm.s32 @!p0 $0x108  }
0x21: {  	s3 =	sadd.s32 s3, s9;
	s6 =	sadd.s32 @!p0 $0x88, s6;
	s7 =	simm.s32 @p2 $0x1082  }
0x22: {  	[simem:s7], [sflag:s8] =	dma.local @!p0 [hbm:s6], $0xF7A  }
0x23: {  	s9 =	sor.u32 $0xD0000000, s2;
	s6 =	simm.s32 $0x108;
	_ =	swait.ge @!p0 [sflag:s8], $0x0  }
0x24: {  	s3 =	sadd.s32 $0x88, s3;
	s6 =	simm.s32 @!p1 $0x1082;
	[sflag:s4] =	ssyncset.s32 $0xFFFFF086  }
0x25: {  	[simem:s6], [sflag:s4] =	dma.local [hbm:s3], $0xF7A  }
0x26: {  	[smem:$0x3F91] =	sst s1;
	(tag) =	ssettag s2;
	_ =	strace s9  }
0x27: {  	s1 =	sld [smem:$0x3FA1]  }
0x28: {  	s2 =	sld [smem:$0x3FA2]  }
0x29: {  	s4 =	sld [smem:$0x3FA4]  }
0x2a: {  	p0 =	seq.s32 s5, $0x0;
	s5 =	sld [smem:$0x3FA5]  }
0x2b: {  	s6 =	sld [smem:$0x3FA6]  }
0x2c: {  	s7 =	sld [smem:$0x3FA7]  }
0x2d: {  	s3 =	simm.s32 $0x108;
	s8 =	sld [smem:$0x3FA8]  }
0x2e: {  	s3 =	simm.s32 @!p0 $0x1082;
	s9 =	sld [smem:$0x3FA9]  }
0x2f: {  	lr =	sadd.s32 s0, s3;
	s0 =	sld [smem:$0x3FA0]  }
0x30: {  	s3 =	sld [smem:$0x3FA3]  }
0x31: {  	[smem:$0x3FAC] =	sst s10  }
0x32: {  	s10 =	sld [smem:$0x3FAA];
	_ =	sdelay $0x3  }
0x33: {  	p0 =	seq.s32 s10, $0x1;
	s10 =	sld [smem:$0x3FAC];
	_ =	sdelay $0x3  }
0x34: {  	[smem:$0x3FAC] =	sst s10  }
0x35: {  	s10 =	sld [smem:$0x3FAB];
	_ =	sdelay $0x3  }
0x36: {  	p1 =	seq.s32 s10, $0x1;
	s10 =	sld [smem:$0x3FAC];
	_ =	sdelay $0x3  }
0x37: {  	[smem:$0x3FAC] =	sst s10  }
0x38: {  	s10 =	sld [smem:$0x3FAD]  }
0x39: {  	_ = 	snop;
	(pc) =	sbr.ind lr, $3  }
0x3a: {  	_ = 	snop  }
0x3b: {  	_ = 	snop  }
0x3c: {  	p2 =	seq.s32 s10, $0x1;
	s10 =	sld [smem:$0x3FAC]  }
0x3d: {  	_ =	shalt  }
0x3e: {  	_ =	shalt  }
0x3f: {  	_ =	shalt  }
0x40: {  	_ =	shalt  }
0x41: {  	_ =	shalt  }
0x42: {  	_ =	shalt  }
0x43: {  	_ =	shalt  }
0x44: {  	_ =	shalt  }
0x45: {  	_ =	shalt  }
0x46: {  	_ =	shalt  }
0x47: {  	_ =	shalt  }
0x48: {  	_ =	shalt  }
0x49: {  	_ =	shalt  }
0x4a: {  	_ =	shalt  }
0x4b: {  	_ =	shalt  }
0x4c: {  	_ =	shalt  }
0x4d: {  	_ =	shalt  }
0x4e: {  	_ =	shalt  }
0x4f: {  	_ =	shalt  }
0x50: {  	_ =	shalt  }
0x51: {  	_ =	shalt  }
0x52: {  	_ =	shalt  }
0x53: {  	_ =	shalt  }
0x54: {  	_ =	shalt  }
0x55: {  	_ =	shalt  }
0x56: {  	_ =	shalt  }
0x57: {  	_ =	shalt  }
0x58: {  	_ =	shalt  }
0x59: {  	_ =	shalt  }
0x5a: {  	_ =	shalt  }
0x5b: {  	_ =	shalt  }
0x5c: {  	_ =	shalt  }
0x5d: {  	_ =	shalt  }
0x5e: {  	_ =	shalt  }
0x5f: {  	_ =	shalt  }
0x60: {  	_ =	shalt  }
0x61: {  	_ =	shalt  }
0x62: {  	_ =	shalt  }
0x63: {  	_ =	shalt  }
0x64: {  	_ =	shalt  }
0x65: {  	_ =	shalt  }
0x66: {  	_ =	shalt  }
0x67: {  	_ =	shalt  }
0x68: {  	_ =	shalt  }
0x69: {  	_ =	shalt  }
0x6a: {  	_ =	shalt  }
0x6b: {  	_ =	shalt  }
0x6c: {  	_ =	shalt  }
0x6d: {  	_ =	shalt  }
0x6e: {  	_ =	shalt  }
0x6f: {  	_ =	shalt  }
0x70: {  	_ =	shalt  }
0x71: {  	_ =	shalt  }
0x72: {  	_ =	shalt  }
0x73: {  	_ =	shalt  }
0x74: {  	_ =	shalt  }
0x75: {  	_ =	shalt  }
0x76: {  	_ =	shalt  }
0x77: {  	_ =	shalt  }
0x78: {  	_ =	shalt  }
0x79: {  	_ =	shalt  }
0x7a: {  	_ =	shalt  }
0x7b: {  	_ =	shalt  }
0x7c: {  	_ =	shalt  }
0x7d: {  	_ =	shalt  }
0x7e: {  	_ =	shalt  }
0x7f: {  	_ =	shalt  }
0x80: {  	_ =	shalt  }
0x81: {  	_ =	shalt  }
0x82: {  	_ =	shalt  }
0x83: {  	_ =	shalt  }
0x84: {  	_ =	shalt  }
0x85: {  	_ =	shalt  }
0x86: {  	_ =	shalt  }
0x87: {  	_ =	shalt  }
.Lfunc_end0:
.L_simem_size_0:
called_computation_lowered:
.L_overlay_start_0:
0x88: {  	s2 =	sld [smem:$0x3FD9]  }
0x89: {  	s3 =	sld [smem:$0x3FFE];
	_ =	sdelay $0x1  }
0x8a: {  	s1 =	srdreg.scid  }
0x8b: {  	s0 =	sand.u32 $0x1, s1  }
0x8c: {  	s14 =	sshll.u32 s0, $0xA;
	s2 =	sadd.s32 s3, s2  }
0x8d: {  	s2 =	sadd.s32 s2, s14  }
0x8e: {  	[smem:$0x3FB8] =	sst s2  }
0x8f: {  	_ = 	snop  }
0x90: {  	s2 =	sld [smem:$0x3FD0];
	_ =	sdelay $0x2  }
0x91: {  	s4 =	simm.s32 $0xA;
	s5 =	simm.s32 $0x10;
	s15 =	sld [smem:$0x3FC8]  }
0x92: {  	[smem:s5], [sflag:s4] =	dma.local [hbm:s2], $0x1  }
0x93: {  	_ =	swait.eq [sflag:s4], $0x1  }
0x94: {  	[sflag:s4] =	ssyncset.done $0x0  }
0x95: {  	s16 =	sld [smem:$0x10];
	[sflag:s4] =	ssyncadd.s32 $0xFFFFFFFF  }
0x96: {  	s17 =	sld [smem:$0x11];
	(tm) =	ssettm $0x1  }
0x97: {  	s18 =	sld [smem:$0x3FFB];
	_ =	sdelay $0x3  }
0x98: {  	_ =	strace s18  }
0x99: {  	s5 =	sld [smem:$0x3FFC];
	_ =	sdelay $0x3  }
0x9a: {  	_ =	strace s5  }
0x9b: {  	s5 =	sld [smem:$0x3FFD];
	_ =	sdelay $0x3  }
0x9c: {  	_ =	strace s5  }
0x9d: {  	_ =	strace $0x8FFFFFFF  }
0x9e: {  	s19 =	sld [smem:$0x3FDB];
	_ =	sdelay $0x1  }
0x9f: {  	s6 =	simm.s32 $_scs_section_size  }
0xa0: {  	s7 =	simm.s32 $_size__tile_overlayer_lowered;
	s8 =	simm.s32 $_tile_overlayer_lowered  }
0xa1: {  	s22 =	simm.s32 $0x1BFF;
	s21 =	sshll.u32 s8, $0x1;
	s5 =	sadd.s32 s6, s19  }
0xa2: {  	s9 =	simm.s32 $0x0;
	s20 =	sshll.u32 s7, $0x1;
	s7 =	sadd.s32 s21, s5  }
0xa3: {  	[timem:s9], [sflag:s22] =	dma.local [hbm:s7], s20  }
0xa4: {  	_ =	swait.ge [sflag:s22], s20  }
0xa5: {  	s6 =	ssub.s32 $0x0, s20;
	[sflag:s22] =	ssyncset.done $0x0  }
0xa6: {  	[sflag:s22] =	ssyncadd.s32 s6;
	_ =	sdelay $0x1  }
0xa7: {  	s23 =	simm.s32 $0x1B8B  }
0xa8: {  	_ =	swait.ge [sflag:s23], $0x1  }
0xa9: {  	[sflag:s23] =	ssyncset.done $0x0  }
0xaa: {  	s25 =	simm.s32 $0x1B8E;
	s24 =	sld [smem:$0x3FFE];
	[sflag:s23] =	ssyncadd.s32 $0xFFFFFFFF  }
0xab: {  	s26 =	simm.s32 $execute0_lowered;
	[smem:$0x3FD2] =	sst s25  }
0xac: {  	s7 =	sshll.u32 s26, $0x1;
	_ =	strace $0x80000046;
	[dreg:$0x1] =	wrdreg $0xFFFFFFFF  }
0xad: {  	s28 =	simm.s32 $_size_execute0_lowered;
	s5 =	sadd.s32 s5, s7;
	[dreg:$0x0] =	wrdreg $0x0  }
0xae: {  	s7 =	sshll.u32 s28, $0x1;
	[dreg:$0x2] =	wrdreg s5  }
0xaf: {  	[dreg:$0x3] =	wrdreg s7  }
0xb0: {  	[dreg:$0x4] =	wrdreg $0xC0  }
0xb1: {  	_ =	task [dreg:s9], $0x5FFFF  }
0xb2: {  	[dreg:$0x1] =	wrdreg $0xFFFFFFFF  }
0xb3: {  	[dreg:$0x0] =	wrdreg $0x60  }
0xb4: {  	[dreg:$0x2] =	wrdreg s15  }
0xb5: {  	[dreg:$0x3] =	wrdreg s24  }
0xb6: {  	[dreg:$0x4] =	wrdreg s16  }
0xb7: {  	[dreg:$0x5] =	wrdreg s17  }
0xb8: {  	[dreg:$0x6] =	wrdreg $0xB8000  }
0xb9: {  	[dreg:$0x7] =	wrdreg $0x9  }
0xba: {  	_ =	task.clear_ibuf [dreg:s9], $0x8FFFF;
	_ =	strace $0x90000046  }
0xbb: {  	s29 =	simm.s32 $0x9;
	_ =	strace $0x80000048  }
0xbc: {  	_ =	swait.ge [sflag:s29], $0x1  }
0xbd: {  	[sflag:s29] =	ssyncadd.s32 $0xFFFFFFFF  }
0xbe: {  	_ =	strace $0x90000048  }
0xbf: {  	_ =	sfence  }
0xc0: {  	s30 =	sld [smem:$0x0];
	_ =	sdelay $0x2  }
0xc1: {  	s31 =	sshll.u32 s1, $0xD;
	s1 =	sshrl.u32 s1, $0x2  }
0xc2: {  	s3 =	sand.u32 $0x4000, s31;
	s1 =	sadd.s32 s1, s30  }
0xc3: {  	s0 =	sor.u32 s3, s0;
	s1 =	sshll.u32 s1, $0x11  }
0xc4: {  	s0 =	sor.u32 s1, s0  }
0xc5: {  	s0 =	sadd.s32 $0x8F2B, s0  }
0xc6: {  	[sflag:s0] =	ssyncadd.remote.s32 $0x1  }
0xc7: {  	_ =	sfence.sel $0xFFFF  }
0xc8: {  	[dreg:$0x0] =	wrdreg $0xFFFFFFFF;
	(pc) =	sbr.abs _section_cstart, $3  }
0xc9: {  	[dreg:$0x1] =	wrdreg $0xFFFFFFFF  }
0xca: {  	_ =	task.clear_ibuf [dreg:s9], $0x2FFFF;
	_ =	strace $0x9FFFFFFF  }
0xcb: {  	(tm) =	ssettm $0x7FFFFFFF  }
tec
execute0_lowered:
.L_overlay_start_1:
0x0: {  	(tag) =	ssettag $0x1  }
0x1: {  	s0 =	rddreg [dreg:$0x0]  }
0x2: {  	s2 =	rddreg [dreg:$0x1]  }
0x3: {  	s10 =	rddreg [dreg:$0x3]  }
0x4: {  	s3 =	rddreg [dreg:$0x4];
	s4 =	simm.s32 $0x0;
	s5 =	srdreg.scid  }
0x5: {  	s1 =	stileid.u32;
	s16 =	simm.s32 $0x4;
	s18 =	simm.s32 $0x2800  }
0x6: {  	s28 =	simm.s32 $0xB580;
	s29 =	simm.s32 $0xB600;
	s11 =	smul.u32 $0x4F000, s1  }
0x7: {  	s30 =	simm.s32 $0x0;
	[smem:$0x7FF] =	sst s4;
	s25 =	smul.u32 $0x13C00, s1  }
0x8: {  	s9 =	sand.u32 $0x1, s5;
	s19 =	sshll.u32 s1, $0x1;
	s15 =	smul.u32 $0x4E200, s1  }
0x9: {  	s22 =	sshll.u32 s1, $0x6;
	_ =	strace $0x80000047;
	s13 =	smul.u32 $0x13C000, s9  }
0xa: {  	s5 =	sor.u32 s9, s19;
	s6 =	ssub.s32 $0x2, s9;
	s26 =	smul.u32 $0x27100, s9  }
0xb: {  	s19 =	simm.s32 $0x5000;
	s7 =	sshll.u32 s5, $0xB;
	s20 =	smul.u32 $0x27100, s5  }
0xc: {  	s8 =	sshrl.u32 s6, $0x1;
	s21 =	sshrl.u32 s11, $0x2;
	s23 =	smul.u32 $0x138800, s5  }
0xd: {  	s5 =	sor.u32 $0x1C04, s22;
	s22 =	simm.s32 $0x2;
	s2 =	sadd.s32 s7, s2  }
0xe: {  	s12 =	ssub.s32 s6, s8;
	s14 =	sadd.s32 s21, s3;
	s11 =	sadd.s32 s25, s13  }
0xf: {  	s21 =	simm.s32 $0x50;
	s25 =	simm.s32 $0xB480;
	s6 =	sadd.s32 $0x2E00, s2  }
0x10: {  	s24 =	sshrl.u32 s23, $0x3;
	s7 =	sadd.s32 s0, s20;
	s31 =	sshrl.u32 s11, $0x3  }
0x11: {  	s11 =	smax.u32 s12, $0x1;
	s20 =	simm.s32 $0x1;
	s23 =	simm.s32 $0x3  }
0x12: {  	s2 =	sadd.s32 s0, s24;
	s0 =	sadd.s32 s15, s0;
	s10 =	sadd.s32 s10, s31  }
0x13: {  	s12 =	sadd.s32 $0x26700, s7;
	s13 =	sadd.s32 $0x26C00, s7;
	s15 =	sshrl.u32 s14, $0x3  }
0x14: {  	s24 =	simm.s32 $0xB400;
	s8 =	sadd.s32 $0x500, s2;
	s0 =	sadd.s32 s26, s0  }
0x15: {  	s9 =	sadd.s32 $0xA00, s2;
	s26 =	simm.s32 $0xB500;
	s2 =	sadd.s32 $0x1900, s0  }
.LBB2_1:
0x16: {  	s0 =	rddreg [dreg:$0x2]  }
0x17: {  	[spmem:s15], [sflag:s5] =	dma.local [hbm:s0], $0x2780  }
0x18: {  	_ =	swait.ge [sflag:s16], $0x2780  }
0x19: {  	[sflag:s16] =	ssyncset.done $0x0  }
0x1a: {  	s1 =	simm.s32 $0x7800;
	[sflag:s16] =	ssyncadd.s32 $0xFFFFD880  }
0x1b: {  	[tilespmem:s1], [sflag:$0x4] =	stream.linear.gather [hbm4b:s6+s4], $0x3E80, $0x38;
	[tilespmem:$0x1F400] =	vst v63  }
0x1c: {  	_ =	swait.ge [sflag:s16], $0x3E80  }
0x1d: {  	[sflag:s16] =	ssyncset.done $0x0  }
0x1e: {  	[sflag:s16] =	ssyncadd.s32 $0xFFFFC180  }
0x1f: {  	[bflag:$0x0] =	sbarrier.arrive $0xFFFF  }
0x20: {  	[tilespmem:s4], [sflag:$0x1] =	stream.linear.gather [hbm4b:s7+s4], $0x2800, $0x38;
	[tilespmem:$0x1F400] =	vst v63  }
0x21: {  	_ = 	snop  }
0x22: {  	[tilespmem:s18], [sflag:$0x2] =	stream.linear.gather [hbm4b:s8+s4], $0x2800, $0x38;
	[tilespmem:$0x1F400] =	vst v63  }
0x23: {  	_ = 	snop  }
0x24: {  	[tilespmem:s19], [sflag:$0x3] =	stream.linear.gather [hbm4b:s9+s4], $0x2800, $0x38;
	[tilespmem:$0x1F400] =	vst v63  }
0x25: {  	_ =	swait.ge [sflag:s20], $0x2800  }
0x26: {  	[sflag:s20] =	ssyncset.done $0x0  }
0x27: {  	s14 =	simm.s32 $0x7800;
	[sflag:s20] =	ssyncadd.s32 $0xFFFFD800  }
0x28: {  	[spmem:s3] =	stream.indirect.scatter.add.f32 [tilespmem:s4], [sflag:$0x4], $0x80, s14, s21, $0xb8;
	[tilespmem:$0x1F400] =	vst v63  }
0x29: {  	_ =	swait.ge [sflag:s16], $0x2800  }
0x2a: {  	[sflag:s16] =	ssyncset.done $0x0  }
0x2b: {  	s17 =	sadd.s32 $0xFFFFF600, s2;
	[sflag:s16] =	ssyncadd.s32 $0xFFFFD800  }
0x2c: {  	[tilespmem:s4], [sflag:$0x1] =	stream.linear.gather [hbm4b:s17+s4], $0x2800, $0x38;
	[tilespmem:$0x1F400] =	vst v63  }
0x2d: {  	_ =	swait.ge [sflag:s22], $0x2800  }
0x2e: {  	[sflag:s22] =	ssyncset.done $0x0  }
0x2f: {  	s1 =	simm.s32 $0x7880;
	[sflag:s22] =	ssyncadd.s32 $0xFFFFD800  }
0x30: {  	[spmem:s3] =	stream.indirect.scatter.add.f32 [tilespmem:s18], [sflag:$0x4], $0x80, s1, s21, $0xb8;
	[tilespmem:$0x1F400] =	vst v63  }
0x31: {  	_ =	swait.ge [sflag:s16], $0x2800  }
0x32: {  	[sflag:s16] =	ssyncset.done $0x0  }
0x33: {  	s14 =	sadd.s32 $0xFFFFFB00, s2;
	[sflag:s16] =	ssyncadd.s32 $0xFFFFD800  }
0x34: {  	[tilespmem:s18], [sflag:$0x2] =	stream.linear.gather [hbm4b:s14+s4], $0x2800, $0x38;
	[tilespmem:$0x1F400] =	vst v63  }
0x35: {  	_ =	swait.ge [sflag:s23], $0x2800  }
0x36: {  	[sflag:s23] =	ssyncset.done $0x0  }
0x37: {  	s17 =	simm.s32 $0x7900;
	[sflag:s23] =	ssyncadd.s32 $0xFFFFD800  }
0x38: {  	[spmem:s3] =	stream.indirect.scatter.add.f32 [tilespmem:s19], [sflag:$0x4], $0x80, s17, s21, $0xb8;
	[tilespmem:$0x1F400] =	vst v63  }
0x39: {  	_ =	swait.ge [sflag:s16], $0x2800  }
0x3a: {  	s31 =	simm.s32 $0x600;
	[sflag:s16] =	ssyncset.done $0x0  }
0x3b: {  	s0 =	sadd.s32 $0xF00, s2;
	s14 =	smov.u32 s2;
	[sflag:s16] =	ssyncadd.s32 $0xFFFFD800  }
.LBB2_2:
0x3c: {  	[tilespmem:s19], [sflag:$0x3] =	stream.linear.gather [hbm4b:s14+s4], $0x2800, $0x38;
	[tilespmem:$0x1F400] =	vst v63  }
0x3d: {  	s1 =	smov.u32 s31;
	s14 =	smov.u32 s0  }
0x3e: {  	p0 =	sne.s32 s31, $0xEA00;
	s31 =	sadd.s32 $0x600, s31;
	_ =	swait.ge [sflag:s20], $0x2800  }
0x3f: {  	s1 =	sshra.s32 s1, $0x2;
	[sflag:s20] =	ssyncset.done $0x0  }
0x40: {  	s17 =	sadd.s32 $0x7800, s1;
	[sflag:s20] =	ssyncadd.s32 $0xFFFFD800  }
0x41: {  	[spmem:s3] =	stream.indirect.scatter.add.f32 [tilespmem:s4], [sflag:$0x4], $0x80, s17, s21, $0xb8;
	[tilespmem:$0x1F400] =	vst v63  }
0x42: {  	_ =	swait.ge [sflag:s16], $0x2800  }
0x43: {  	[sflag:s16] =	ssyncset.done $0x0  }
0x44: {  	s17 =	sadd.s32 $0xFFFFF600, s0;
	[sflag:s16] =	ssyncadd.s32 $0xFFFFD800  }
0x45: {  	[tilespmem:s4], [sflag:$0x1] =	stream.linear.gather [hbm4b:s17+s4], $0x2800, $0x38;
	[tilespmem:$0x1F400] =	vst v63  }
0x46: {  	_ =	swait.ge [sflag:s22], $0x2800  }
0x47: {  	[sflag:s22] =	ssyncset.done $0x0  }
0x48: {  	s17 =	sadd.s32 $0x7880, s1;
	[sflag:s22] =	ssyncadd.s32 $0xFFFFD800  }
0x49: {  	[spmem:s3] =	stream.indirect.scatter.add.f32 [tilespmem:s18], [sflag:$0x4], $0x80, s17, s21, $0xb8;
	[tilespmem:$0x1F400] =	vst v63  }
0x4a: {  	_ =	swait.ge [sflag:s16], $0x2800  }
0x4b: {  	[sflag:s16] =	ssyncset.done $0x0  }
0x4c: {  	s17 =	sadd.s32 $0xFFFFFB00, s0;
	[sflag:s16] =	ssyncadd.s32 $0xFFFFD800  }
0x4d: {  	[tilespmem:s18], [sflag:$0x2] =	stream.linear.gather [hbm4b:s17+s4], $0x2800, $0x38;
	[tilespmem:$0x1F400] =	vst v63  }
0x4e: {  	_ =	swait.ge [sflag:s23], $0x2800  }
0x4f: {  	[sflag:s23] =	ssyncset.done $0x0  }
.Ltmp0:
0x50: {  	s1 =	sadd.s32 $0x7900, s1;
	[sflag:s23] =	ssyncadd.s32 $0xFFFFD800;
	(pc) =	sbr.rel @p0 .LBB2_2-.Ltmp0, $4  }
0x51: {  	[spmem:s3] =	stream.indirect.scatter.add.f32 [tilespmem:s19], [sflag:$0x4], $0x80, s1, s21, $0xb8;
	[tilespmem:$0x1F400] =	vst v63  }
0x52: {  	_ =	swait.ge [sflag:s16], $0x2800  }
0x53: {  	[sflag:s16] =	ssyncset.done $0x0  }
0x54: {  	s0 =	sadd.s32 $0xF00, s0;
	[sflag:s16] =	ssyncadd.s32 $0xFFFFD800  }
0x55: {  	[tilespmem:s19], [sflag:$0x3] =	stream.linear.gather [hbm4b:s14+s4], $0x2800, $0x38;
	[tilespmem:$0x1F400] =	vst v63  }
0x56: {  	_ =	swait.ge [sflag:s20], $0x2800  }
0x57: {  	[sflag:s20] =	ssyncset.done $0x0  }
0x58: {  	[sflag:s20] =	ssyncadd.s32 $0xFFFFD800  }
0x59: {  	[spmem:s3] =	stream.indirect.scatter.add.f32 [tilespmem:s4], [sflag:$0x4], $0x80, s24, s21, $0xb8;
	[tilespmem:$0x1F400] =	vst v63  }
0x5a: {  	_ =	swait.ge [sflag:s16], $0x2800  }
0x5b: {  	[sflag:s16] =	ssyncset.done $0x0  }
0x5c: {  	[sflag:s16] =	ssyncadd.s32 $0xFFFFD800  }
0x5d: {  	[tilespmem:s4], [sflag:$0x1] =	stream.linear.gather [hbm4b:s12+s4], $0x2800, $0x38;
	[tilespmem:$0x1F400] =	vst v63  }
0x5e: {  	_ =	swait.ge [sflag:s22], $0x2800  }
0x5f: {  	[sflag:s22] =	ssyncset.done $0x0  }
0x60: {  	[sflag:s22] =	ssyncadd.s32 $0xFFFFD800  }
0x61: {  	[spmem:s3] =	stream.indirect.scatter.add.f32 [tilespmem:s18], [sflag:$0x4], $0x80, s25, s21, $0xb8;
	[tilespmem:$0x1F400] =	vst v63  }
0x62: {  	_ =	swait.ge [sflag:s16], $0x2800  }
0x63: {  	[sflag:s16] =	ssyncset.done $0x0  }
0x64: {  	[sflag:s16] =	ssyncadd.s32 $0xFFFFD800  }
0x65: {  	[tilespmem:s18], [sflag:$0x2] =	stream.linear.gather [hbm4b:s13+s4], $0x2800, $0x38;
	[tilespmem:$0x1F400] =	vst v63  }
0x66: {  	_ =	swait.ge [sflag:s23], $0x2800  }
0x67: {  	[sflag:s23] =	ssyncset.done $0x0  }
0x68: {  	[sflag:s23] =	ssyncadd.s32 $0xFFFFD800  }
0x69: {  	[spmem:s3] =	stream.indirect.scatter.add.f32 [tilespmem:s19], [sflag:$0x4], $0x80, s26, s21, $0xb8;
	[tilespmem:$0x1F400] =	vst v63  }
0x6a: {  	_ =	swait.ge [sflag:s16], $0x2800  }
0x6b: {  	[sflag:s16] =	ssyncset.done $0x0  }
0x6c: {  	[sflag:s16] =	ssyncadd.s32 $0xFFFFD800  }
0x6d: {  	_ =	swait.ge [sflag:s20], $0x2800  }
0x6e: {  	[sflag:s20] =	ssyncset.done $0x0  }
0x6f: {  	[sflag:s20] =	ssyncadd.s32 $0xFFFFD800  }
0x70: {  	[spmem:s3] =	stream.indirect.scatter.add.f32 [tilespmem:s4], [sflag:$0x4], $0x80, s28, s21, $0xb8;
	[tilespmem:$0x1F400] =	vst v63  }
0x71: {  	_ =	swait.ge [sflag:s16], $0x2800  }
0x72: {  	[sflag:s16] =	ssyncset.done $0x0  }
0x73: {  	[sflag:s16] =	ssyncadd.s32 $0xFFFFD800  }
0x74: {  	_ =	swait.ge [sflag:s22], $0x2800  }
0x75: {  	[sflag:s22] =	ssyncset.done $0x0  }
0x76: {  	[sflag:s22] =	ssyncadd.s32 $0xFFFFD800  }
0x77: {  	[spmem:s3] =	stream.indirect.scatter.add.f32 [tilespmem:s18], [sflag:$0x4], $0x80, s29, s21, $0xb8;
	[tilespmem:$0x1F400] =	vst v63  }
0x78: {  	_ =	swait.ge [sflag:s16], $0x2800  }
0x79: {  	s30 =	sadd.s32 $0x1, s30;
	[sflag:s16] =	ssyncset.done $0x0  }
0x7a: {  	p0 =	sne.s32 s30, s11;
	[sflag:s16] =	ssyncadd.s32 $0xFFFFD800  }
.Ltmp1:
0x7b: {  	[bflag:$0x0] =	sbarrier.arrive $0xFFFF;
	(pc) =	sbr.rel @p0 .LBB2_1-.Ltmp1, $4  }
0x7c: {  	[hbm:s10], [sflag:s5] =	dma.local [spmem:s15], $0x2780  }
0x7d: {  	_ =	swait.ge [sflag:s16], $0x2780  }
0x7e: {  	[sflag:s16] =	ssyncset.done $0x0  }
0x7f: {  	[sflag:s16] =	ssyncadd.s32 $0xFFFFD880  }
0x80: {  	_ =	sfence.sel $0x180000  }
0x81: {  	[bflag:$0x0] =	sbarrier.arrive $0xFFFF  }
0x82: {  	_ =	strace $0x90000047  }
0x83: {  	s0 =	stileid.u32;
	[bflag:$0x2] =	sbarrier.arrive $0xFFFF  }
0x84: {  	p0 =	sne.s32 s0, $0x0;
	s0 =	rddreg [dreg:$0x5]  }
0x85: {  	s0 =	sadd.s32 @!p0 $0x100000, s0  }
0x86: {  	[sflag:s0] =	ssyncadd.tile.s32 @!p0 $0x1;
	_ =	shalt  }
.Lfunc_end2:
_tile_overlayer_lowered:
.L_overlay_start_2:
0x87: {  	(tag) =	ssettag $0x2  }
0x88: {  	s0 =	rddreg [dreg:$0x0];
	s2 =	stileid.u32  }
0x89: {  	s1 =	rddreg [dreg:$0x1];
	p0 =	sne.s32 s2, $0x0  }
0x8a: {  	s3 =	rddreg [dreg:$0x2];
	[bflag:$0x3] =	sbarrier.arrive $0xFFFF;
	s2 =	simm.s32 @!p0 $0x1C04  }
0x8b: {  	[timem:s3], [sflag:s2] =	dma.local @!p0 [hbm:s0], s1  }
0x8c: {  	s0 =	simm.s32 @!p0 $0x4  }
0x8d: {  	_ =	swait.ge @!p0 [sflag:s0], s1  }
0x8e: {  	s1 =	ssub.s32 @!p0 $0x0, s1;
	[sflag:s0] =	ssyncset.done @!p0 $0x0  }
0x8f: {  	[sflag:s0] =	ssyncadd.s32 @!p0 s1  }
0x90: {  	[bflag:$0x3] =	sbarrier.arrive $0xFFFF  }
0x91: {  	_ =	shalt  }

// kernel: kernel.9.cloned.1.call-start
scs
__scs_entry_jumppad:
0x0: {  	(pc) =	sbr.rel $0x88, $3  }
0x1: {  	(tag) =	ssettag $0x0;
	lr =	simm.s32 $0x1  }
0x2: {  	[smem:$0x3F91] =	sst lr;
	_ =	strace $0xD0000000  }
0x3: {  	_ = 	snop  }
0x4: {  	_ = 	snop  }
0x5: {  	_ = 	snop  }
0x6: {  	_ = 	snop  }
0x7: {  	_ = 	snop  }
__scs_overlays_trampoline_lowered:
0x8: {  	[smem:$0x3FA0] =	sst s0  }
0x9: {  	[smem:$0x3FA1] =	sst s1  }
0xa: {  	[smem:$0x3FA2] =	sst s2  }
0xb: {  	[smem:$0x3FA3] =	sst s3  }
0xc: {  	[smem:$0x3FA4] =	sst s4  }
0xd: {  	[smem:$0x3FA5] =	sst s5  }
0xe: {  	[smem:$0x3FA6] =	sst s6  }
0xf: {  	[smem:$0x3FA7] =	sst s7  }
0x10: {  	[smem:$0x3FA8] =	sst s8  }
0x11: {  	[smem:$0x3FA9] =	sst s9;
	s0 =	simm.s32 @!p0 $0x0  }
0x12: {  	s1 =	sld [smem:$0x3F8F];
	s0 =	simm.s32 @p0 $0x1  }
0x13: {  	[smem:$0x3FAA] =	sst s0;
	s0 =	simm.s32 @!p1 $0x0  }
0x14: {  	s2 =	sld [smem:$0x3F8E];
	s0 =	simm.s32 @p1 $0x1  }
0x15: {  	[smem:$0x3FAB] =	sst s0;
	s0 =	simm.s32 @!p2 $0x0  }
0x16: {  	s3 =	sld [smem:$0x3FDB];
	s0 =	simm.s32 @p2 $0x1  }
0x17: {  	s4 =	simm.s32 $0x1BF5;
	[smem:$0x3FAD] =	sst s0  }
0x18: {  	s0 =	sld [smem:$0x3F90];
	_ =	swait.ge [sflag:s4], $0x0  }
0x19: {  	s7 =	sld [smem:$0x3F91]  }
0x1a: {  	s8 =	sadd.s32 $0xFFFFE003, lr  }
0x1b: {  	s9 =	sadd.s32 $0xFFFFFEF7, lr;
	s5 =	simm.s32 $0xFFFFFFFF;
	p2 =	slt.u32 s8, $0xFFFFF086  }
0x1c: {  	p1 =	slt.u32 s9, $0xF7A;
	s5 =	simm.s32 @!p2 $0x0  }
0x1d: {  	s5 =	simm.s32 @p1 $0x1;
	p0 =	seq.s32 s7, s2  }
0x1e: {  	s7 =	smul.u32 @!p0 $0xF7A, s2;
	p2 =	seq.s32 @!p0 s5, $0x0  }
0x1f: {  	s9 =	smul.u32 $0xF7A, s1;
	s8 =	simm.s32 @!p0 $0x1BF5;
	p2 =	por !p2, p0  }
0x20: {  	[sflag:s8] =	ssyncset.s32 @!p0 $0xFFFFF086;
	s6 =	sadd.s32 @!p0 s3, s7;
	s7 =	simm.s32 @!p0 $0x108  }
0x21: {  	s3 =	sadd.s32 s3, s9;
	s6 =	sadd.s32 @!p0 $0x88, s6;
	s7 =	simm.s32 @p2 $0x1082  }
0x22: {  	[simem:s7], [sflag:s8] =	dma.local @!p0 [hbm:s6], $0xF7A  }
0x23: {  	s9 =	sor.u32 $0xD0000000, s2;
	s6 =	simm.s32 $0x108;
	_ =	swait.ge @!p0 [sflag:s8], $0x0  }
0x24: {  	s3 =	sadd.s32 $0x88, s3;
	s6 =	simm.s32 @!p1 $0x1082;
	[sflag:s4] =	ssyncset.s32 $0xFFFFF086  }
0x25: {  	[simem:s6], [sflag:s4] =	dma.local [hbm:s3], $0xF7A  }
0x26: {  	[smem:$0x3F91] =	sst s1;
	(tag) =	ssettag s2;
	_ =	strace s9  }
0x27: {  	s1 =	sld [smem:$0x3FA1]  }
0x28: {  	s2 =	sld [smem:$0x3FA2]  }
0x29: {  	s4 =	sld [smem:$0x3FA4]  }
0x2a: {  	p0 =	seq.s32 s5, $0x0;
	s5 =	sld [smem:$0x3FA5]  }
0x2b: {  	s6 =	sld [smem:$0x3FA6]  }
0x2c: {  	s7 =	sld [smem:$0x3FA7]  }
0x2d: {  	s3 =	simm.s32 $0x108;
	s8 =	sld [smem:$0x3FA8]  }
0x2e: {  	s3 =	simm.s32 @!p0 $0x1082;
	s9 =	sld [smem:$0x3FA9]  }
0x2f: {  	lr =	sadd.s32 s0, s3;
	s0 =	sld [smem:$0x3FA0]  }
0x30: {  	s3 =	sld [smem:$0x3FA3]  }
0x31: {  	[smem:$0x3FAC] =	sst s10  }
0x32: {  	s10 =	sld [smem:$0x3FAA];
	_ =	sdelay $0x3  }
0x33: {  	p0 =	seq.s32 s10, $0x1;
	s10 =	sld [smem:$0x3FAC];
	_ =	sdelay $0x3  }
0x34: {  	[smem:$0x3FAC] =	sst s10  }
0x35: {  	s10 =	sld [smem:$0x3FAB];
	_ =	sdelay $0x3  }
0x36: {  	p1 =	seq.s32 s10, $0x1;
	s10 =	sld [smem:$0x3FAC];
	_ =	sdelay $0x3  }
0x37: {  	[smem:$0x3FAC] =	sst s10  }
0x38: {  	s10 =	sld [smem:$0x3FAD]  }
0x39: {  	_ = 	snop;
	(pc) =	sbr.ind lr, $3  }
0x3a: {  	_ = 	snop  }
0x3b: {  	_ = 	snop  }
0x3c: {  	p2 =	seq.s32 s10, $0x1;
	s10 =	sld [smem:$0x3FAC]  }
0x3d: {  	_ =	shalt  }
0x3e: {  	_ =	shalt  }
0x3f: {  	_ =	shalt  }
0x40: {  	_ =	shalt  }
0x41: {  	_ =	shalt  }
0x42: {  	_ =	shalt  }
0x43: {  	_ =	shalt  }
0x44: {  	_ =	shalt  }
0x45: {  	_ =	shalt  }
0x46: {  	_ =	shalt  }
0x47: {  	_ =	shalt  }
0x48: {  	_ =	shalt  }
0x49: {  	_ =	shalt  }
0x4a: {  	_ =	shalt  }
0x4b: {  	_ =	shalt  }
0x4c: {  	_ =	shalt  }
0x4d: {  	_ =	shalt  }
0x4e: {  	_ =	shalt  }
0x4f: {  	_ =	shalt  }
0x50: {  	_ =	shalt  }
0x51: {  	_ =	shalt  }
0x52: {  	_ =	shalt  }
0x53: {  	_ =	shalt  }
0x54: {  	_ =	shalt  }
0x55: {  	_ =	shalt  }
0x56: {  	_ =	shalt  }
0x57: {  	_ =	shalt  }
0x58: {  	_ =	shalt  }
0x59: {  	_ =	shalt  }
0x5a: {  	_ =	shalt  }
0x5b: {  	_ =	shalt  }
0x5c: {  	_ =	shalt  }
0x5d: {  	_ =	shalt  }
0x5e: {  	_ =	shalt  }
0x5f: {  	_ =	shalt  }
0x60: {  	_ =	shalt  }
0x61: {  	_ =	shalt  }
0x62: {  	_ =	shalt  }
0x63: {  	_ =	shalt  }
0x64: {  	_ =	shalt  }
0x65: {  	_ =	shalt  }
0x66: {  	_ =	shalt  }
0x67: {  	_ =	shalt  }
0x68: {  	_ =	shalt  }
0x69: {  	_ =	shalt  }
0x6a: {  	_ =	shalt  }
0x6b: {  	_ =	shalt  }
0x6c: {  	_ =	shalt  }
0x6d: {  	_ =	shalt  }
0x6e: {  	_ =	shalt  }
0x6f: {  	_ =	shalt  }
0x70: {  	_ =	shalt  }
0x71: {  	_ =	shalt  }
0x72: {  	_ =	shalt  }
0x73: {  	_ =	shalt  }
0x74: {  	_ =	shalt  }
0x75: {  	_ =	shalt  }
0x76: {  	_ =	shalt  }
0x77: {  	_ =	shalt  }
0x78: {  	_ =	shalt  }
0x79: {  	_ =	shalt  }
0x7a: {  	_ =	shalt  }
0x7b: {  	_ =	shalt  }
0x7c: {  	_ =	shalt  }
0x7d: {  	_ =	shalt  }
0x7e: {  	_ =	shalt  }
0x7f: {  	_ =	shalt  }
0x80: {  	_ =	shalt  }
0x81: {  	_ =	shalt  }
0x82: {  	_ =	shalt  }
0x83: {  	_ =	shalt  }
0x84: {  	_ =	shalt  }
0x85: {  	_ =	shalt  }
0x86: {  	_ =	shalt  }
0x87: {  	_ =	shalt  }
.Lfunc_end0:
.L_simem_size_0:
called_computation.1_lowered:
.L_overlay_start_0:
0x88: {  	s2 =	sld [smem:$0x3FD9]  }
0x89: {  	s3 =	sld [smem:$0x3FFE];
	_ =	sdelay $0x1  }
0x8a: {  	s1 =	srdreg.scid  }
0x8b: {  	s0 =	sand.u32 $0x1, s1  }
0x8c: {  	s14 =	sshll.u32 s0, $0xA;
	s2 =	sadd.s32 s3, s2  }
0x8d: {  	s2 =	sadd.s32 s2, s14  }
0x8e: {  	[smem:$0x3FB8] =	sst s2  }
0x8f: {  	_ = 	snop  }
0x90: {  	s2 =	sld [smem:$0x3FD0];
	_ =	sdelay $0x2  }
0x91: {  	s15 =	simm.s32 $0xA;
	s4 =	simm.s32 $0x10  }
0x92: {  	[smem:s4], [sflag:s15] =	dma.local [hbm:s2], $0x1  }
0x93: {  	_ =	swait.eq [sflag:s15], $0x1  }
0x94: {  	[sflag:s15] =	ssyncset.done $0x0  }
0x95: {  	[sflag:s15] =	ssyncadd.s32 $0xFFFFFFFF  }
0x96: {  	s16 =	sld [smem:$0x11];
	(tm) =	ssettm $0x1  }
0x97: {  	s17 =	sld [smem:$0x3FFB];
	_ =	sdelay $0x3  }
0x98: {  	_ =	strace s17  }
0x99: {  	s3 =	sld [smem:$0x3FFC];
	_ =	sdelay $0x3  }
0x9a: {  	_ =	strace s3  }
0x9b: {  	s3 =	sld [smem:$0x3FFD];
	_ =	sdelay $0x3  }
0x9c: {  	_ =	strace s3  }
0x9d: {  	_ =	strace $0x8FFFFFFF  }
0x9e: {  	s18 =	sld [smem:$0x3FDB];
	_ =	sdelay $0x1  }
0x9f: {  	s19 =	simm.s32 $_scs_section_size  }
0xa0: {  	s5 =	simm.s32 $_size__tile_overlayer_lowered;
	s6 =	simm.s32 $_tile_overlayer_lowered  }
0xa1: {  	s22 =	simm.s32 $0x1BFF;
	s21 =	sshll.u32 s6, $0x1;
	s3 =	sadd.s32 s19, s18  }
0xa2: {  	s7 =	simm.s32 $0x0;
	s20 =	sshll.u32 s5, $0x1;
	s5 =	sadd.s32 s21, s3  }
0xa3: {  	[timem:s7], [sflag:s22] =	dma.local [hbm:s5], s20  }
0xa4: {  	_ =	swait.ge [sflag:s22], s20  }
0xa5: {  	s4 =	ssub.s32 $0x0, s20;
	[sflag:s22] =	ssyncset.done $0x0  }
0xa6: {  	[sflag:s22] =	ssyncadd.s32 s4;
	_ =	sdelay $0x1  }
0xa7: {  	s23 =	simm.s32 $0x1B8B  }
0xa8: {  	_ =	swait.ge [sflag:s23], $0x1  }
0xa9: {  	[sflag:s23] =	ssyncset.done $0x0  }
0xaa: {  	s25 =	simm.s32 $0x1B8E;
	s24 =	sld [smem:$0x3FFE];
	[sflag:s23] =	ssyncadd.s32 $0xFFFFFFFF  }
0xab: {  	s26 =	simm.s32 $execute0_lowered;
	[smem:$0x3FD2] =	sst s25  }
0xac: {  	s5 =	sshll.u32 s26, $0x1;
	_ =	strace $0x80000049;
	[dreg:$0x1] =	wrdreg $0xFFFFFFFF  }
0xad: {  	s28 =	simm.s32 $_size_execute0_lowered;
	s3 =	sadd.s32 s3, s5;
	[dreg:$0x0] =	wrdreg $0x0  }
0xae: {  	s5 =	sshll.u32 s28, $0x1;
	[dreg:$0x2] =	wrdreg s3  }
0xaf: {  	[dreg:$0x3] =	wrdreg s5  }
0xb0: {  	[dreg:$0x4] =	wrdreg $0xC0  }
0xb1: {  	_ =	task [dreg:s7], $0x5FFFF  }
0xb2: {  	[dreg:$0x1] =	wrdreg $0xFFFFFFFF  }
0xb3: {  	[dreg:$0x0] =	wrdreg $0x60  }
0xb4: {  	[dreg:$0x2] =	wrdreg s16  }
0xb5: {  	[dreg:$0x3] =	wrdreg s24  }
0xb6: {  	[dreg:$0x4] =	wrdreg $0x9  }
0xb7: {  	_ =	task.clear_ibuf [dreg:s7], $0x5FFFF;
	_ =	strace $0x90000049  }
0xb8: {  	s29 =	simm.s32 $0x9;
	_ =	strace $0x8000004B  }
0xb9: {  	_ =	swait.ge [sflag:s29], $0x1  }
0xba: {  	[sflag:s29] =	ssyncadd.s32 $0xFFFFFFFF  }
0xbb: {  	_ =	strace $0x9000004B  }
0xbc: {  	_ =	sfence  }
0xbd: {  	s30 =	sld [smem:$0x0];
	_ =	sdelay $0x2  }
0xbe: {  	s31 =	sshll.u32 s1, $0xD;
	s1 =	sshrl.u32 s1, $0x2  }
0xbf: {  	s3 =	sand.u32 $0x4000, s31;
	s1 =	sadd.s32 s1, s30  }
0xc0: {  	s0 =	sor.u32 s3, s0;
	s1 =	sshll.u32 s1, $0x11  }
0xc1: {  	s0 =	sor.u32 s1, s0  }
0xc2: {  	s0 =	sadd.s32 $0x8F2B, s0  }
0xc3: {  	[sflag:s0] =	ssyncadd.remote.s32 $0x1  }
0xc4: {  	_ =	sfence.sel $0xFFFF  }
0xc5: {  	[dreg:$0x0] =	wrdreg $0xFFFFFFFF;
	(pc) =	sbr.abs _section_cstart, $3  }
0xc6: {  	[dreg:$0x1] =	wrdreg $0xFFFFFFFF  }
0xc7: {  	_ =	task.clear_ibuf [dreg:s7], $0x2FFFF;
	_ =	strace $0x9FFFFFFF  }
0xc8: {  	(tm) =	ssettm $0x7FFFFFFF  }
0xc9: {  	_ =	shalt  }
tec
execute0_lowered:
.L_overlay_start_1:
0x0: {  	(tag) =	ssettag $0x1  }
0x1: {  	s2 =	rddreg [dreg:$0x0]  }
0x2: {  	s0 =	rddreg [dreg:$0x1]  }
0x3: {  	s1 =	srdreg.scid;
	s4 =	stileid.u32;
	s3 =	simm.s32 $0x0  }
0x4: {  	s15 =	simm.s32 $0x9;
	s17 =	simm.s32 $0x50;
	s18 =	simm.s32 $0xA000  }
0x5: {  	s20 =	simm.s32 $0x2800;
	s24 =	simm.s32 $0x5000;
	s29 =	simm.s32 $0x7800  }
0x6: {  	s31 =	simm.s32 $0x11800;
	s19 =	simm.s32 $0x2;
	s21 =	simm.s32 $0x6  }
0x7: {  	s22 =	simm.s32 $0x3;
	s23 =	simm.s32 $0x7;
	s28 =	simm.s32 $0x0  }
0x8: {  	s1 =	sand.u32 $0x1, s1;
	s4 =	sshll.u32 s4, $0x1;
	[smem:$0x7FF] =	sst s3  }
0x9: {  	s6 =	sor.u32 s1, s4;
	_ =	strace $0x8000004A;
	s4 =	sadd.s32 $0x22E00, s0  }
0xa: {  	s1 =	ssub.s32 $0x2, s1;
	s5 =	sshll.u32 s6, $0xB;
	s8 =	smul.u32 $0x138800, s6  }
0xb: {  	s25 =	sshrl.u32 s1, $0x1;
	s6 =	smul.u32 $0x2710, s6;
	s7 =	sadd.s32 s5, s0  }
0xc: {  	s5 =	sadd.s32 $0x4A000, s0;
	s0 =	ssub.s32 s1, s25;
	s25 =	simm.s32 $0x4  }
0xd: {  	s26 =	sadd.s32 $0x12E00, s7;
	s30 =	sshrl.u32 s8, $0x3;
	s7 =	sadd.s32 $0x2E00, s7  }
0xe: {  	s9 =	sadd.s32 $0x50, s6;
	s10 =	sadd.s32 $0xA0, s6;
	s11 =	sadd.s32 $0xF0, s6  }
0xf: {  	s13 =	smax.u32 s0, $0x1;
	[dreg:$0x3] =	wrdreg s26;
	s1 =	sadd.s32 s5, s30  }
0x10: {  	s0 =	simm.s32 $0x1;
	[dreg:$0x4] =	wrdreg s7;
	s1 =	sadd.s32 $0x26C00, s1  }
0x11: {  	s26 =	simm.s32 $0x8;
	[dreg:$0x5] =	wrdreg s1;
	s1 =	simm.s32 $0x5  }
.LBB2_1:
0x12: {  	s7 =	rddreg [dreg:$0x3];
	s8 =	simm.s32 $0x14000  }
0x13: {  	[tilespmem:s8], [sflag:$0x9] =	stream.linear.gather [hbm4b:s7+s3], $0x3E80, $0x38;
	[tilespmem:$0x1C000] =	vst v63  }
0x14: {  	_ =	swait.ge [sflag:s15], $0x3E80  }
0x15: {  	[sflag:s15] =	ssyncset.done $0x0  }
0x16: {  	s12 =	simm.s32 $0x18000;
	s16 =	rddreg [dreg:$0x4];
	[sflag:s15] =	ssyncadd.s32 $0xFFFFC180  }
0x17: {  	[tilespmem:s12], [sflag:$0x9] =	stream.linear.gather [hbm4b:s16+s3], $0x3E80, $0x38;
	[tilespmem:$0x1C000] =	vst v63  }
0x18: {  	_ =	swait.ge [sflag:s15], $0x3E80  }
0x19: {  	[sflag:s15] =	ssyncset.done $0x0  }
0x1a: {  	[sflag:s15] =	ssyncadd.s32 $0xFFFFC180  }
0x1b: {  	[tilespmem:s3], [sflag:$0x1] =	stream.indirect.gather [hbm4b:s2+s17], $0x80, s8, s17, $0xb8;
	[tilespmem:$0x1C000] =	vst v63  }
0x1c: {  	_ = 	snop  }
0x1d: {  	[tilespmem:s18], [sflag:$0x5] =	stream.indirect.gather [hbm4b:s4+s17], $0x80, s12, s17, $0xb8;
	[tilespmem:$0x1C000] =	vst v63  }
0x1e: {  	s8 =	simm.s32 $0x14080  }
0x1f: {  	[tilespmem:s20], [sflag:$0x2] =	stream.indirect.gather [hbm4b:s2+s17], $0x80, s8, s17, $0xb8;
	[tilespmem:$0x1C000] =	vst v63  }
0x20: {  	s14 =	simm.s32 $0xC800;
	s12 =	simm.s32 $0x18080  }
0x21: {  	[tilespmem:s14], [sflag:$0x6] =	stream.indirect.gather [hbm4b:s4+s17], $0x80, s12, s17, $0xb8;
	[tilespmem:$0x1C000] =	vst v63  }
0x22: {  	s16 =	simm.s32 $0x14100  }
0x23: {  	[tilespmem:s24], [sflag:$0x3] =	stream.indirect.gather [hbm4b:s2+s17], $0x80, s16, s17, $0xb8;
	[tilespmem:$0x1C000] =	vst v63  }
0x24: {  	s8 =	simm.s32 $0x18100;
	s12 =	simm.s32 $0xF000  }
0x25: {  	[tilespmem:s12], [sflag:$0x7] =	stream.indirect.gather [hbm4b:s4+s17], $0x80, s8, s17, $0xb8;
	[tilespmem:$0x1C000] =	vst v63  }
0x26: {  	s14 =	simm.s32 $0x14180  }
0x27: {  	[tilespmem:s29], [sflag:$0x4] =	stream.indirect.gather [hbm4b:s2+s17], $0x80, s14, s17, $0xb8;
	[tilespmem:$0x1C000] =	vst v63  }
0x28: {  	s30 =	simm.s32 $0x0;
	s16 =	simm.s32 $0x18180  }
0x29: {  	[tilespmem:s31], [sflag:$0x8] =	stream.indirect.gather [hbm4b:s4+s17], $0x80, s16, s17, $0xb8;
	[tilespmem:$0x1C000] =	vst v63  }
.LBB2_2:
0x2a: {  	_ =	swait.ge [sflag:s0], $0x2800  }
0x2b: {  	[sflag:s0] =	ssyncset.done $0x0  }
0x2c: {  	[sflag:s0] =	ssyncadd.s32 $0xFFFFD800  }
0x2d: {  	_ =	swait.ge [sflag:s1], $0x2800  }
0x2e: {  	[sflag:s1] =	ssyncset.done $0x0  }
0x2f: {  	s14 =	simm.s32 $0x0;
	[sflag:s1] =	ssyncadd.s32 $0xFFFFD800  }
0x30: {  	v6 =	vld [tilespmem:s14+$0xA000]  }
0x31: {  	v11 =	vld [tilespmem:s14+$0xA010]  }
0x32: {  	v5 =	vld [tilespmem:s14+$0xA020]  }
0x33: {  	v4 =	vld [tilespmem:s14+$0xA030]  }
0x34: {  	v3 =	vld [tilespmem:s14+$0xA040]  }
0x35: {  	v2 =	vld [tilespmem:s14+$0xA050]  }
0x36: {  	v1 =	vld [tilespmem:s14+$0xA060]  }
0x37: {  	v0 =	vld [tilespmem:s14+$0xA070]  }
0x38: {  	v12 =	vld [tilespmem:s14+$0x0]  }
0x39: {  	v13 =	vld [tilespmem:s14+$0x10]  }
0x3a: {  	v10 =	vld [tilespmem:s14+$0x20]  }
0x3b: {  	v9 =	vld [tilespmem:s14+$0x30]  }
0x3c: {  	v8 =	vld [tilespmem:s14+$0x40]  }
0x3d: {  	v7 =	vld [tilespmem:s14+$0x50];
	v12 =	vadd.f32 v6, v12  }
0x3e: {  	s7 =	simm.s32 $0x200;
	v11 =	vadd.f32 v11, v13;
	v6 =	vld [tilespmem:s14+$0x60]  }
.LBB2_3:
0x3f: {  	s8 =	sshra.s32 s7, $0x2;
	p0 =	sne.s32 s7, $0x9E00;
	[tilespmem:s14+$0x0] =	vst v12;
	v5 =	vadd.f32 v5, v10;
	v10 =	vld [tilespmem:s14+$0x70]  }
0x40: {  	v12 =	vld [tilespmem:s8+$0xA000];
	[tilespmem:s14+$0x10] =	vst v11;
	v4 =	vadd.f32 v4, v9  }
0x41: {  	v11 =	vld [tilespmem:s8+$0xA010];
	[tilespmem:s14+$0x20] =	vst v5;
	v3 =	vadd.f32 v3, v8  }
0x42: {  	v5 =	vld [tilespmem:s8+$0xA020];
	[tilespmem:s14+$0x30] =	vst v4;
	v2 =	vadd.f32 v2, v7  }
0x43: {  	v4 =	vld [tilespmem:s8+$0xA030];
	[tilespmem:s14+$0x40] =	vst v3;
	v1 =	vadd.f32 v1, v6  }
0x44: {  	v3 =	vld [tilespmem:s8+$0xA040];
	[tilespmem:s14+$0x50] =	vst v2;
	v0 =	vadd.f32 v0, v10  }
0x45: {  	v2 =	vld [tilespmem:s8+$0xA050];
	[tilespmem:s14+$0x60] =	vst v1  }
0x46: {  	v1 =	vld [tilespmem:s8+$0xA060];
	[tilespmem:s14+$0x70] =	vst v0;
	s14 =	smov.u32 s8  }
0x47: {  	v0 =	vld [tilespmem:s14+$0xA070]  }
0x48: {  	v6 =	vld [tilespmem:s14+$0x0]  }
0x49: {  	v13 =	vld [tilespmem:s14+$0x10]  }
.Ltmp0:
0x4a: {  	v10 =	vld [tilespmem:s14+$0x20];
	(pc) =	sbr.rel @p0 .LBB2_3-.Ltmp0, $4  }
0x4b: {  	v9 =	vld [tilespmem:s14+$0x30]  }
0x4c: {  	v8 =	vld [tilespmem:s14+$0x40]  }
0x4d: {  	v12 =	vadd.f32 v12, v6;
	v7 =	vld [tilespmem:s14+$0x50]  }
0x4e: {  	s7 =	sadd.s32 $0x200, s7;
	v11 =	vadd.f32 v11, v13;
	v6 =	vld [tilespmem:s14+$0x60]  }
0x4f: {  	[tilespmem:s14+$0x0] =	vst v12;
	v5 =	vadd.f32 v5, v10;
	v10 =	vld [tilespmem:s14+$0x70]  }
0x50: {  	[tilespmem:s14+$0x10] =	vst v11;
	v4 =	vadd.f32 v4, v9  }
0x51: {  	[tilespmem:s14+$0x20] =	vst v5;
	v3 =	vadd.f32 v3, v8  }
0x52: {  	s7 =	smul.u32 $0x140, s30;
	[tilespmem:s14+$0x30] =	vst v4;
	v2 =	vadd.f32 v2, v7  }
0x53: {  	[tilespmem:s14+$0x40] =	vst v3;
	v1 =	vadd.f32 v1, v6  }
0x54: {  	s8 =	sadd.s32 s6, s7;
	[tilespmem:s14+$0x50] =	vst v2;
	v0 =	vadd.f32 v0, v10  }
0x55: {  	s8 =	sshll.u32 s8, $0x4;
	[tilespmem:s14+$0x60] =	vst v1  }
0x56: {  	s16 =	simm.s32 $0x0;
	s8 =	sadd.s32 s5, s8;
	[tilespmem:s14+$0x70] =	vst v0  }
0x57: {  	[hbm4b:s8+s16] =	stream.linear.scatter [tilespmem:s16], [sflag:$0x9], $0x2800, $0x38;
	[tilespmem:$0x1C000] =	vst v63  }
0x58: {  	_ =	swait.ge [sflag:s15], $0x2800  }
0x59: {  	s14 =	sshll.u32 s30, $0x9;
	[sflag:s15] =	ssyncset.done $0x0  }
0x5a: {  	s12 =	sadd.s32 $0x14200, s14;
	[sflag:s15] =	ssyncadd.s32 $0xFFFFD800  }
0x5b: {  	[tilespmem:s16], [sflag:$0x1] =	stream.indirect.gather [hbm4b:s2+s17], $0x80, s12, s17, $0xb8;
	[tilespmem:$0x1C000] =	vst v63  }
0x5c: {  	s16 =	sadd.s32 $0x18200, s14  }
0x5d: {  	[tilespmem:s18], [sflag:$0x5] =	stream.indirect.gather [hbm4b:s4+s17], $0x80, s16, s17, $0xb8;
	[tilespmem:$0x1C000] =	vst v63  }
0x5e: {  	_ =	swait.ge [sflag:s19], $0x2800  }
0x5f: {  	[sflag:s19] =	ssyncset.done $0x0  }
0x60: {  	[sflag:s19] =	ssyncadd.s32 $0xFFFFD800  }
0x61: {  	_ =	swait.ge [sflag:s21], $0x2800  }
0x62: {  	[sflag:s21] =	ssyncset.done $0x0  }
0x63: {  	s16 =	simm.s32 $0x0;
	[sflag:s21] =	ssyncadd.s32 $0xFFFFD800  }
0x64: {  	v7 =	vld [tilespmem:s16+$0xC800]  }
0x65: {  	v11 =	vld [tilespmem:s16+$0xC810]  }
0x66: {  	v5 =	vld [tilespmem:s16+$0xC820]  }
0x67: {  	v4 =	vld [tilespmem:s16+$0xC830]  }
0x68: {  	v3 =	vld [tilespmem:s16+$0xC840]  }
0x69: {  	v2 =	vld [tilespmem:s16+$0xC850]  }
0x6a: {  	v1 =	vld [tilespmem:s16+$0xC860]  }
0x6b: {  	v0 =	vld [tilespmem:s16+$0xC870]  }
0x6c: {  	v12 =	vld [tilespmem:s16+$0x2800]  }
0x6d: {  	v13 =	vld [tilespmem:s16+$0x2810]  }
0x6e: {  	v10 =	vld [tilespmem:s16+$0x2820]  }
0x6f: {  	v9 =	vld [tilespmem:s16+$0x2830]  }
0x70: {  	v8 =	vld [tilespmem:s16+$0x2840]  }
0x71: {  	v6 =	vld [tilespmem:s16+$0x2850];
	v12 =	vadd.f32 v7, v12  }
0x72: {  	s8 =	simm.s32 $0x200;
	v11 =	vadd.f32 v11, v13;
	v7 =	vld [tilespmem:s16+$0x2860]  }
.LBB2_5:
0x73: {  	s12 =	sshra.s32 s8, $0x2;
	p0 =	sne.s32 s8, $0x9E00;
	[tilespmem:s16+$0x2800] =	vst v12;
	v5 =	vadd.f32 v5, v10;
	v10 =	vld [tilespmem:s16+$0x2870]  }
0x74: {  	v12 =	vld [tilespmem:s12+$0xC800];
	[tilespmem:s16+$0x2810] =	vst v11;
	v4 =	vadd.f32 v4, v9  }
0x75: {  	v11 =	vld [tilespmem:s12+$0xC810];
	[tilespmem:s16+$0x2820] =	vst v5;
	v3 =	vadd.f32 v3, v8  }
0x76: {  	v5 =	vld [tilespmem:s12+$0xC820];
	[tilespmem:s16+$0x2830] =	vst v4;
	v2 =	vadd.f32 v2, v6  }
0x77: {  	v4 =	vld [tilespmem:s12+$0xC830];
	[tilespmem:s16+$0x2840] =	vst v3;
	v1 =	vadd.f32 v1, v7  }
0x78: {  	v3 =	vld [tilespmem:s12+$0xC840];
	[tilespmem:s16+$0x2850] =	vst v2;
	v0 =	vadd.f32 v0, v10  }
0x79: {  	v2 =	vld [tilespmem:s12+$0xC850];
	[tilespmem:s16+$0x2860] =	vst v1  }
0x7a: {  	v1 =	vld [tilespmem:s12+$0xC860];
	[tilespmem:s16+$0x2870] =	vst v0;
	s16 =	smov.u32 s12  }
0x7b: {  	v0 =	vld [tilespmem:s16+$0xC870]  }
0x7c: {  	v6 =	vld [tilespmem:s16+$0x2800]  }
0x7d: {  	v7 =	vld [tilespmem:s16+$0x2810]  }
.Ltmp1:
0x7e: {  	v10 =	vld [tilespmem:s16+$0x2820];
	(pc) =	sbr.rel @p0 .LBB2_5-.Ltmp1, $4  }
0x7f: {  	v9 =	vld [tilespmem:s16+$0x2830]  }
0x80: {  	v8 =	vld [tilespmem:s16+$0x2840]  }
0x81: {  	v12 =	vadd.f32 v12, v6;
	v6 =	vld [tilespmem:s16+$0x2850]  }
0x82: {  	s8 =	sadd.s32 $0x200, s8;
	v11 =	vadd.f32 v11, v7;
	v7 =	vld [tilespmem:s16+$0x2860]  }
0x83: {  	[tilespmem:s16+$0x2800] =	vst v12;
	v5 =	vadd.f32 v5, v10;
	v10 =	vld [tilespmem:s16+$0x2870]  }
0x84: {  	[tilespmem:s16+$0x2810] =	vst v11;
	v4 =	vadd.f32 v4, v9  }
0x85: {  	[tilespmem:s16+$0x2820] =	vst v5;
	v3 =	vadd.f32 v3, v8  }
0x86: {  	[tilespmem:s16+$0x2830] =	vst v4;
	v2 =	vadd.f32 v2, v6  }
0x87: {  	[tilespmem:s16+$0x2840] =	vst v3;
	v1 =	vadd.f32 v1, v7  }
0x88: {  	s8 =	sadd.s32 s9, s7;
	[tilespmem:s16+$0x2850] =	vst v2;
	v0 =	vadd.f32 v0, v10  }
0x89: {  	s8 =	sshll.u32 s8, $0x4;
	[tilespmem:s16+$0x2860] =	vst v1  }
0x8a: {  	s8 =	sadd.s32 s5, s8;
	[tilespmem:s16+$0x2870] =	vst v0  }
0x8b: {  	[hbm4b:s8+s3] =	stream.linear.scatter [tilespmem:s20], [sflag:$0x9], $0x2800, $0x38;
	[tilespmem:$0x1C000] =	vst v63  }
0x8c: {  	p0 =	seq.s32 s30, $0x1E;
	_ =	swait.ge [sflag:s15], $0x2800  }
0x8d: {  	s12 =	simm.s32 @!p0 $0x50;
	[sflag:s15] =	ssyncset.done $0x0  }
0x8e: {  	s16 =	simm.s32 @!p0 $0x2800;
	s8 =	sadd.s32 @!p0 $0x14280, s14;
	[sflag:s15] =	ssyncadd.s32 $0xFFFFD800  }
0x8f: {  	[tilespmem:s16], [sflag:$0x2] =	stream.indirect.gather @!p0 [hbm4b:s2+s12], $0x80, s8, s12, $0xb8;
	[tilespmem:$0x1C000] =	vst v63  }
0x90: {  	s8 =	sadd.s32 @!p0 $0x18280, s14;
	s16 =	simm.s32 @!p0 $0xC800  }
0x91: {  	[tilespmem:s16], [sflag:$0x6] =	stream.indirect.gather @!p0 [hbm4b:s4+s12], $0x80, s8, s12, $0xb8;
	[tilespmem:$0x1C000] =	vst v63  }
0x92: {  	_ =	swait.ge [sflag:s22], $0x2800  }
0x93: {  	[sflag:s22] =	ssyncset.done $0x0  }
0x94: {  	[sflag:s22] =	ssyncadd.s32 $0xFFFFD800  }
0x95: {  	_ =	swait.ge [sflag:s23], $0x2800  }
0x96: {  	[sflag:s23] =	ssyncset.done $0x0  }
0x97: {  	s16 =	simm.s32 $0x0;
	[sflag:s23] =	ssyncadd.s32 $0xFFFFD800  }
0x98: {  	v7 =	vld [tilespmem:s16+$0xF000]  }
0x99: {  	v11 =	vld [tilespmem:s16+$0xF010]  }
0x9a: {  	v5 =	vld [tilespmem:s16+$0xF020]  }
0x9b: {  	v4 =	vld [tilespmem:s16+$0xF030]  }
0x9c: {  	v3 =	vld [tilespmem:s16+$0xF040]  }
0x9d: {  	v2 =	vld [tilespmem:s16+$0xF050]  }
0x9e: {  	v1 =	vld [tilespmem:s16+$0xF060]  }
0x9f: {  	v0 =	vld [tilespmem:s16+$0xF070]  }
0xa0: {  	v12 =	vld [tilespmem:s16+$0x5000]  }
0xa1: {  	v13 =	vld [tilespmem:s16+$0x5010]  }
0xa2: {  	v10 =	vld [tilespmem:s16+$0x5020]  }
0xa3: {  	v9 =	vld [tilespmem:s16+$0x5030]  }
0xa4: {  	v8 =	vld [tilespmem:s16+$0x5040]  }
0xa5: {  	v6 =	vld [tilespmem:s16+$0x5050];
	v12 =	vadd.f32 v7, v12  }
0xa6: {  	s8 =	simm.s32 $0x200;
	v11 =	vadd.f32 v11, v13;
	v7 =	vld [tilespmem:s16+$0x5060]  }
.LBB2_7:
0xa7: {  	s12 =	sshra.s32 s8, $0x2;
	p1 =	sne.s32 s8, $0x9E00;
	[tilespmem:s16+$0x5000] =	vst v12;
	v5 =	vadd.f32 v5, v10;
	v10 =	vld [tilespmem:s16+$0x5070]  }
0xa8: {  	v12 =	vld [tilespmem:s12+$0xF000];
	[tilespmem:s16+$0x5010] =	vst v11;
	v4 =	vadd.f32 v4, v9  }
0xa9: {  	v11 =	vld [tilespmem:s12+$0xF010];
	[tilespmem:s16+$0x5020] =	vst v5;
	v3 =	vadd.f32 v3, v8  }
0xaa: {  	v5 =	vld [tilespmem:s12+$0xF020];
	[tilespmem:s16+$0x5030] =	vst v4;
	v2 =	vadd.f32 v2, v6  }
0xab: {  	v4 =	vld [tilespmem:s12+$0xF030];
	[tilespmem:s16+$0x5040] =	vst v3;
	v1 =	vadd.f32 v1, v7  }
0xac: {  	v3 =	vld [tilespmem:s12+$0xF040];
	[tilespmem:s16+$0x5050] =	vst v2;
	v0 =	vadd.f32 v0, v10  }
0xad: {  	v2 =	vld [tilespmem:s12+$0xF050];
	[tilespmem:s16+$0x5060] =	vst v1  }
0xae: {  	v1 =	vld [tilespmem:s12+$0xF060];
	[tilespmem:s16+$0x5070] =	vst v0;
	s16 =	smov.u32 s12  }
0xaf: {  	v0 =	vld [tilespmem:s16+$0xF070]  }
0xb0: {  	v6 =	vld [tilespmem:s16+$0x5000]  }
0xb1: {  	v7 =	vld [tilespmem:s16+$0x5010]  }
.Ltmp2:
0xb2: {  	v10 =	vld [tilespmem:s16+$0x5020];
	(pc) =	sbr.rel @p1 .LBB2_7-.Ltmp2, $4  }
0xb3: {  	v9 =	vld [tilespmem:s16+$0x5030]  }
0xb4: {  	v8 =	vld [tilespmem:s16+$0x5040]  }
0xb5: {  	v12 =	vadd.f32 v12, v6;
	v6 =	vld [tilespmem:s16+$0x5050]  }
0xb6: {  	s8 =	sadd.s32 $0x200, s8;
	v11 =	vadd.f32 v11, v7;
	v7 =	vld [tilespmem:s16+$0x5060]  }
0xb7: {  	[tilespmem:s16+$0x5000] =	vst v12;
	v5 =	vadd.f32 v5, v10;
	v10 =	vld [tilespmem:s16+$0x5070]  }
0xb8: {  	[tilespmem:s16+$0x5010] =	vst v11;
	v4 =	vadd.f32 v4, v9  }
0xb9: {  	[tilespmem:s16+$0x5020] =	vst v5;
	v3 =	vadd.f32 v3, v8  }
0xba: {  	[tilespmem:s16+$0x5030] =	vst v4;
	v2 =	vadd.f32 v2, v6  }
0xbb: {  	[tilespmem:s16+$0x5040] =	vst v3;
	v1 =	vadd.f32 v1, v7  }
0xbc: {  	s8 =	sadd.s32 s10, s7;
	[tilespmem:s16+$0x5050] =	vst v2;
	v0 =	vadd.f32 v0, v10  }
0xbd: {  	s8 =	sshll.u32 s8, $0x4;
	[tilespmem:s16+$0x5060] =	vst v1  }
0xbe: {  	s8 =	sadd.s32 s5, s8;
	[tilespmem:s16+$0x5070] =	vst v0  }
0xbf: {  	[hbm4b:s8+s3] =	stream.linear.scatter [tilespmem:s24], [sflag:$0x9], $0x2800, $0x38;
	[tilespmem:$0x1C000] =	vst v63  }
0xc0: {  	_ =	swait.ge [sflag:s15], $0x2800  }
0xc1: {  	s12 =	simm.s32 @!p0 $0x50;
	[sflag:s15] =	ssyncset.done $0x0  }
0xc2: {  	s16 =	simm.s32 @!p0 $0x5000;
	s8 =	sadd.s32 @!p0 $0x14300, s14;
	[sflag:s15] =	ssyncadd.s32 $0xFFFFD800  }
0xc3: {  	[tilespmem:s16], [sflag:$0x3] =	stream.indirect.gather @!p0 [hbm4b:s2+s12], $0x80, s8, s12, $0xb8;
	[tilespmem:$0x1C000] =	vst v63  }
0xc4: {  	s8 =	sadd.s32 @!p0 $0x18300, s14;
	s16 =	simm.s32 @!p0 $0xF000  }
0xc5: {  	[tilespmem:s16], [sflag:$0x7] =	stream.indirect.gather @!p0 [hbm4b:s4+s12], $0x80, s8, s12, $0xb8;
	[tilespmem:$0x1C000] =	vst v63  }
0xc6: {  	_ =	swait.ge [sflag:s25], $0x2800  }
0xc7: {  	[sflag:s25] =	ssyncset.done $0x0  }
0xc8: {  	[sflag:s25] =	ssyncadd.s32 $0xFFFFD800  }
0xc9: {  	_ =	swait.ge [sflag:s26], $0x2800  }
0xca: {  	[sflag:s26] =	ssyncset.done $0x0  }
0xcb: {  	s16 =	simm.s32 $0x0;
	[sflag:s26] =	ssyncadd.s32 $0xFFFFD800  }
0xcc: {  	v7 =	vld [tilespmem:s16+$0x11800]  }
0xcd: {  	v11 =	vld [tilespmem:s16+$0x11810]  }
0xce: {  	v5 =	vld [tilespmem:s16+$0x11820]  }
0xcf: {  	v4 =	vld [tilespmem:s16+$0x11830]  }
0xd0: {  	v3 =	vld [tilespmem:s16+$0x11840]  }
0xd1: {  	v2 =	vld [tilespmem:s16+$0x11850]  }
0xd2: {  	v1 =	vld [tilespmem:s16+$0x11860]  }
0xd3: {  	v0 =	vld [tilespmem:s16+$0x11870]  }
0xd4: {  	v12 =	vld [tilespmem:s16+$0x7800]  }
0xd5: {  	v13 =	vld [tilespmem:s16+$0x7810]  }
0xd6: {  	v10 =	vld [tilespmem:s16+$0x7820]  }
0xd7: {  	v9 =	vld [tilespmem:s16+$0x7830]  }
0xd8: {  	v8 =	vld [tilespmem:s16+$0x7840]  }
0xd9: {  	v6 =	vld [tilespmem:s16+$0x7850];
	v12 =	vadd.f32 v7, v12  }
0xda: {  	s8 =	simm.s32 $0x200;
	v11 =	vadd.f32 v11, v13;
	v7 =	vld [tilespmem:s16+$0x7860]  }
.LBB2_9:
0xdb: {  	s12 =	sshra.s32 s8, $0x2;
	p1 =	sne.s32 s8, $0x9E00;
	[tilespmem:s16+$0x7800] =	vst v12;
	v5 =	vadd.f32 v5, v10;
	v10 =	vld [tilespmem:s16+$0x7870]  }
0xdc: {  	v12 =	vld [tilespmem:s12+$0x11800];
	[tilespmem:s16+$0x7810] =	vst v11;
	v4 =	vadd.f32 v4, v9  }
0xdd: {  	v11 =	vld [tilespmem:s12+$0x11810];
	[tilespmem:s16+$0x7820] =	vst v5;
	v3 =	vadd.f32 v3, v8  }
0xde: {  	v5 =	vld [tilespmem:s12+$0x11820];
	[tilespmem:s16+$0x7830] =	vst v4;
	v2 =	vadd.f32 v2, v6  }
0xdf: {  	v4 =	vld [tilespmem:s12+$0x11830];
	[tilespmem:s16+$0x7840] =	vst v3;
	v1 =	vadd.f32 v1, v7  }
0xe0: {  	v3 =	vld [tilespmem:s12+$0x11840];
	[tilespmem:s16+$0x7850] =	vst v2;
	v0 =	vadd.f32 v0, v10  }
0xe1: {  	v2 =	vld [tilespmem:s12+$0x11850];
	[tilespmem:s16+$0x7860] =	vst v1  }
0xe2: {  	v1 =	vld [tilespmem:s12+$0x11860];
	[tilespmem:s16+$0x7870] =	vst v0;
	s16 =	smov.u32 s12  }
0xe3: {  	v0 =	vld [tilespmem:s16+$0x11870]  }
0xe4: {  	v6 =	vld [tilespmem:s16+$0x7800]  }
0xe5: {  	v7 =	vld [tilespmem:s16+$0x7810]  }
.Ltmp3:
0xe6: {  	v10 =	vld [tilespmem:s16+$0x7820];
	(pc) =	sbr.rel @p1 .LBB2_9-.Ltmp3, $4  }
0xe7: {  	v9 =	vld [tilespmem:s16+$0x7830]  }
0xe8: {  	v8 =	vld [tilespmem:s16+$0x7840]  }
0xe9: {  	v12 =	vadd.f32 v12, v6;
	v6 =	vld [tilespmem:s16+$0x7850]  }
0xea: {  	s8 =	sadd.s32 $0x200, s8;
	v11 =	vadd.f32 v11, v7;
	v7 =	vld [tilespmem:s16+$0x7860]  }
0xeb: {  	[tilespmem:s16+$0x7800] =	vst v12;
	v5 =	vadd.f32 v5, v10;
	v63 =	vld [tilespmem:s16+$0x7870]  }
0xec: {  	[tilespmem:s16+$0x7810] =	vst v11;
	v4 =	vadd.f32 v4, v9  }
0xed: {  	[tilespmem:s16+$0x7820] =	vst v5;
	v3 =	vadd.f32 v3, v8  }
0xee: {  	[tilespmem:s16+$0x7830] =	vst v4;
	v2 =	vadd.f32 v2, v6  }
0xef: {  	[tilespmem:s16+$0x7840] =	vst v3;
	v1 =	vadd.f32 v1, v7  }
0xf0: {  	s7 =	sadd.s32 s11, s7;
	[tilespmem:s16+$0x7850] =	vst v2;
	v0 =	vadd.f32 v0, v63  }
0xf1: {  	s7 =	sshll.u32 s7, $0x4;
	[tilespmem:s16+$0x7860] =	vst v1  }
.Ltmp4:
0xf2: {  	s7 =	sadd.s32 s5, s7;
	[tilespmem:s16+$0x7870] =	vst v0;
	(pc) =	sbr.rel @p0 .LBB2_12-.Ltmp4, $4  }
0xf3: {  	[hbm4b:s7+s3] =	stream.linear.scatter [tilespmem:s29], [sflag:$0x9], $0x2800, $0x38;
	[tilespmem:$0x1C000] =	vst v63  }
0xf4: {  	_ =	swait.ge [sflag:s15], $0x2800  }
0xf5: {  	[sflag:s15] =	ssyncset.done $0x0  }
0xf6: {  	[sflag:s15] =	ssyncadd.s32 $0xFFFFD800  }
.Ltmp5:
0xf7: {  	(pc) =	sbr.rel .LBB2_2-.Ltmp5, $4  }
0xf8: {  	s7 =	sadd.s32 $0x14380, s14  }
0xf9: {  	[tilespmem:s29], [sflag:$0x4] =	stream.indirect.gather [hbm4b:s2+s17], $0x80, s7, s17, $0xb8;
	[tilespmem:$0x1C000] =	vst v63  }
0xfa: {  	s16 =	sadd.s32 $0x18380, s14;
	s30 =	sadd.s32 $0x1, s30  }
0xfb: {  	[tilespmem:s31], [sflag:$0x8] =	stream.indirect.gather [hbm4b:s4+s17], $0x80, s16, s17, $0xb8;
	[tilespmem:$0x1C000] =	vst v63  }
.LBB2_12:
0xfc: {  	_ =	swait.ge [sflag:s0], $0x2800  }
0xfd: {  	[sflag:s0] =	ssyncset.done $0x0  }
0xfe: {  	[sflag:s0] =	ssyncadd.s32 $0xFFFFD800  }
0xff: {  	_ =	swait.ge [sflag:s1], $0x2800  }
0x100: {  	[sflag:s1] =	ssyncset.done $0x0  }
0x101: {  	s7 =	simm.s32 $0x0;
	[sflag:s1] =	ssyncadd.s32 $0xFFFFD800  }
0x102: {  	v7 =	vld [tilespmem:s7+$0xA000]  }
0x103: {  	v11 =	vld [tilespmem:s7+$0xA010]  }
0x104: {  	v5 =	vld [tilespmem:s7+$0xA020]  }
0x105: {  	v4 =	vld [tilespmem:s7+$0xA030]  }
0x106: {  	v3 =	vld [tilespmem:s7+$0xA040]  }
0x107: {  	v2 =	vld [tilespmem:s7+$0xA050]  }
0x108: {  	v1 =	vld [tilespmem:s7+$0xA060]  }
0x109: {  	v0 =	vld [tilespmem:s7+$0xA070]  }
0x10a: {  	v12 =	vld [tilespmem:s7+$0x0]  }
0x10b: {  	v13 =	vld [tilespmem:s7+$0x10]  }
0x10c: {  	v10 =	vld [tilespmem:s7+$0x20]  }
0x10d: {  	v9 =	vld [tilespmem:s7+$0x30]  }
0x10e: {  	v8 =	vld [tilespmem:s7+$0x40]  }
0x10f: {  	v6 =	vld [tilespmem:s7+$0x50];
	v12 =	vadd.f32 v7, v12  }
0x110: {  	s8 =	simm.s32 $0x200;
	v11 =	vadd.f32 v11, v13;
	v7 =	vld [tilespmem:s7+$0x60]  }
.LBB2_13:
0x111: {  	s12 =	sshra.s32 s8, $0x2;
	p0 =	sne.s32 s8, $0x9E00;
	[tilespmem:s7+$0x0] =	vst v12;
	v5 =	vadd.f32 v5, v10;
	v10 =	vld [tilespmem:s7+$0x70]  }
0x112: {  	v12 =	vld [tilespmem:s12+$0xA000];
	[tilespmem:s7+$0x10] =	vst v11;
	v4 =	vadd.f32 v4, v9  }
0x113: {  	v11 =	vld [tilespmem:s12+$0xA010];
	[tilespmem:s7+$0x20] =	vst v5;
	v3 =	vadd.f32 v3, v8  }
0x114: {  	v5 =	vld [tilespmem:s12+$0xA020];
	[tilespmem:s7+$0x30] =	vst v4;
	v2 =	vadd.f32 v2, v6  }
0x115: {  	v4 =	vld [tilespmem:s12+$0xA030];
	[tilespmem:s7+$0x40] =	vst v3;
	v1 =	vadd.f32 v1, v7  }
0x116: {  	v3 =	vld [tilespmem:s12+$0xA040];
	[tilespmem:s7+$0x50] =	vst v2;
	v0 =	vadd.f32 v0, v10  }
0x117: {  	v2 =	vld [tilespmem:s12+$0xA050];
	[tilespmem:s7+$0x60] =	vst v1  }
0x118: {  	v1 =	vld [tilespmem:s12+$0xA060];
	[tilespmem:s7+$0x70] =	vst v0;
	s7 =	smov.u32 s12  }
0x119: {  	v0 =	vld [tilespmem:s7+$0xA070]  }
0x11a: {  	v6 =	vld [tilespmem:s7+$0x0]  }
0x11b: {  	v7 =	vld [tilespmem:s7+$0x10]  }
.Ltmp6:
0x11c: {  	v10 =	vld [tilespmem:s7+$0x20];
	(pc) =	sbr.rel @p0 .LBB2_13-.Ltmp6, $4  }
0x11d: {  	v9 =	vld [tilespmem:s7+$0x30]  }
0x11e: {  	v8 =	vld [tilespmem:s7+$0x40]  }
0x11f: {  	v12 =	vadd.f32 v12, v6;
	v6 =	vld [tilespmem:s7+$0x50]  }
0x120: {  	s8 =	sadd.s32 $0x200, s8;
	v11 =	vadd.f32 v11, v7;
	v7 =	vld [tilespmem:s7+$0x60]  }
0x121: {  	[tilespmem:s7+$0x0] =	vst v12;
	v5 =	vadd.f32 v5, v10;
	v63 =	vld [tilespmem:s7+$0x70]  }
0x122: {  	[tilespmem:s7+$0x10] =	vst v11;
	v4 =	vadd.f32 v4, v9  }
0x123: {  	[tilespmem:s7+$0x20] =	vst v5;
	v3 =	vadd.f32 v3, v8  }
0x124: {  	[tilespmem:s7+$0x30] =	vst v4;
	v2 =	vadd.f32 v2, v6  }
0x125: {  	[tilespmem:s7+$0x40] =	vst v3;
	v1 =	vadd.f32 v1, v7  }
0x126: {  	s28 =	sadd.s32 $0x1, s28;
	[tilespmem:s7+$0x50] =	vst v2;
	v0 =	vadd.f32 v0, v63  }
0x127: {  	p0 =	sne.s32 s28, s13;
	[tilespmem:s7+$0x60] =	vst v1  }
.Ltmp7:
0x128: {  	s30 =	rddreg [dreg:$0x5];
	[tilespmem:s7+$0x70] =	vst v0;
	(pc) =	sbr.rel @p0 .LBB2_1-.Ltmp7, $4  }
0x129: {  	[hbm4b:s30+s3] =	stream.linear.scatter [tilespmem:s3], [sflag:$0x9], $0x2800, $0x38;
	[tilespmem:$0x1C000] =	vst v63  }
0x12a: {  	_ =	swait.ge [sflag:s15], $0x2800  }
0x12b: {  	[sflag:s15] =	ssyncset.done $0x0  }
0x12c: {  	[sflag:s15] =	ssyncadd.s32 $0xFFFFD800  }
0x12d: {  	_ =	sfence.sel $0x180000  }
0x12e: {  	[bflag:$0x0] =	sbarrier.arrive $0xFFFF  }
0x12f: {  	_ =	strace $0x9000004A  }
0x130: {  	s0 =	stileid.u32;
	[bflag:$0x2] =	sbarrier.arrive $0xFFFF  }
0x131: {  	p0 =	sne.s32 s0, $0x0;
	s0 =	rddreg [dreg:$0x2]  }
0x132: {  	s0 =	sadd.s32 @!p0 $0x100000, s0  }
0x133: {  	[sflag:s0] =	ssyncadd.tile.s32 @!p0 $0x1;
	_ =	shalt  }
.Lfunc_end2:
_tile_overlayer_lowered:
.L_overlay_start_2:
0x134: {  	(tag) =	ssettag $0x2  }
0x135: {  	s0 =	rddreg [dreg:$0x0];
	s2 =	stileid.u32  }
0x136: {  	s1 =	rddreg [dreg:$0x1];
	p0 =	sne.s32 s2, $0x0  }
0x137: {  	s3 =	rddreg [dreg:$0x2];
	[bflag:$0x3] =	sbarrier.arrive $0xFFFF;
	s2 =	simm.s32 @!p0 $0x1C09  }
0x138: {  	[timem:s3], [sflag:s2] =	dma.local @!p0 [hbm:s0], s1  }
0x139: {  	s0 =	simm.s32 @!p0 $0x9  }
0x13a: {  	_ =	swait.ge @!p0 [sflag:s0], s1  }
0x13b: {  	s1 =	ssub.s32 @!p0 $0x0, s1;
	[sflag:s0] =	ssyncset.done @!p0 $0x0  }
0x13c: {  	[sflag:s0] =	ssyncadd.s32 @!p0 s1  }
0x13d: {  	[bflag:$0x3] =	sbarrier.arrive $0xFFFF  }
0x13e: {  	_ =	shalt  }

</sc_bundles>
